<compile_context>
chip_gen: v7x
topology: tpu7x:2x2x1
jax: 0.10.2.dev20260603
libtpu: 0.0.44.dev20260713+nightly
codegen_flags: <defaults>
</compile_context>

<pallas_src>
import functools

import jax
import jax.numpy as jnp
from jax import lax
from jax.experimental import pallas as pl
from jax.experimental.pallas import tpu as pltpu
from jax.experimental.pallas import tpu_sc as plsc

N = 10000
E = 160000
H = 128
NC = 2
NS = 16
NW = NC * NS
EPW = E // NW
CK = 128
NCH = 40
PAD = NCH * CK - EPW
NP = 10240
RPS = NP // NS
ZR = 128


def _mesh():
    return plsc.VectorSubcoreMesh(core_axis_name="c", subcore_axis_name="s",
                                  num_cores=NC, num_subcores=NS)


def _segsum_body(hp_hbm, src_hbm, dst_hbm, out_hbm,
                 src_v, dst_v, buf0, buf1, gsem0, gsem1, acc_sh):
    c = lax.axis_index("c")
    s = lax.axis_index("s")
    w = c * NS + s

    pltpu.sync_copy(src_hbm.at[pl.ds(w * NCH, NCH)], src_v)
    pltpu.sync_copy(dst_hbm.at[pl.ds(w * NCH, NCH)], dst_v)

    def fill(r, carry):
        for t in range(H // 16):
            buf0[r, pl.ds(t * 16, 16)] = jnp.zeros((16,), jnp.float32)
        return carry
    lax.fori_loop(0, ZR, fill, 0)

    def _wait(ref, sem):
        pltpu.make_async_copy(hp_hbm.at[pl.ds(0, CK)], ref, sem).wait()

    for t in range(RPS // ZR):
        pltpu.async_copy(buf0, acc_sh.at[pl.ds(s * RPS + t * ZR, ZR)], gsem0)
    for t in range(RPS // ZR):
        _wait(buf0, gsem0)
    pltpu.async_copy(hp_hbm.at[src_v.at[0]], buf0, gsem0)
    pltpu.async_copy(hp_hbm.at[src_v.at[1]], buf1, gsem1)
    plsc.subcore_barrier()

    def pair(j2, carry):
        j = 2 * j2
        _wait(buf0, gsem0)
        pltpu.sync_copy(buf0, acc_sh.at[dst_v.at[j]], add=True)

        @pl.when(j + 2 < NCH)
        def _():
            pltpu.async_copy(hp_hbm.at[src_v.at[j + 2]], buf0, gsem0)
        _wait(buf1, gsem1)
        pltpu.sync_copy(buf1, acc_sh.at[dst_v.at[j + 1]], add=True)

        @pl.when(j + 3 < NCH)
        def _():
            pltpu.async_copy(hp_hbm.at[src_v.at[j + 3]], buf1, gsem1)
        return carry
    lax.fori_loop(0, NCH // 2, pair, 0)
    plsc.subcore_barrier()

    pltpu.sync_copy(acc_sh.at[pl.ds(s * RPS, RPS)],
                    out_hbm.at[c, pl.ds(s * RPS, RPS)])


@functools.lru_cache(maxsize=None)
def _sc_kernels():
    segsum = pl.kernel(
        _segsum_body,
        out_type=jax.ShapeDtypeStruct((NC, NP, H), jnp.float32),
        mesh=_mesh(),
        scratch_types=[
            pltpu.VMEM((NCH, CK), jnp.int32),
            pltpu.VMEM((NCH, CK), jnp.int32),
            pltpu.VMEM((CK, H), jnp.float32),
            pltpu.VMEM((CK, H), jnp.float32),
            pltpu.SemaphoreType.DMA,
            pltpu.SemaphoreType.DMA,
            pltpu.VMEM_SHARED((NP, H), jnp.float32),
        ],
    )
    return segsum


def _mm_body(x_ref, w_ref, o_ref):
    o_ref[...] = jnp.dot(x_ref[...], w_ref[...],
                         preferred_element_type=jnp.float32)


def _matmul(x, w, bm):
    m, k = x.shape
    n = w.shape[1]
    return pl.pallas_call(
        _mm_body,
        grid=(m // bm,),
        in_specs=[pl.BlockSpec((bm, k), lambda i: (i, 0)),
                  pl.BlockSpec((k, n), lambda i: (0, 0))],
        out_specs=pl.BlockSpec((bm, n), lambda i: (i, 0)),
        out_shape=jax.ShapeDtypeStruct((m, n), jnp.float32),
    )(x, w)


def _t1_body(dp_ref, h1_ref, dis_ref, h1p_ref):
    deg = 1.0 + dp_ref[0, 0:N, 0:1] + dp_ref[1, 0:N, 0:1]
    dis = lax.rsqrt(deg)
    dis_ref[...] = dis
    h1p_ref[...] = h1_ref[...] * dis


def _t1(deg_parts, h1):
    return pl.pallas_call(
        _t1_body,
        out_shape=[jax.ShapeDtypeStruct((N, 1), jnp.float32),
                   jax.ShapeDtypeStruct((N, H), jnp.float32)],
    )(deg_parts, h1)


def _t2_body(sp_ref, hp_ref, dis_ref, b_ref, g_ref, be_ref, w_ref, o_ref):
    dis = dis_ref[...]
    pre = (sp_ref[0, 0:N, :] + sp_ref[1, 0:N, :] + hp_ref[...]) * dis \
        + b_ref[...]
    m = jnp.mean(pre, axis=0, keepdims=True)
    v = jnp.mean((pre - m) ** 2, axis=0, keepdims=True)
    act = jnp.maximum((pre - m) * lax.rsqrt(v + 1e-5) * g_ref[...]
                      + be_ref[...], 0.0)
    o_ref[...] = jnp.dot(act, w_ref[...],
                         preferred_element_type=jnp.float32) * dis


def _t2(sp, hp, dis, b, g, be, w_next):
    return pl.pallas_call(
        _t2_body,
        out_shape=jax.ShapeDtypeStruct((N, H), jnp.float32),
    )(sp, hp, dis, b.reshape(1, H), g.reshape(1, H), be.reshape(1, H),
      w_next)


def _t3_body(sp_ref, hp_ref, dis_ref, b_ref, g_ref, be_ref, wfc_ref,
             bfc_ref, o_ref):
    pre = (sp_ref[0, 0:N, :] + sp_ref[1, 0:N, :] + hp_ref[...]) \
        * dis_ref[...] + b_ref[...]
    m = jnp.mean(pre, axis=0, keepdims=True)
    v = jnp.mean((pre - m) ** 2, axis=0, keepdims=True)
    act = jnp.maximum((pre - m) * lax.rsqrt(v + 1e-5) * g_ref[...]
                      + be_ref[...], 0.0)
    hm = jnp.mean(act, axis=0, keepdims=True)
    o_ref[...] = jnp.dot(hm, wfc_ref[...],
                         preferred_element_type=jnp.float32) + bfc_ref[...]


def _t3(sp, hp, dis, b, g, be, wfc, bfc):
    cdim = wfc.shape[1]
    return pl.pallas_call(
        _t3_body,
        out_shape=jax.ShapeDtypeStruct((1, cdim), jnp.float32),
    )(sp, hp, dis, b.reshape(1, H), g.reshape(1, H), be.reshape(1, H),
      wfc, bfc.reshape(1, cdim))


def kernel(x, edge_index, W1, b1, g1, be1, W2, b2, g2, be2,
           W3, b3, g3, be3, Wfc, bfc):
    srcw = edge_index[0].reshape(NW, EPW)
    dstw = edge_index[1].reshape(NW, EPW)
    src2d = jnp.concatenate(
        [srcw, jnp.zeros((NW, PAD), jnp.int32)], axis=1).reshape(NW * NCH, CK)
    dst2d = jnp.concatenate(
        [dstw, jnp.full((NW, PAD), N, jnp.int32)], axis=1).reshape(NW * NCH, CK)

    segsum_kernel = _sc_kernels()
    ones_n = jnp.ones((N, H), jnp.float32)
    lin = (jnp.arange(NW * NCH, dtype=jnp.int32)[:, None] % 78) * CK \
        + jnp.arange(CK, dtype=jnp.int32)[None, :]
    deg_parts = segsum_kernel(ones_n, lin, dst2d)
    h1 = _matmul(x, W1, 1000)
    dis, h1p = _t1(deg_parts, h1)

    s1 = segsum_kernel(h1p, src2d, dst2d)
    h2p = _t2(s1, h1p, dis, b1, g1, be1, W2)
    s2 = segsum_kernel(h2p, src2d, dst2d)
    h3p = _t2(s2, h2p, dis, b2, g2, be2, W3)
    s3 = segsum_kernel(h3p, src2d, dst2d)
    return _t3(s3, h3p, dis, b3, g3, be3, Wfc, bfc)

# --- scband reference (transcript-rebuilt; emitter-appended) ---
"""Pipeline reference for scband-tree-gnn-15960098472361 (READ-ONLY COPY).

The authoritative reference and input builder live on the scoring server;
editing this copy changes nothing except your own understanding.
"""

import jax, jax.numpy as jnp
import numpy as np

N = 10000
E = 160000
IN_DIM = 417
H = 128
C = 3


def setup_inputs(seed: int = 0) -> dict:
    key = jax.random.key(seed)
    ks = jax.random.split(key, 12)
    x = jax.random.normal(ks[0], (N, IN_DIM), dtype=jnp.float32)
    edge_index = jax.random.randint(ks[1], (2, E), 0, N, dtype=jnp.int32)
    W1 = jax.random.normal(ks[2], (IN_DIM, H), dtype=jnp.float32) * (1.0 / np.sqrt(IN_DIM))
    b1 = jnp.zeros((H,), dtype=jnp.float32)
    W2 = jax.random.normal(ks[3], (H, H), dtype=jnp.float32) * (1.0 / np.sqrt(H))
    b2 = jnp.zeros((H,), dtype=jnp.float32)
    W3 = jax.random.normal(ks[4], (H, H), dtype=jnp.float32) * (1.0 / np.sqrt(H))
    b3 = jnp.zeros((H,), dtype=jnp.float32)
    g1 = jnp.ones((H,), dtype=jnp.float32); be1 = jnp.zeros((H,), dtype=jnp.float32)
    g2 = jnp.ones((H,), dtype=jnp.float32); be2 = jnp.zeros((H,), dtype=jnp.float32)
    g3 = jnp.ones((H,), dtype=jnp.float32); be3 = jnp.zeros((H,), dtype=jnp.float32)
    Wfc = jax.random.normal(ks[5], (H, C), dtype=jnp.float32) * (1.0 / np.sqrt(H))
    bfc = jnp.zeros((C,), dtype=jnp.float32)
    return {"x": x, "edge_index": edge_index,
            "W1": W1, "b1": b1, "g1": g1, "be1": be1,
            "W2": W2, "b2": b2, "g2": g2, "be2": be2,
            "W3": W3, "b3": b3, "g3": g3, "be3": be3,
            "Wfc": Wfc, "bfc": bfc}


def _gcn_conv(x, edge_index, W, b):
    # GCNConv with self-loops and symmetric normalization (PyG semantics)
    loop = jnp.arange(N, dtype=edge_index.dtype)
    src = jnp.concatenate([edge_index[0], loop])
    dst = jnp.concatenate([edge_index[1], loop])
    h = x @ W
    deg = jnp.zeros((N,), dtype=jnp.float32).at[dst].add(1.0)
    dis = jax.lax.rsqrt(deg)  # deg >= 1 because of self-loops
    norm = dis[src] * dis[dst]
    msg = h[src] * norm[:, None]
    out = jnp.zeros((N, W.shape[1]), dtype=jnp.float32).at[dst].add(msg)
    return out + b


def _batch_norm(x, g, b, eps=1e-5):
    m = x.mean(axis=0)
    v = x.var(axis=0)
    return (x - m) / jnp.sqrt(v + eps) * g + b


def reference(x, edge_index, W1, b1, g1, be1, W2, b2, g2, be2, W3, b3, g3, be3, Wfc, bfc):
    h = jax.nn.relu(_batch_norm(_gcn_conv(x, edge_index, W1, b1), g1, be1))
    h = jax.nn.relu(_batch_norm(_gcn_conv(h, edge_index, W2, b2), g2, be2))
    h = jax.nn.relu(_batch_norm(_gcn_conv(h, edge_index, W3, b3), g3, be3))
    h = h.mean(axis=0, keepdims=True)
    out = h @ Wfc + bfc
    return out

if __name__ == "__main__":
    import jax
    _d = setup_inputs()
    print(jax.jit(kernel)(*tuple(_d.values())))

</pallas_src>

<mosaic_0001>
#map = affine_map<(d0, d1) -> (0, 0)>
#map1 = affine_map<(d0, d1) -> (0, 0, 0)>
module attributes {stable_mosaic.version = 14 : i64} {
  func.func @_segsum_body(%arg0: i32, %arg1: i32, %arg2: memref<10000x128xf32, #tpu.memory_space<hbm>>, %arg3: memref<1280x128xi32, #tpu.memory_space<hbm>>, %arg4: memref<1280x128xi32, #tpu.memory_space<hbm>>, %arg5: memref<2x10240x128xf32, #tpu.memory_space<hbm>>, %arg6: memref<40x128xi32, #tpu.memory_space<vmem>>, %arg7: memref<40x128xi32, #tpu.memory_space<vmem>>, %arg8: memref<128x128xf32, #tpu.memory_space<vmem>>, %arg9: memref<128x128xf32, #tpu.memory_space<vmem>>, %arg10: memref<!tpu.dma_semaphore, #tpu.memory_space<semaphore_mem>>, %arg11: memref<!tpu.dma_semaphore, #tpu.memory_space<semaphore_mem>>, %arg12: memref<10240x128xf32, #tpu.memory_space<vmem_shared>>) attributes {dimension_semantics = [#tpu.dimension_semantics<core_parallel>, #tpu.dimension_semantics<subcore_parallel>], iteration_bounds = array<i64: 2, 16>, scalar_prefetch = 0 : i64, scratch_operands = 7 : i64, tpu.core_type = #tpu.core_type<sc_vector_subcore>, window_params = [{transform_indices = #map}, {transform_indices = #map}, {transform_indices = #map}, {transform_indices = #map1}]} {
    %mul3A = arith.constant 16 : i32
    %mul3A_0 = arith.muli %arg0, %mul3A : i32
    %add3A = arith.addi %mul3A_0, %arg1 : i32
    %mul3A_1 = arith.constant 40 : i32
    %mul3A_2 = arith.muli %add3A, %mul3A_1 : i32
    "tpu.region"() ({
      %run_scoped3A = tpu.sem_alloc : memref<!tpu.dma_semaphore, #tpu.memory_space<semaphore_mem>>
      %dma_start3A_103 = arith.constant 0 : i32
      %dma_start3A_104 = tpu.memref_slice %arg3[%mul3A_2, %dma_start3A_103] : memref<1280x128xi32, #tpu.memory_space<hbm>> -> memref<40x128xi32, #tpu.memory_space<hbm>>
      %dma_start3A_105 = arith.constant 0 : i32
      %dma_start3A_106 = tpu.memref_slice %arg3[%mul3A_2, %dma_start3A_105] : memref<1280x128xi32, #tpu.memory_space<hbm>> -> memref<40x128xi32, #tpu.memory_space<hbm>>
      tpu.enqueue_dma source(%dma_start3A_106 : memref<40x128xi32, #tpu.memory_space<hbm>>) target(%arg6 : memref<40x128xi32, #tpu.memory_space<vmem>>) target_semaphore(%run_scoped3A : memref<!tpu.dma_semaphore, #tpu.memory_space<semaphore_mem>>)
      %dma_wait3A_107 = arith.constant 0 : i32
      %dma_wait3A_108 = tpu.memref_slice %arg3[%mul3A_2, %dma_wait3A_107] : memref<1280x128xi32, #tpu.memory_space<hbm>> -> memref<40x128xi32, #tpu.memory_space<hbm>>
      %dma_wait3A_109 = arith.constant 0 : i32
      %dma_wait3A_110 = tpu.memref_slice %arg3[%mul3A_2, %dma_wait3A_109] : memref<1280x128xi32, #tpu.memory_space<hbm>> -> memref<40x128xi32, #tpu.memory_space<hbm>>
      tpu.wait_dma2 semaphore(%run_scoped3A : memref<!tpu.dma_semaphore, #tpu.memory_space<semaphore_mem>>) src(%dma_wait3A_110 : memref<40x128xi32, #tpu.memory_space<hbm>>) dst(%arg6 : memref<40x128xi32, #tpu.memory_space<vmem>>)
      tpu.yield
    }) : () -> ()
    %mul3A_3 = arith.constant 40 : i32
    %mul3A_4 = arith.muli %add3A, %mul3A_3 : i32
    "tpu.region"() ({
      %run_scoped3A = tpu.sem_alloc : memref<!tpu.dma_semaphore, #tpu.memory_space<semaphore_mem>>
      %dma_start3A_103 = arith.constant 0 : i32
      %dma_start3A_104 = tpu.memref_slice %arg4[%mul3A_4, %dma_start3A_103] : memref<1280x128xi32, #tpu.memory_space<hbm>> -> memref<40x128xi32, #tpu.memory_space<hbm>>
      %dma_start3A_105 = arith.constant 0 : i32
      %dma_start3A_106 = tpu.memref_slice %arg4[%mul3A_4, %dma_start3A_105] : memref<1280x128xi32, #tpu.memory_space<hbm>> -> memref<40x128xi32, #tpu.memory_space<hbm>>
      tpu.enqueue_dma source(%dma_start3A_106 : memref<40x128xi32, #tpu.memory_space<hbm>>) target(%arg7 : memref<40x128xi32, #tpu.memory_space<vmem>>) target_semaphore(%run_scoped3A : memref<!tpu.dma_semaphore, #tpu.memory_space<semaphore_mem>>)
      %dma_wait3A_107 = arith.constant 0 : i32
      %dma_wait3A_108 = tpu.memref_slice %arg4[%mul3A_4, %dma_wait3A_107] : memref<1280x128xi32, #tpu.memory_space<hbm>> -> memref<40x128xi32, #tpu.memory_space<hbm>>
      %dma_wait3A_109 = arith.constant 0 : i32
      %dma_wait3A_110 = tpu.memref_slice %arg4[%mul3A_4, %dma_wait3A_109] : memref<1280x128xi32, #tpu.memory_space<hbm>> -> memref<40x128xi32, #tpu.memory_space<hbm>>
      tpu.wait_dma2 semaphore(%run_scoped3A : memref<!tpu.dma_semaphore, #tpu.memory_space<semaphore_mem>>) src(%dma_wait3A_110 : memref<40x128xi32, #tpu.memory_space<hbm>>) dst(%arg7 : memref<40x128xi32, #tpu.memory_space<vmem>>)
      tpu.yield
    }) : () -> ()
    %scan3A = arith.constant 0 : i32
    %scan3A_5 = arith.constant 0 : i32
    %scan3A_6 = arith.constant 128 : i32
    %scan3A_7 = arith.addi %scan3A_5, %scan3A_6 : i32
    %scan3A_8 = arith.constant 1 : i32
    scf.for %scan3A_103 = %scan3A_5 to %scan3A_7 step %scan3A_8  : i32 {
      %broadcast_in_dim3A = arith.constant 0.000000e+00 : f32
      %broadcast_in_dim3A_104 = vector.broadcast %broadcast_in_dim3A : f32 to vector<16xf32>
      %swap3A = arith.index_cast %scan3A_103 : i32 to index
      %swap3A_105 = arith.constant 0 : index
      %swap3A_106 = tpu.vector_load %arg8[%swap3A, %swap3A_105] {strides = array<i32>} : memref<128x128xf32, #tpu.memory_space<vmem>>, vector<1x16xf32>,
      %swap3A_107 = vector.shape_cast %swap3A_106 : vector<1x16xf32> to vector<16xf32>
      %swap3A_108 = vector.shape_cast %broadcast_in_dim3A_104 : vector<16xf32> to vector<1x16xf32>
      tpu.vector_store %arg8[%swap3A, %swap3A_105], %swap3A_108 {strides = array<i32>} : memref<128x128xf32, #tpu.memory_space<vmem>>, vector<1x16xf32>,
      %broadcast_in_dim3A_109 = arith.constant 0.000000e+00 : f32
      %broadcast_in_dim3A_110 = vector.broadcast %broadcast_in_dim3A_109 : f32 to vector<16xf32>
      %swap3A_111 = arith.index_cast %scan3A_103 : i32 to index
      %swap3A_112 = arith.constant 16 : index
      %swap3A_113 = tpu.vector_load %arg8[%swap3A_111, %swap3A_112] {strides = array<i32>} : memref<128x128xf32, #tpu.memory_space<vmem>>, vector<1x16xf32>,
      %swap3A_114 = vector.shape_cast %swap3A_113 : vector<1x16xf32> to vector<16xf32>
      %swap3A_115 = vector.shape_cast %broadcast_in_dim3A_110 : vector<16xf32> to vector<1x16xf32>
      tpu.vector_store %arg8[%swap3A_111, %swap3A_112], %swap3A_115 {strides = array<i32>} : memref<128x128xf32, #tpu.memory_space<vmem>>, vector<1x16xf32>,
      %broadcast_in_dim3A_116 = arith.constant 0.000000e+00 : f32
      %broadcast_in_dim3A_117 = vector.broadcast %broadcast_in_dim3A_116 : f32 to vector<16xf32>
      %swap3A_118 = arith.index_cast %scan3A_103 : i32 to index
      %swap3A_119 = arith.constant 32 : index
      %swap3A_120 = tpu.vector_load %arg8[%swap3A_118, %swap3A_119] {strides = array<i32>} : memref<128x128xf32, #tpu.memory_space<vmem>>, vector<1x16xf32>,
      %swap3A_121 = vector.shape_cast %swap3A_120 : vector<1x16xf32> to vector<16xf32>
      %swap3A_122 = vector.shape_cast %broadcast_in_dim3A_117 : vector<16xf32> to vector<1x16xf32>
      tpu.vector_store %arg8[%swap3A_118, %swap3A_119], %swap3A_122 {strides = array<i32>} : memref<128x128xf32, #tpu.memory_space<vmem>>, vector<1x16xf32>,
      %broadcast_in_dim3A_123 = arith.constant 0.000000e+00 : f32
      %broadcast_in_dim3A_124 = vector.broadcast %broadcast_in_dim3A_123 : f32 to vector<16xf32>
      %swap3A_125 = arith.index_cast %scan3A_103 : i32 to index
      %swap3A_126 = arith.constant 48 : index
      %swap3A_127 = tpu.vector_load %arg8[%swap3A_125, %swap3A_126] {strides = array<i32>} : memref<128x128xf32, #tpu.memory_space<vmem>>, vector<1x16xf32>,
      %swap3A_128 = vector.shape_cast %swap3A_127 : vector<1x16xf32> to vector<16xf32>
      %swap3A_129 = vector.shape_cast %broadcast_in_dim3A_124 : vector<16xf32> to vector<1x16xf32>
      tpu.vector_store %arg8[%swap3A_125, %swap3A_126], %swap3A_129 {strides = array<i32>} : memref<128x128xf32, #tpu.memory_space<vmem>>, vector<1x16xf32>,
      %broadcast_in_dim3A_130 = arith.constant 0.000000e+00 : f32
      %broadcast_in_dim3A_131 = vector.broadcast %broadcast_in_dim3A_130 : f32 to vector<16xf32>
      %swap3A_132 = arith.index_cast %scan3A_103 : i32 to index
      %swap3A_133 = arith.constant 64 : index
      %swap3A_134 = tpu.vector_load %arg8[%swap3A_132, %swap3A_133] {strides = array<i32>} : memref<128x128xf32, #tpu.memory_space<vmem>>, vector<1x16xf32>,
      %swap3A_135 = vector.shape_cast %swap3A_134 : vector<1x16xf32> to vector<16xf32>
      %swap3A_136 = vector.shape_cast %broadcast_in_dim3A_131 : vector<16xf32> to vector<1x16xf32>
      tpu.vector_store %arg8[%swap3A_132, %swap3A_133], %swap3A_136 {strides = array<i32>} : memref<128x128xf32, #tpu.memory_space<vmem>>, vector<1x16xf32>,
      %broadcast_in_dim3A_137 = arith.constant 0.000000e+00 : f32
      %broadcast_in_dim3A_138 = vector.broadcast %broadcast_in_dim3A_137 : f32 to vector<16xf32>
      %swap3A_139 = arith.index_cast %scan3A_103 : i32 to index
      %swap3A_140 = arith.constant 80 : index
      %swap3A_141 = tpu.vector_load %arg8[%swap3A_139, %swap3A_140] {strides = array<i32>} : memref<128x128xf32, #tpu.memory_space<vmem>>, vector<1x16xf32>,
      %swap3A_142 = vector.shape_cast %swap3A_141 : vector<1x16xf32> to vector<16xf32>
      %swap3A_143 = vector.shape_cast %broadcast_in_dim3A_138 : vector<16xf32> to vector<1x16xf32>
      tpu.vector_store %arg8[%swap3A_139, %swap3A_140], %swap3A_143 {strides = array<i32>} : memref<128x128xf32, #tpu.memory_space<vmem>>, vector<1x16xf32>,
      %broadcast_in_dim3A_144 = arith.constant 0.000000e+00 : f32
      %broadcast_in_dim3A_145 = vector.broadcast %broadcast_in_dim3A_144 : f32 to vector<16xf32>
      %swap3A_146 = arith.index_cast %scan3A_103 : i32 to index
      %swap3A_147 = arith.constant 96 : index
      %swap3A_148 = tpu.vector_load %arg8[%swap3A_146, %swap3A_147] {strides = array<i32>} : memref<128x128xf32, #tpu.memory_space<vmem>>, vector<1x16xf32>,
      %swap3A_149 = vector.shape_cast %swap3A_148 : vector<1x16xf32> to vector<16xf32>
      %swap3A_150 = vector.shape_cast %broadcast_in_dim3A_145 : vector<16xf32> to vector<1x16xf32>
      tpu.vector_store %arg8[%swap3A_146, %swap3A_147], %swap3A_150 {strides = array<i32>} : memref<128x128xf32, #tpu.memory_space<vmem>>, vector<1x16xf32>,
      %broadcast_in_dim3A_151 = arith.constant 0.000000e+00 : f32
      %broadcast_in_dim3A_152 = vector.broadcast %broadcast_in_dim3A_151 : f32 to vector<16xf32>
      %swap3A_153 = arith.index_cast %scan3A_103 : i32 to index
      %swap3A_154 = arith.constant 112 : index
      %swap3A_155 = tpu.vector_load %arg8[%swap3A_153, %swap3A_154] {strides = array<i32>} : memref<128x128xf32, #tpu.memory_space<vmem>>, vector<1x16xf32>,
      %swap3A_156 = vector.shape_cast %swap3A_155 : vector<1x16xf32> to vector<16xf32>
      %swap3A_157 = vector.shape_cast %broadcast_in_dim3A_152 : vector<16xf32> to vector<1x16xf32>
      tpu.vector_store %arg8[%swap3A_153, %swap3A_154], %swap3A_157 {strides = array<i32>} : memref<128x128xf32, #tpu.memory_space<vmem>>, vector<1x16xf32>,
    }
    %scan3A_9 = arith.constant 128 : i32
    %mul3A_10 = arith.constant 640 : i32
    %mul3A_11 = arith.muli %arg1, %mul3A_10 : i32
    %add3A_12 = arith.constant 0 : i32
    %add3A_13 = arith.addi %mul3A_11, %add3A_12 : i32
    %dma_start3A = arith.constant 0 : i32
    %dma_start3A_14 = tpu.memref_slice %arg12[%add3A_13, %dma_start3A] : memref<10240x128xf32, #tpu.memory_space<vmem_shared>> -> memref<128x128xf32, #tpu.memory_space<vmem_shared>>
    %dma_start3A_15 = arith.constant 0 : i32
    %dma_start3A_16 = tpu.memref_slice %arg12[%add3A_13, %dma_start3A_15] : memref<10240x128xf32, #tpu.memory_space<vmem_shared>> -> memref<128x128xf32, #tpu.memory_space<vmem_shared>>
    tpu.enqueue_dma source(%arg8 : memref<128x128xf32, #tpu.memory_space<vmem>>) target(%dma_start3A_16 : memref<128x128xf32, #tpu.memory_space<vmem_shared>>) target_semaphore(%arg10 : memref<!tpu.dma_semaphore, #tpu.memory_space<semaphore_mem>>)
    %mul3A_17 = arith.constant 640 : i32
    %mul3A_18 = arith.muli %arg1, %mul3A_17 : i32
    %add3A_19 = arith.constant 128 : i32
    %add3A_20 = arith.addi %mul3A_18, %add3A_19 : i32
    %dma_start3A_21 = arith.constant 0 : i32
    %dma_start3A_22 = tpu.memref_slice %arg12[%add3A_20, %dma_start3A_21] : memref<10240x128xf32, #tpu.memory_space<vmem_shared>> -> memref<128x128xf32, #tpu.memory_space<vmem_shared>>
    %dma_start3A_23 = arith.constant 0 : i32
    %dma_start3A_24 = tpu.memref_slice %arg12[%add3A_20, %dma_start3A_23] : memref<10240x128xf32, #tpu.memory_space<vmem_shared>> -> memref<128x128xf32, #tpu.memory_space<vmem_shared>>
    tpu.enqueue_dma source(%arg8 : memref<128x128xf32, #tpu.memory_space<vmem>>) target(%dma_start3A_24 : memref<128x128xf32, #tpu.memory_space<vmem_shared>>) target_semaphore(%arg10 : memref<!tpu.dma_semaphore, #tpu.memory_space<semaphore_mem>>)
    %mul3A_25 = arith.constant 640 : i32
    %mul3A_26 = arith.muli %arg1, %mul3A_25 : i32
    %add3A_27 = arith.constant 256 : i32
    %add3A_28 = arith.addi %mul3A_26, %add3A_27 : i32
    %dma_start3A_29 = arith.constant 0 : i32
    %dma_start3A_30 = tpu.memref_slice %arg12[%add3A_28, %dma_start3A_29] : memref<10240x128xf32, #tpu.memory_space<vmem_shared>> -> memref<128x128xf32, #tpu.memory_space<vmem_shared>>
    %dma_start3A_31 = arith.constant 0 : i32
    %dma_start3A_32 = tpu.memref_slice %arg12[%add3A_28, %dma_start3A_31] : memref<10240x128xf32, #tpu.memory_space<vmem_shared>> -> memref<128x128xf32, #tpu.memory_space<vmem_shared>>
    tpu.enqueue_dma source(%arg8 : memref<128x128xf32, #tpu.memory_space<vmem>>) target(%dma_start3A_32 : memref<128x128xf32, #tpu.memory_space<vmem_shared>>) target_semaphore(%arg10 : memref<!tpu.dma_semaphore, #tpu.memory_space<semaphore_mem>>)
    %mul3A_33 = arith.constant 640 : i32
    %mul3A_34 = arith.muli %arg1, %mul3A_33 : i32
    %add3A_35 = arith.constant 384 : i32
    %add3A_36 = arith.addi %mul3A_34, %add3A_35 : i32
    %dma_start3A_37 = arith.constant 0 : i32
    %dma_start3A_38 = tpu.memref_slice %arg12[%add3A_36, %dma_start3A_37] : memref<10240x128xf32, #tpu.memory_space<vmem_shared>> -> memref<128x128xf32, #tpu.memory_space<vmem_shared>>
    %dma_start3A_39 = arith.constant 0 : i32
    %dma_start3A_40 = tpu.memref_slice %arg12[%add3A_36, %dma_start3A_39] : memref<10240x128xf32, #tpu.memory_space<vmem_shared>> -> memref<128x128xf32, #tpu.memory_space<vmem_shared>>
    tpu.enqueue_dma source(%arg8 : memref<128x128xf32, #tpu.memory_space<vmem>>) target(%dma_start3A_40 : memref<128x128xf32, #tpu.memory_space<vmem_shared>>) target_semaphore(%arg10 : memref<!tpu.dma_semaphore, #tpu.memory_space<semaphore_mem>>)
    %mul3A_41 = arith.constant 640 : i32
    %mul3A_42 = arith.muli %arg1, %mul3A_41 : i32
    %add3A_43 = arith.constant 512 : i32
    %add3A_44 = arith.addi %mul3A_42, %add3A_43 : i32
    %dma_start3A_45 = arith.constant 0 : i32
    %dma_start3A_46 = tpu.memref_slice %arg12[%add3A_44, %dma_start3A_45] : memref<10240x128xf32, #tpu.memory_space<vmem_shared>> -> memref<128x128xf32, #tpu.memory_space<vmem_shared>>
    %dma_start3A_47 = arith.constant 0 : i32
    %dma_start3A_48 = tpu.memref_slice %arg12[%add3A_44, %dma_start3A_47] : memref<10240x128xf32, #tpu.memory_space<vmem_shared>> -> memref<128x128xf32, #tpu.memory_space<vmem_shared>>
    tpu.enqueue_dma source(%arg8 : memref<128x128xf32, #tpu.memory_space<vmem>>) target(%dma_start3A_48 : memref<128x128xf32, #tpu.memory_space<vmem_shared>>) target_semaphore(%arg10 : memref<!tpu.dma_semaphore, #tpu.memory_space<semaphore_mem>>)
    %dma_wait3A = arith.constant 0 : i32
    %dma_wait3A_49 = arith.constant 0 : i32
    %dma_wait3A_50 = tpu.memref_slice %arg2[%dma_wait3A, %dma_wait3A_49] : memref<10000x128xf32, #tpu.memory_space<hbm>> -> memref<128x128xf32, #tpu.memory_space<hbm>>
    %dma_wait3A_51 = arith.constant 0 : i32
    %dma_wait3A_52 = arith.constant 0 : i32
    %dma_wait3A_53 = tpu.memref_slice %arg2[%dma_wait3A_51, %dma_wait3A_52] : memref<10000x128xf32, #tpu.memory_space<hbm>> -> memref<128x128xf32, #tpu.memory_space<hbm>>
    tpu.wait_dma2 semaphore(%arg10 : memref<!tpu.dma_semaphore, #tpu.memory_space<semaphore_mem>>) src(%dma_wait3A_53 : memref<128x128xf32, #tpu.memory_space<hbm>>) dst(%arg8 : memref<128x128xf32, #tpu.memory_space<vmem>>)
    %dma_wait3A_54 = arith.constant 0 : i32
    %dma_wait3A_55 = arith.constant 0 : i32
    %dma_wait3A_56 = tpu.memref_slice %arg2[%dma_wait3A_54, %dma_wait3A_55] : memref<10000x128xf32, #tpu.memory_space<hbm>> -> memref<128x128xf32, #tpu.memory_space<hbm>>
    %dma_wait3A_57 = arith.constant 0 : i32
    %dma_wait3A_58 = arith.constant 0 : i32
    %dma_wait3A_59 = tpu.memref_slice %arg2[%dma_wait3A_57, %dma_wait3A_58] : memref<10000x128xf32, #tpu.memory_space<hbm>> -> memref<128x128xf32, #tpu.memory_space<hbm>>
    tpu.wait_dma2 semaphore(%arg10 : memref<!tpu.dma_semaphore, #tpu.memory_space<semaphore_mem>>) src(%dma_wait3A_59 : memref<128x128xf32, #tpu.memory_space<hbm>>) dst(%arg8 : memref<128x128xf32, #tpu.memory_space<vmem>>)
    %dma_wait3A_60 = arith.constant 0 : i32
    %dma_wait3A_61 = arith.constant 0 : i32
    %dma_wait3A_62 = tpu.memref_slice %arg2[%dma_wait3A_60, %dma_wait3A_61] : memref<10000x128xf32, #tpu.memory_space<hbm>> -> memref<128x128xf32, #tpu.memory_space<hbm>>
    %dma_wait3A_63 = arith.constant 0 : i32
    %dma_wait3A_64 = arith.constant 0 : i32
    %dma_wait3A_65 = tpu.memref_slice %arg2[%dma_wait3A_63, %dma_wait3A_64] : memref<10000x128xf32, #tpu.memory_space<hbm>> -> memref<128x128xf32, #tpu.memory_space<hbm>>
    tpu.wait_dma2 semaphore(%arg10 : memref<!tpu.dma_semaphore, #tpu.memory_space<semaphore_mem>>) src(%dma_wait3A_65 : memref<128x128xf32, #tpu.memory_space<hbm>>) dst(%arg8 : memref<128x128xf32, #tpu.memory_space<vmem>>)
    %dma_wait3A_66 = arith.constant 0 : i32
    %dma_wait3A_67 = arith.constant 0 : i32
    %dma_wait3A_68 = tpu.memref_slice %arg2[%dma_wait3A_66, %dma_wait3A_67] : memref<10000x128xf32, #tpu.memory_space<hbm>> -> memref<128x128xf32, #tpu.memory_space<hbm>>
    %dma_wait3A_69 = arith.constant 0 : i32
    %dma_wait3A_70 = arith.constant 0 : i32
    %dma_wait3A_71 = tpu.memref_slice %arg2[%dma_wait3A_69, %dma_wait3A_70] : memref<10000x128xf32, #tpu.memory_space<hbm>> -> memref<128x128xf32, #tpu.memory_space<hbm>>
    tpu.wait_dma2 semaphore(%arg10 : memref<!tpu.dma_semaphore, #tpu.memory_space<semaphore_mem>>) src(%dma_wait3A_71 : memref<128x128xf32, #tpu.memory_space<hbm>>) dst(%arg8 : memref<128x128xf32, #tpu.memory_space<vmem>>)
    %dma_wait3A_72 = arith.constant 0 : i32
    %dma_wait3A_73 = arith.constant 0 : i32
    %dma_wait3A_74 = tpu.memref_slice %arg2[%dma_wait3A_72, %dma_wait3A_73] : memref<10000x128xf32, #tpu.memory_space<hbm>> -> memref<128x128xf32, #tpu.memory_space<hbm>>
    %dma_wait3A_75 = arith.constant 0 : i32
    %dma_wait3A_76 = arith.constant 0 : i32
    %dma_wait3A_77 = tpu.memref_slice %arg2[%dma_wait3A_75, %dma_wait3A_76] : memref<10000x128xf32, #tpu.memory_space<hbm>> -> memref<128x128xf32, #tpu.memory_space<hbm>>
    tpu.wait_dma2 semaphore(%arg10 : memref<!tpu.dma_semaphore, #tpu.memory_space<semaphore_mem>>) src(%dma_wait3A_77 : memref<128x128xf32, #tpu.memory_space<hbm>>) dst(%arg8 : memref<128x128xf32, #tpu.memory_space<vmem>>)
    %dma_start3A_78 = arith.constant 0 : i32
    %dma_start3A_79 = arith.constant 0 : i32
    %dma_start3A_80 = tpu.memref_slice %arg6[%dma_start3A_78, %dma_start3A_79] : memref<40x128xi32, #tpu.memory_space<vmem>> -> memref<1x128xi32, #tpu.memory_space<vmem>>
    %dma_start3A_81 = tpu.memref_squeeze %dma_start3A_80 : memref<1x128xi32, #tpu.memory_space<vmem>> -> memref<128xi32, #tpu.memory_space<vmem>>
    %dma_start3A_82 = arith.constant 0 : i32
    %dma_start3A_83 = arith.constant 0 : i32
    %dma_start3A_84 = tpu.memref_slice %arg2[%dma_start3A_82, %dma_start3A_83] : memref<10000x128xf32, #tpu.memory_space<hbm>> -> memref<10000x128xf32, #tpu.memory_space<hbm>>
    tpu.enqueue_indirect_dma source(%dma_start3A_84 : memref<10000x128xf32, #tpu.memory_space<hbm>>) target(%arg8 : memref<128x128xf32, #tpu.memory_space<vmem>>) offsets(%dma_start3A_81 : memref<128xi32, #tpu.memory_space<vmem>>) semaphore(%arg10 : memref<!tpu.dma_semaphore, #tpu.memory_space<semaphore_mem>>)
    %dma_start3A_85 = arith.constant 1 : i32
    %dma_start3A_86 = arith.constant 0 : i32
    %dma_start3A_87 = tpu.memref_slice %arg6[%dma_start3A_85, %dma_start3A_86] : memref<40x128xi32, #tpu.memory_space<vmem>> -> memref<1x128xi32, #tpu.memory_space<vmem>>
    %dma_start3A_88 = tpu.memref_squeeze %dma_start3A_87 : memref<1x128xi32, #tpu.memory_space<vmem>> -> memref<128xi32, #tpu.memory_space<vmem>>
    %dma_start3A_89 = arith.constant 0 : i32
    %dma_start3A_90 = arith.constant 0 : i32
    %dma_start3A_91 = tpu.memref_slice %arg2[%dma_start3A_89, %dma_start3A_90] : memref<10000x128xf32, #tpu.memory_space<hbm>> -> memref<10000x128xf32, #tpu.memory_space<hbm>>
    tpu.enqueue_indirect_dma source(%dma_start3A_91 : memref<10000x128xf32, #tpu.memory_space<hbm>>) target(%arg9 : memref<128x128xf32, #tpu.memory_space<vmem>>) offsets(%dma_start3A_88 : memref<128xi32, #tpu.memory_space<vmem>>) semaphore(%arg11 : memref<!tpu.dma_semaphore, #tpu.memory_space<semaphore_mem>>)
    %barrier3A = arith.constant 0 : index
    tpu.barrier barrier_id(%barrier3A)
    %scan3A_92 = arith.constant 0 : i32
    %scan3A_93 = arith.constant 0 : i32
    %scan3A_94 = arith.constant 20 : i32
    %scan3A_95 = arith.addi %scan3A_93, %scan3A_94 : i32
    %scan3A_96 = arith.constant 1 : i32
    scf.for %scan3A_103 = %scan3A_93 to %scan3A_95 step %scan3A_96  : i32 {
      %mul3A_104 = arith.constant 2 : i32
      %mul3A_105 = arith.muli %mul3A_104, %scan3A_103 : i32
      %dma_wait3A_106 = arith.constant 0 : i32
      %dma_wait3A_107 = arith.constant 0 : i32
      %dma_wait3A_108 = tpu.memref_slice %arg2[%dma_wait3A_106, %dma_wait3A_107] : memref<10000x128xf32, #tpu.memory_space<hbm>> -> memref<128x128xf32, #tpu.memory_space<hbm>>
      %dma_wait3A_109 = arith.constant 0 : i32
      %dma_wait3A_110 = arith.constant 0 : i32
      %dma_wait3A_111 = tpu.memref_slice %arg2[%dma_wait3A_109, %dma_wait3A_110] : memref<10000x128xf32, #tpu.memory_space<hbm>> -> memref<128x128xf32, #tpu.memory_space<hbm>>
      tpu.wait_dma2 semaphore(%arg10 : memref<!tpu.dma_semaphore, #tpu.memory_space<semaphore_mem>>) src(%dma_wait3A_111 : memref<128x128xf32, #tpu.memory_space<hbm>>) dst(%arg8 : memref<128x128xf32, #tpu.memory_space<vmem>>)
      "tpu.region"() ({
        %run_scoped3A = tpu.sem_alloc : memref<!tpu.dma_semaphore, #tpu.memory_space<semaphore_mem>>
        %dma_start3A_131 = arith.constant 0 : i32
        %dma_start3A_132 = tpu.memref_slice %arg7[%mul3A_105, %dma_start3A_131] : memref<40x128xi32, #tpu.memory_space<vmem>> -> memref<1x128xi32, #tpu.memory_space<vmem>>
        %dma_start3A_133 = tpu.memref_squeeze %dma_start3A_132 : memref<1x128xi32, #tpu.memory_space<vmem>> -> memref<128xi32, #tpu.memory_space<vmem>>
        %dma_start3A_134 = arith.constant 0 : i32
        %dma_start3A_135 = arith.constant 0 : i32
        %dma_start3A_136 = tpu.memref_slice %arg12[%dma_start3A_134, %dma_start3A_135] : memref<10240x128xf32, #tpu.memory_space<vmem_shared>> -> memref<10240x128xf32, #tpu.memory_space<vmem_shared>>
        tpu.enqueue_indirect_dma source(%arg8 : memref<128x128xf32, #tpu.memory_space<vmem>>) target(%dma_start3A_136 : memref<10240x128xf32, #tpu.memory_space<vmem_shared>>) offsets(%dma_start3A_133 : memref<128xi32, #tpu.memory_space<vmem>>) semaphore(%run_scoped3A : memref<!tpu.dma_semaphore, #tpu.memory_space<semaphore_mem>>) {add = true}
        %dma_wait3A_137 = arith.constant 0 : i32
        %dma_wait3A_138 = tpu.memref_slice %arg7[%mul3A_105, %dma_wait3A_137] : memref<40x128xi32, #tpu.memory_space<vmem>> -> memref<1x128xi32, #tpu.memory_space<vmem>>
        %dma_wait3A_139 = tpu.memref_squeeze %dma_wait3A_138 : memref<1x128xi32, #tpu.memory_space<vmem>> -> memref<128xi32, #tpu.memory_space<vmem>>
        %dma_wait3A_140 = arith.constant 0 : i32
        %dma_wait3A_141 = arith.constant 0 : i32
        %dma_wait3A_142 = tpu.memref_slice %arg12[%dma_wait3A_140, %dma_wait3A_141] : memref<10240x128xf32, #tpu.memory_space<vmem_shared>> -> memref<10240x128xf32, #tpu.memory_space<vmem_shared>>
        tpu.wait_indirect_dma semaphore(%run_scoped3A : memref<!tpu.dma_semaphore, #tpu.memory_space<semaphore_mem>>) src(%arg8 : memref<128x128xf32, #tpu.memory_space<vmem>>) dst(%dma_wait3A_142 : memref<10240x128xf32, #tpu.memory_space<vmem_shared>>)
        tpu.yield
      }) : () -> ()
      %add3A_112 = arith.constant 2 : i32
      %add3A_113 = arith.addi %mul3A_105, %add3A_112 : i32
      %lt3A = arith.constant 40 : i32
      %lt3A_114 = arith.cmpi slt, %add3A_113, %lt3A : i32
      %convert_element_type3A = arith.extui %lt3A_114 : i1 to i32
      %cond3A = arith.constant 0 : i32
      %cond3A_115 = arith.cmpi ne, %convert_element_type3A, %cond3A : i32
      scf.if %cond3A_115 {
        %add3A_131 = arith.constant 2 : i32
        %add3A_132 = arith.addi %mul3A_105, %add3A_131 : i32
        %dma_start3A_133 = arith.constant 0 : i32
        %dma_start3A_134 = tpu.memref_slice %arg6[%add3A_132, %dma_start3A_133] : memref<40x128xi32, #tpu.memory_space<vmem>> -> memref<1x128xi32, #tpu.memory_space<vmem>>
        %dma_start3A_135 = tpu.memref_squeeze %dma_start3A_134 : memref<1x128xi32, #tpu.memory_space<vmem>> -> memref<128xi32, #tpu.memory_space<vmem>>
        %dma_start3A_136 = arith.constant 0 : i32
        %dma_start3A_137 = arith.constant 0 : i32
        %dma_start3A_138 = tpu.memref_slice %arg2[%dma_start3A_136, %dma_start3A_137] : memref<10000x128xf32, #tpu.memory_space<hbm>> -> memref<10000x128xf32, #tpu.memory_space<hbm>>
        tpu.enqueue_indirect_dma source(%dma_start3A_138 : memref<10000x128xf32, #tpu.memory_space<hbm>>) target(%arg8 : memref<128x128xf32, #tpu.memory_space<vmem>>) offsets(%dma_start3A_135 : memref<128xi32, #tpu.memory_space<vmem>>) semaphore(%arg10 : memref<!tpu.dma_semaphore, #tpu.memory_space<semaphore_mem>>)
      } else {
      }
      %dma_wait3A_116 = arith.constant 0 : i32
      %dma_wait3A_117 = arith.constant 0 : i32
      %dma_wait3A_118 = tpu.memref_slice %arg2[%dma_wait3A_116, %dma_wait3A_117] : memref<10000x128xf32, #tpu.memory_space<hbm>> -> memref<128x128xf32, #tpu.memory_space<hbm>>
      %dma_wait3A_119 = arith.constant 0 : i32
      %dma_wait3A_120 = arith.constant 0 : i32
      %dma_wait3A_121 = tpu.memref_slice %arg2[%dma_wait3A_119, %dma_wait3A_120] : memref<10000x128xf32, #tpu.memory_space<hbm>> -> memref<128x128xf32, #tpu.memory_space<hbm>>
      tpu.wait_dma2 semaphore(%arg11 : memref<!tpu.dma_semaphore, #tpu.memory_space<semaphore_mem>>) src(%dma_wait3A_121 : memref<128x128xf32, #tpu.memory_space<hbm>>) dst(%arg9 : memref<128x128xf32, #tpu.memory_space<vmem>>)
      %add3A_122 = arith.constant 1 : i32
      %add3A_123 = arith.addi %mul3A_105, %add3A_122 : i32
      "tpu.region"() ({
        %run_scoped3A = tpu.sem_alloc : memref<!tpu.dma_semaphore, #tpu.memory_space<semaphore_mem>>
        %dma_start3A_131 = arith.constant 0 : i32
        %dma_start3A_132 = tpu.memref_slice %arg7[%add3A_123, %dma_start3A_131] : memref<40x128xi32, #tpu.memory_space<vmem>> -> memref<1x128xi32, #tpu.memory_space<vmem>>
        %dma_start3A_133 = tpu.memref_squeeze %dma_start3A_132 : memref<1x128xi32, #tpu.memory_space<vmem>> -> memref<128xi32, #tpu.memory_space<vmem>>
        %dma_start3A_134 = arith.constant 0 : i32
        %dma_start3A_135 = arith.constant 0 : i32
        %dma_start3A_136 = tpu.memref_slice %arg12[%dma_start3A_134, %dma_start3A_135] : memref<10240x128xf32, #tpu.memory_space<vmem_shared>> -> memref<10240x128xf32, #tpu.memory_space<vmem_shared>>
        tpu.enqueue_indirect_dma source(%arg9 : memref<128x128xf32, #tpu.memory_space<vmem>>) target(%dma_start3A_136 : memref<10240x128xf32, #tpu.memory_space<vmem_shared>>) offsets(%dma_start3A_133 : memref<128xi32, #tpu.memory_space<vmem>>) semaphore(%run_scoped3A : memref<!tpu.dma_semaphore, #tpu.memory_space<semaphore_mem>>) {add = true}
        %dma_wait3A_137 = arith.constant 0 : i32
        %dma_wait3A_138 = tpu.memref_slice %arg7[%add3A_123, %dma_wait3A_137] : memref<40x128xi32, #tpu.memory_space<vmem>> -> memref<1x128xi32, #tpu.memory_space<vmem>>
        %dma_wait3A_139 = tpu.memref_squeeze %dma_wait3A_138 : memref<1x128xi32, #tpu.memory_space<vmem>> -> memref<128xi32, #tpu.memory_space<vmem>>
        %dma_wait3A_140 = arith.constant 0 : i32
        %dma_wait3A_141 = arith.constant 0 : i32
        %dma_wait3A_142 = tpu.memref_slice %arg12[%dma_wait3A_140, %dma_wait3A_141] : memref<10240x128xf32, #tpu.memory_space<vmem_shared>> -> memref<10240x128xf32, #tpu.memory_space<vmem_shared>>
        tpu.wait_indirect_dma semaphore(%run_scoped3A : memref<!tpu.dma_semaphore, #tpu.memory_space<semaphore_mem>>) src(%arg9 : memref<128x128xf32, #tpu.memory_space<vmem>>) dst(%dma_wait3A_142 : memref<10240x128xf32, #tpu.memory_space<vmem_shared>>)
        tpu.yield
      }) : () -> ()
      %add3A_124 = arith.constant 3 : i32
      %add3A_125 = arith.addi %mul3A_105, %add3A_124 : i32
      %lt3A_126 = arith.constant 40 : i32
      %lt3A_127 = arith.cmpi slt, %add3A_125, %lt3A_126 : i32
      %convert_element_type3A_128 = arith.extui %lt3A_127 : i1 to i32
      %cond3A_129 = arith.constant 0 : i32
      %cond3A_130 = arith.cmpi ne, %convert_element_type3A_128, %cond3A_129 : i32
      scf.if %cond3A_130 {
        %add3A_131 = arith.constant 3 : i32
        %add3A_132 = arith.addi %mul3A_105, %add3A_131 : i32
        %dma_start3A_133 = arith.constant 0 : i32
        %dma_start3A_134 = tpu.memref_slice %arg6[%add3A_132, %dma_start3A_133] : memref<40x128xi32, #tpu.memory_space<vmem>> -> memref<1x128xi32, #tpu.memory_space<vmem>>
        %dma_start3A_135 = tpu.memref_squeeze %dma_start3A_134 : memref<1x128xi32, #tpu.memory_space<vmem>> -> memref<128xi32, #tpu.memory_space<vmem>>
        %dma_start3A_136 = arith.constant 0 : i32
        %dma_start3A_137 = arith.constant 0 : i32
        %dma_start3A_138 = tpu.memref_slice %arg2[%dma_start3A_136, %dma_start3A_137] : memref<10000x128xf32, #tpu.memory_space<hbm>> -> memref<10000x128xf32, #tpu.memory_space<hbm>>
        tpu.enqueue_indirect_dma source(%dma_start3A_138 : memref<10000x128xf32, #tpu.memory_space<hbm>>) target(%arg9 : memref<128x128xf32, #tpu.memory_space<vmem>>) offsets(%dma_start3A_135 : memref<128xi32, #tpu.memory_space<vmem>>) semaphore(%arg11 : memref<!tpu.dma_semaphore, #tpu.memory_space<semaphore_mem>>)
      } else {
      }
    }
    %scan3A_97 = arith.constant 20 : i32
    %barrier3A_98 = arith.constant 0 : index
    tpu.barrier barrier_id(%barrier3A_98)
    %mul3A_99 = arith.constant 640 : i32
    %mul3A_100 = arith.muli %arg1, %mul3A_99 : i32
    %mul3A_101 = arith.constant 640 : i32
    %mul3A_102 = arith.muli %arg1, %mul3A_101 : i32
    "tpu.region"() ({
      %run_scoped3A = tpu.sem_alloc : memref<!tpu.dma_semaphore, #tpu.memory_space<semaphore_mem>>
      %dma_start3A_103 = arith.constant 0 : i32
      %dma_start3A_104 = tpu.memref_slice %arg5[%arg0, %mul3A_102, %dma_start3A_103] : memref<2x10240x128xf32, #tpu.memory_space<hbm>> -> memref<1x640x128xf32, #tpu.memory_space<hbm>>
      %dma_start3A_105 = tpu.memref_squeeze %dma_start3A_104 : memref<1x640x128xf32, #tpu.memory_space<hbm>> -> memref<640x128xf32, #tpu.memory_space<hbm>>
      %dma_start3A_106 = arith.constant 0 : i32
      %dma_start3A_107 = tpu.memref_slice %arg12[%mul3A_100, %dma_start3A_106] : memref<10240x128xf32, #tpu.memory_space<vmem_shared>> -> memref<640x128xf32, #tpu.memory_space<vmem_shared>>
      tpu.enqueue_dma source(%dma_start3A_107 : memref<640x128xf32, #tpu.memory_space<vmem_shared>>) target(%dma_start3A_105 : memref<640x128xf32, #tpu.memory_space<hbm>>) target_semaphore(%run_scoped3A : memref<!tpu.dma_semaphore, #tpu.memory_space<semaphore_mem>>)
      %dma_wait3A_108 = arith.constant 0 : i32
      %dma_wait3A_109 = tpu.memref_slice %arg5[%arg0, %mul3A_102, %dma_wait3A_108] : memref<2x10240x128xf32, #tpu.memory_space<hbm>> -> memref<1x640x128xf32, #tpu.memory_space<hbm>>
      %dma_wait3A_110 = tpu.memref_squeeze %dma_wait3A_109 : memref<1x640x128xf32, #tpu.memory_space<hbm>> -> memref<640x128xf32, #tpu.memory_space<hbm>>
      %dma_wait3A_111 = arith.constant 0 : i32
      %dma_wait3A_112 = tpu.memref_slice %arg12[%mul3A_100, %dma_wait3A_111] : memref<10240x128xf32, #tpu.memory_space<vmem_shared>> -> memref<640x128xf32, #tpu.memory_space<vmem_shared>>
      tpu.wait_dma2 semaphore(%run_scoped3A : memref<!tpu.dma_semaphore, #tpu.memory_space<semaphore_mem>>) src(%dma_wait3A_112 : memref<640x128xf32, #tpu.memory_space<vmem_shared>>) dst(%dma_wait3A_110 : memref<640x128xf32, #tpu.memory_space<hbm>>)
      tpu.yield
    }) : () -> ()
    return
  }
}

#map = affine_map<(d0, d1) -> (0, 0)>
#map1 = affine_map<(d0, d1) -> (0, 0, 0)>
module attributes {stable_mosaic.version = 14 : i64} {
  func.func @_segsum_body(%arg0: i32, %arg1: i32, %arg2: memref<10000x128xf32, #tpu.memory_space<hbm>>, %arg3: memref<1280x128xi32, #tpu.memory_space<hbm>>, %arg4: memref<1280x128xi32, #tpu.memory_space<hbm>>, %arg5: memref<2x10240x128xf32, #tpu.memory_space<hbm>>, %arg6: memref<40x128xi32, #tpu.memory_space<vmem>>, %arg7: memref<40x128xi32, #tpu.memory_space<vmem>>, %arg8: memref<128x128xf32, #tpu.memory_space<vmem>>, %arg9: memref<128x128xf32, #tpu.memory_space<vmem>>, %arg10: memref<!tpu.dma_semaphore, #tpu.memory_space<semaphore_mem>>, %arg11: memref<!tpu.dma_semaphore, #tpu.memory_space<semaphore_mem>>, %arg12: memref<10240x128xf32, #tpu.memory_space<vmem_shared>>) attributes {dimension_semantics = [#tpu.dimension_semantics<core_parallel>, #tpu.dimension_semantics<subcore_parallel>], iteration_bounds = array<i64: 2, 16>, scalar_prefetch = 0 : i64, scratch_operands = 7 : i64, tpu.core_type = #tpu.core_type<sc_vector_subcore>, window_params = [{transform_indices = #map}, {transform_indices = #map}, {transform_indices = #map}, {transform_indices = #map1}]} {
    %mul3A = arith.constant 16 : i32
    %mul3A_0 = arith.muli %arg0, %mul3A : i32
    %add3A = arith.addi %mul3A_0, %arg1 : i32
    %mul3A_1 = arith.constant 40 : i32
    %mul3A_2 = arith.muli %add3A, %mul3A_1 : i32
    "tpu.region"() ({
      %run_scoped3A = tpu.sem_alloc : memref<!tpu.dma_semaphore, #tpu.memory_space<semaphore_mem>>
      %dma_start3A_103 = arith.constant 0 : i32
      %dma_start3A_104 = tpu.memref_slice %arg3[%mul3A_2, %dma_start3A_103] : memref<1280x128xi32, #tpu.memory_space<hbm>> -> memref<40x128xi32, #tpu.memory_space<hbm>>
      %dma_start3A_105 = arith.constant 0 : i32
      %dma_start3A_106 = tpu.memref_slice %arg3[%mul3A_2, %dma_start3A_105] : memref<1280x128xi32, #tpu.memory_space<hbm>> -> memref<40x128xi32, #tpu.memory_space<hbm>>
      tpu.enqueue_dma source(%dma_start3A_106 : memref<40x128xi32, #tpu.memory_space<hbm>>) target(%arg6 : memref<40x128xi32, #tpu.memory_space<vmem>>) target_semaphore(%run_scoped3A : memref<!tpu.dma_semaphore, #tpu.memory_space<semaphore_mem>>)
      %dma_wait3A_107 = arith.constant 0 : i32
      %dma_wait3A_108 = tpu.memref_slice %arg3[%mul3A_2, %dma_wait3A_107] : memref<1280x128xi32, #tpu.memory_space<hbm>> -> memref<40x128xi32, #tpu.memory_space<hbm>>
      %dma_wait3A_109 = arith.constant 0 : i32
      %dma_wait3A_110 = tpu.memref_slice %arg3[%mul3A_2, %dma_wait3A_109] : memref<1280x128xi32, #tpu.memory_space<hbm>> -> memref<40x128xi32, #tpu.memory_space<hbm>>
      tpu.wait_dma2 semaphore(%run_scoped3A : memref<!tpu.dma_semaphore, #tpu.memory_space<semaphore_mem>>) src(%dma_wait3A_110 : memref<40x128xi32, #tpu.memory_space<hbm>>) dst(%arg6 : memref<40x128xi32, #tpu.memory_space<vmem>>)
      tpu.yield
    }) : () -> ()
    %mul3A_3 = arith.constant 40 : i32
    %mul3A_4 = arith.muli %add3A, %mul3A_3 : i32
    "tpu.region"() ({
      %run_scoped3A = tpu.sem_alloc : memref<!tpu.dma_semaphore, #tpu.memory_space<semaphore_mem>>
      %dma_start3A_103 = arith.constant 0 : i32
      %dma_start3A_104 = tpu.memref_slice %arg4[%mul3A_4, %dma_start3A_103] : memref<1280x128xi32, #tpu.memory_space<hbm>> -> memref<40x128xi32, #tpu.memory_space<hbm>>
      %dma_start3A_105 = arith.constant 0 : i32
      %dma_start3A_106 = tpu.memref_slice %arg4[%mul3A_4, %dma_start3A_105] : memref<1280x128xi32, #tpu.memory_space<hbm>> -> memref<40x128xi32, #tpu.memory_space<hbm>>
      tpu.enqueue_dma source(%dma_start3A_106 : memref<40x128xi32, #tpu.memory_space<hbm>>) target(%arg7 : memref<40x128xi32, #tpu.memory_space<vmem>>) target_semaphore(%run_scoped3A : memref<!tpu.dma_semaphore, #tpu.memory_space<semaphore_mem>>)
      %dma_wait3A_107 = arith.constant 0 : i32
      %dma_wait3A_108 = tpu.memref_slice %arg4[%mul3A_4, %dma_wait3A_107] : memref<1280x128xi32, #tpu.memory_space<hbm>> -> memref<40x128xi32, #tpu.memory_space<hbm>>
      %dma_wait3A_109 = arith.constant 0 : i32
      %dma_wait3A_110 = tpu.memref_slice %arg4[%mul3A_4, %dma_wait3A_109] : memref<1280x128xi32, #tpu.memory_space<hbm>> -> memref<40x128xi32, #tpu.memory_space<hbm>>
      tpu.wait_dma2 semaphore(%run_scoped3A : memref<!tpu.dma_semaphore, #tpu.memory_space<semaphore_mem>>) src(%dma_wait3A_110 : memref<40x128xi32, #tpu.memory_space<hbm>>) dst(%arg7 : memref<40x128xi32, #tpu.memory_space<vmem>>)
      tpu.yield
    }) : () -> ()
    %scan3A = arith.constant 0 : i32
    %scan3A_5 = arith.constant 0 : i32
    %scan3A_6 = arith.constant 128 : i32
    %scan3A_7 = arith.addi %scan3A_5, %scan3A_6 : i32
    %scan3A_8 = arith.constant 1 : i32
    scf.for %scan3A_103 = %scan3A_5 to %scan3A_7 step %scan3A_8  : i32 {
      %broadcast_in_dim3A = arith.constant 0.000000e+00 : f32
      %broadcast_in_dim3A_104 = vector.broadcast %broadcast_in_dim3A : f32 to vector<16xf32>
      %swap3A = arith.index_cast %scan3A_103 : i32 to index
      %swap3A_105 = arith.constant 0 : index
      %swap3A_106 = tpu.vector_load %arg8[%swap3A, %swap3A_105] {strides = array<i32>} : memref<128x128xf32, #tpu.memory_space<vmem>>, vector<1x16xf32>,
      %swap3A_107 = vector.shape_cast %swap3A_106 : vector<1x16xf32> to vector<16xf32>
      %swap3A_108 = vector.shape_cast %broadcast_in_dim3A_104 : vector<16xf32> to vector<1x16xf32>
      tpu.vector_store %arg8[%swap3A, %swap3A_105], %swap3A_108 {strides = array<i32>} : memref<128x128xf32, #tpu.memory_space<vmem>>, vector<1x16xf32>,
      %broadcast_in_dim3A_109 = arith.constant 0.000000e+00 : f32
      %broadcast_in_dim3A_110 = vector.broadcast %broadcast_in_dim3A_109 : f32 to vector<16xf32>
      %swap3A_111 = arith.index_cast %scan3A_103 : i32 to index
      %swap3A_112 = arith.constant 16 : index
      %swap3A_113 = tpu.vector_load %arg8[%swap3A_111, %swap3A_112] {strides = array<i32>} : memref<128x128xf32, #tpu.memory_space<vmem>>, vector<1x16xf32>,
      %swap3A_114 = vector.shape_cast %swap3A_113 : vector<1x16xf32> to vector<16xf32>
      %swap3A_115 = vector.shape_cast %broadcast_in_dim3A_110 : vector<16xf32> to vector<1x16xf32>
      tpu.vector_store %arg8[%swap3A_111, %swap3A_112], %swap3A_115 {strides = array<i32>} : memref<128x128xf32, #tpu.memory_space<vmem>>, vector<1x16xf32>,
      %broadcast_in_dim3A_116 = arith.constant 0.000000e+00 : f32
      %broadcast_in_dim3A_117 = vector.broadcast %broadcast_in_dim3A_116 : f32 to vector<16xf32>
      %swap3A_118 = arith.index_cast %scan3A_103 : i32 to index
      %swap3A_119 = arith.constant 32 : index
      %swap3A_120 = tpu.vector_load %arg8[%swap3A_118, %swap3A_119] {strides = array<i32>} : memref<128x128xf32, #tpu.memory_space<vmem>>, vector<1x16xf32>,
      %swap3A_121 = vector.shape_cast %swap3A_120 : vector<1x16xf32> to vector<16xf32>
      %swap3A_122 = vector.shape_cast %broadcast_in_dim3A_117 : vector<16xf32> to vector<1x16xf32>
      tpu.vector_store %arg8[%swap3A_118, %swap3A_119], %swap3A_122 {strides = array<i32>} : memref<128x128xf32, #tpu.memory_space<vmem>>, vector<1x16xf32>,
      %broadcast_in_dim3A_123 = arith.constant 0.000000e+00 : f32
      %broadcast_in_dim3A_124 = vector.broadcast %broadcast_in_dim3A_123 : f32 to vector<16xf32>
      %swap3A_125 = arith.index_cast %scan3A_103 : i32 to index
      %swap3A_126 = arith.constant 48 : index
      %swap3A_127 = tpu.vector_load %arg8[%swap3A_125, %swap3A_126] {strides = array<i32>} : memref<128x128xf32, #tpu.memory_space<vmem>>, vector<1x16xf32>,
      %swap3A_128 = vector.shape_cast %swap3A_127 : vector<1x16xf32> to vector<16xf32>
      %swap3A_129 = vector.shape_cast %broadcast_in_dim3A_124 : vector<16xf32> to vector<1x16xf32>
      tpu.vector_store %arg8[%swap3A_125, %swap3A_126], %swap3A_129 {strides = array<i32>} : memref<128x128xf32, #tpu.memory_space<vmem>>, vector<1x16xf32>,
      %broadcast_in_dim3A_130 = arith.constant 0.000000e+00 : f32
      %broadcast_in_dim3A_131 = vector.broadcast %broadcast_in_dim3A_130 : f32 to vector<16xf32>
      %swap3A_132 = arith.index_cast %scan3A_103 : i32 to index
      %swap3A_133 = arith.constant 64 : index
      %swap3A_134 = tpu.vector_load %arg8[%swap3A_132, %swap3A_133] {strides = array<i32>} : memref<128x128xf32, #tpu.memory_space<vmem>>, vector<1x16xf32>,
      %swap3A_135 = vector.shape_cast %swap3A_134 : vector<1x16xf32> to vector<16xf32>
      %swap3A_136 = vector.shape_cast %broadcast_in_dim3A_131 : vector<16xf32> to vector<1x16xf32>
      tpu.vector_store %arg8[%swap3A_132, %swap3A_133], %swap3A_136 {strides = array<i32>} : memref<128x128xf32, #tpu.memory_space<vmem>>, vector<1x16xf32>,
      %broadcast_in_dim3A_137 = arith.constant 0.000000e+00 : f32
      %broadcast_in_dim3A_138 = vector.broadcast %broadcast_in_dim3A_137 : f32 to vector<16xf32>
      %swap3A_139 = arith.index_cast %scan3A_103 : i32 to index
      %swap3A_140 = arith.constant 80 : index
      %swap3A_141 = tpu.vector_load %arg8[%swap3A_139, %swap3A_140] {strides = array<i32>} : memref<128x128xf32, #tpu.memory_space<vmem>>, vector<1x16xf32>,
      %swap3A_142 = vector.shape_cast %swap3A_141 : vector<1x16xf32> to vector<16xf32>
      %swap3A_143 = vector.shape_cast %broadcast_in_dim3A_138 : vector<16xf32> to vector<1x16xf32>
      tpu.vector_store %arg8[%swap3A_139, %swap3A_140], %swap3A_143 {strides = array<i32>} : memref<128x128xf32, #tpu.memory_space<vmem>>, vector<1x16xf32>,
      %broadcast_in_dim3A_144 = arith.constant 0.000000e+00 : f32
      %broadcast_in_dim3A_145 = vector.broadcast %broadcast_in_dim3A_144 : f32 to vector<16xf32>
      %swap3A_146 = arith.index_cast %scan3A_103 : i32 to index
      %swap3A_147 = arith.constant 96 : index
      %swap3A_148 = tpu.vector_load %arg8[%swap3A_146, %swap3A_147] {strides = array<i32>} : memref<128x128xf32, #tpu.memory_space<vmem>>, vector<1x16xf32>,
      %swap3A_149 = vector.shape_cast %swap3A_148 : vector<1x16xf32> to vector<16xf32>
      %swap3A_150 = vector.shape_cast %broadcast_in_dim3A_145 : vector<16xf32> to vector<1x16xf32>
      tpu.vector_store %arg8[%swap3A_146, %swap3A_147], %swap3A_150 {strides = array<i32>} : memref<128x128xf32, #tpu.memory_space<vmem>>, vector<1x16xf32>,
      %broadcast_in_dim3A_151 = arith.constant 0.000000e+00 : f32
      %broadcast_in_dim3A_152 = vector.broadcast %broadcast_in_dim3A_151 : f32 to vector<16xf32>
      %swap3A_153 = arith.index_cast %scan3A_103 : i32 to index
      %swap3A_154 = arith.constant 112 : index
      %swap3A_155 = tpu.vector_load %arg8[%swap3A_153, %swap3A_154] {strides = array<i32>} : memref<128x128xf32, #tpu.memory_space<vmem>>, vector<1x16xf32>,
      %swap3A_156 = vector.shape_cast %swap3A_155 : vector<1x16xf32> to vector<16xf32>
      %swap3A_157 = vector.shape_cast %broadcast_in_dim3A_152 : vector<16xf32> to vector<1x16xf32>
      tpu.vector_store %arg8[%swap3A_153, %swap3A_154], %swap3A_157 {strides = array<i32>} : memref<128x128xf32, #tpu.memory_space<vmem>>, vector<1x16xf32>,
    }
    %scan3A_9 = arith.constant 128 : i32
    %mul3A_10 = arith.constant 640 : i32
    %mul3A_11 = arith.muli %arg1, %mul3A_10 : i32
    %add3A_12 = arith.constant 0 : i32
    %add3A_13 = arith.addi %mul3A_11, %add3A_12 : i32
    %dma_start3A = arith.constant 0 : i32
    %dma_start3A_14 = tpu.memref_slice %arg12[%add3A_13, %dma_start3A] : memref<10240x128xf32, #tpu.memory_space<vmem_shared>> -> memref<128x128xf32, #tpu.memory_space<vmem_shared>>
    %dma_start3A_15 = arith.constant 0 : i32
    %dma_start3A_16 = tpu.memref_slice %arg12[%add3A_13, %dma_start3A_15] : memref<10240x128xf32, #tpu.memory_space<vmem_shared>> -> memref<128x128xf32, #tpu.memory_space<vmem_shared>>
    tpu.enqueue_dma source(%arg8 : memref<128x128xf32, #tpu.memory_space<vmem>>) target(%dma_start3A_16 : memref<128x128xf32, #tpu.memory_space<vmem_shared>>) target_semaphore(%arg10 : memref<!tpu.dma_semaphore, #tpu.memory_space<semaphore_mem>>)
    %mul3A_17 = arith.constant 640 : i32
    %mul3A_18 = arith.muli %arg1, %mul3A_17 : i32
    %add3A_19 = arith.constant 128 : i32
    %add3A_20 = arith.addi %mul3A_18, %add3A_19 : i32
    %dma_start3A_21 = arith.constant 0 : i32
    %dma_start3A_22 = tpu.memref_slice %arg12[%add3A_20, %dma_start3A_21] : memref<10240x128xf32, #tpu.memory_space<vmem_shared>> -> memref<128x128xf32, #tpu.memory_space<vmem_shared>>
    %dma_start3A_23 = arith.constant 0 : i32
    %dma_start3A_24 = tpu.memref_slice %arg12[%add3A_20, %dma_start3A_23] : memref<10240x128xf32, #tpu.memory_space<vmem_shared>> -> memref<128x128xf32, #tpu.memory_space<vmem_shared>>
    tpu.enqueue_dma source(%arg8 : memref<128x128xf32, #tpu.memory_space<vmem>>) target(%dma_start3A_24 : memref<128x128xf32, #tpu.memory_space<vmem_shared>>) target_semaphore(%arg10 : memref<!tpu.dma_semaphore, #tpu.memory_space<semaphore_mem>>)
    %mul3A_25 = arith.constant 640 : i32
    %mul3A_26 = arith.muli %arg1, %mul3A_25 : i32
    %add3A_27 = arith.constant 256 : i32
    %add3A_28 = arith.addi %mul3A_26, %add3A_27 : i32
    %dma_start3A_29 = arith.constant 0 : i32
    %dma_start3A_30 = tpu.memref_slice %arg12[%add3A_28, %dma_start3A_29] : memref<10240x128xf32, #tpu.memory_space<vmem_shared>> -> memref<128x128xf32, #tpu.memory_space<vmem_shared>>
    %dma_start3A_31 = arith.constant 0 : i32
    %dma_start3A_32 = tpu.memref_slice %arg12[%add3A_28, %dma_start3A_31] : memref<10240x128xf32, #tpu.memory_space<vmem_shared>> -> memref<128x128xf32, #tpu.memory_space<vmem_shared>>
    tpu.enqueue_dma source(%arg8 : memref<128x128xf32, #tpu.memory_space<vmem>>) target(%dma_start3A_32 : memref<128x128xf32, #tpu.memory_space<vmem_shared>>) target_semaphore(%arg10 : memref<!tpu.dma_semaphore, #tpu.memory_space<semaphore_mem>>)
    %mul3A_33 = arith.constant 640 : i32
    %mul3A_34 = arith.muli %arg1, %mul3A_33 : i32
    %add3A_35 = arith.constant 384 : i32
    %add3A_36 = arith.addi %mul3A_34, %add3A_35 : i32
    %dma_start3A_37 = arith.constant 0 : i32
    %dma_start3A_38 = tpu.memref_slice %arg12[%add3A_36, %dma_start3A_37] : memref<10240x128xf32, #tpu.memory_space<vmem_shared>> -> memref<128x128xf32, #tpu.memory_space<vmem_shared>>
    %dma_start3A_39 = arith.constant 0 : i32
    %dma_start3A_40 = tpu.memref_slice %arg12[%add3A_36, %dma_start3A_39] : memref<10240x128xf32, #tpu.memory_space<vmem_shared>> -> memref<128x128xf32, #tpu.memory_space<vmem_shared>>
    tpu.enqueue_dma source(%arg8 : memref<128x128xf32, #tpu.memory_space<vmem>>) target(%dma_start3A_40 : memref<128x128xf32, #tpu.memory_space<vmem_shared>>) target_semaphore(%arg10 : memref<!tpu.dma_semaphore, #tpu.memory_space<semaphore_mem>>)
    %mul3A_41 = arith.constant 640 : i32
    %mul3A_42 = arith.muli %arg1, %mul3A_41 : i32
    %add3A_43 = arith.constant 512 : i32
    %add3A_44 = arith.addi %mul3A_42, %add3A_43 : i32
    %dma_start3A_45 = arith.constant 0 : i32
    %dma_start3A_46 = tpu.memref_slice %arg12[%add3A_44, %dma_start3A_45] : memref<10240x128xf32, #tpu.memory_space<vmem_shared>> -> memref<128x128xf32, #tpu.memory_space<vmem_shared>>
    %dma_start3A_47 = arith.constant 0 : i32
    %dma_start3A_48 = tpu.memref_slice %arg12[%add3A_44, %dma_start3A_47] : memref<10240x128xf32, #tpu.memory_space<vmem_shared>> -> memref<128x128xf32, #tpu.memory_space<vmem_shared>>
    tpu.enqueue_dma source(%arg8 : memref<128x128xf32, #tpu.memory_space<vmem>>) target(%dma_start3A_48 : memref<128x128xf32, #tpu.memory_space<vmem_shared>>) target_semaphore(%arg10 : memref<!tpu.dma_semaphore, #tpu.memory_space<semaphore_mem>>)
    %dma_wait3A = arith.constant 0 : i32
    %dma_wait3A_49 = arith.constant 0 : i32
    %dma_wait3A_50 = tpu.memref_slice %arg2[%dma_wait3A, %dma_wait3A_49] : memref<10000x128xf32, #tpu.memory_space<hbm>> -> memref<128x128xf32, #tpu.memory_space<hbm>>
    %dma_wait3A_51 = arith.constant 0 : i32
    %dma_wait3A_52 = arith.constant 0 : i32
    %dma_wait3A_53 = tpu.memref_slice %arg2[%dma_wait3A_51, %dma_wait3A_52] : memref<10000x128xf32, #tpu.memory_space<hbm>> -> memref<128x128xf32, #tpu.memory_space<hbm>>
    tpu.wait_dma2 semaphore(%arg10 : memref<!tpu.dma_semaphore, #tpu.memory_space<semaphore_mem>>) src(%dma_wait3A_53 : memref<128x128xf32, #tpu.memory_space<hbm>>) dst(%arg8 : memref<128x128xf32, #tpu.memory_space<vmem>>)
    %dma_wait3A_54 = arith.constant 0 : i32
    %dma_wait3A_55 = arith.constant 0 : i32
    %dma_wait3A_56 = tpu.memref_slice %arg2[%dma_wait3A_54, %dma_wait3A_55] : memref<10000x128xf32, #tpu.memory_space<hbm>> -> memref<128x128xf32, #tpu.memory_space<hbm>>
    %dma_wait3A_57 = arith.constant 0 : i32
    %dma_wait3A_58 = arith.constant 0 : i32
    %dma_wait3A_59 = tpu.memref_slice %arg2[%dma_wait3A_57, %dma_wait3A_58] : memref<10000x128xf32, #tpu.memory_space<hbm>> -> memref<128x128xf32, #tpu.memory_space<hbm>>
    tpu.wait_dma2 semaphore(%arg10 : memref<!tpu.dma_semaphore, #tpu.memory_space<semaphore_mem>>) src(%dma_wait3A_59 : memref<128x128xf32, #tpu.memory_space<hbm>>) dst(%arg8 : memref<128x128xf32, #tpu.memory_space<vmem>>)
    %dma_wait3A_60 = arith.constant 0 : i32
    %dma_wait3A_61 = arith.constant 0 : i32
    %dma_wait3A_62 = tpu.memref_slice %arg2[%dma_wait3A_60, %dma_wait3A_61] : memref<10000x128xf32, #tpu.memory_space<hbm>> -> memref<128x128xf32, #tpu.memory_space<hbm>>
    %dma_wait3A_63 = arith.constant 0 : i32
    %dma_wait3A_64 = arith.constant 0 : i32
    %dma_wait3A_65 = tpu.memref_slice %arg2[%dma_wait3A_63, %dma_wait3A_64] : memref<10000x128xf32, #tpu.memory_space<hbm>> -> memref<128x128xf32, #tpu.memory_space<hbm>>
    tpu.wait_dma2 semaphore(%arg10 : memref<!tpu.dma_semaphore, #tpu.memory_space<semaphore_mem>>) src(%dma_wait3A_65 : memref<128x128xf32, #tpu.memory_space<hbm>>) dst(%arg8 : memref<128x128xf32, #tpu.memory_space<vmem>>)
    %dma_wait3A_66 = arith.constant 0 : i32
    %dma_wait3A_67 = arith.constant 0 : i32
    %dma_wait3A_68 = tpu.memref_slice %arg2[%dma_wait3A_66, %dma_wait3A_67] : memref<10000x128xf32, #tpu.memory_space<hbm>> -> memref<128x128xf32, #tpu.memory_space<hbm>>
    %dma_wait3A_69 = arith.constant 0 : i32
    %dma_wait3A_70 = arith.constant 0 : i32
    %dma_wait3A_71 = tpu.memref_slice %arg2[%dma_wait3A_69, %dma_wait3A_70] : memref<10000x128xf32, #tpu.memory_space<hbm>> -> memref<128x128xf32, #tpu.memory_space<hbm>>
    tpu.wait_dma2 semaphore(%arg10 : memref<!tpu.dma_semaphore, #tpu.memory_space<semaphore_mem>>) src(%dma_wait3A_71 : memref<128x128xf32, #tpu.memory_space<hbm>>) dst(%arg8 : memref<128x128xf32, #tpu.memory_space<vmem>>)
    %dma_wait3A_72 = arith.constant 0 : i32
    %dma_wait3A_73 = arith.constant 0 : i32
    %dma_wait3A_74 = tpu.memref_slice %arg2[%dma_wait3A_72, %dma_wait3A_73] : memref<10000x128xf32, #tpu.memory_space<hbm>> -> memref<128x128xf32, #tpu.memory_space<hbm>>
    %dma_wait3A_75 = arith.constant 0 : i32
    %dma_wait3A_76 = arith.constant 0 : i32
    %dma_wait3A_77 = tpu.memref_slice %arg2[%dma_wait3A_75, %dma_wait3A_76] : memref<10000x128xf32, #tpu.memory_space<hbm>> -> memref<128x128xf32, #tpu.memory_space<hbm>>
    tpu.wait_dma2 semaphore(%arg10 : memref<!tpu.dma_semaphore, #tpu.memory_space<semaphore_mem>>) src(%dma_wait3A_77 : memref<128x128xf32, #tpu.memory_space<hbm>>) dst(%arg8 : memref<128x128xf32, #tpu.memory_space<vmem>>)
    %dma_start3A_78 = arith.constant 0 : i32
    %dma_start3A_79 = arith.constant 0 : i32
    %dma_start3A_80 = tpu.memref_slice %arg6[%dma_start3A_78, %dma_start3A_79] : memref<40x128xi32, #tpu.memory_space<vmem>> -> memref<1x128xi32, #tpu.memory_space<vmem>>
    %dma_start3A_81 = tpu.memref_squeeze %dma_start3A_80 : memref<1x128xi32, #tpu.memory_space<vmem>> -> memref<128xi32, #tpu.memory_space<vmem>>
    %dma_start3A_82 = arith.constant 0 : i32
    %dma_start3A_83 = arith.constant 0 : i32
    %dma_start3A_84 = tpu.memref_slice %arg2[%dma_start3A_82, %dma_start3A_83] : memref<10000x128xf32, #tpu.memory_space<hbm>> -> memref<10000x128xf32, #tpu.memory_space<hbm>>
    tpu.enqueue_indirect_dma source(%dma_start3A_84 : memref<10000x128xf32, #tpu.memory_space<hbm>>) target(%arg8 : memref<128x128xf32, #tpu.memory_space<vmem>>) offsets(%dma_start3A_81 : memref<128xi32, #tpu.memory_space<vmem>>) semaphore(%arg10 : memref<!tpu.dma_semaphore, #tpu.memory_space<semaphore_mem>>)
    %dma_start3A_85 = arith.constant 1 : i32
    %dma_start3A_86 = arith.constant 0 : i32
    %dma_start3A_87 = tpu.memref_slice %arg6[%dma_start3A_85, %dma_start3A_86] : memref<40x128xi32, #tpu.memory_space<vmem>> -> memref<1x128xi32, #tpu.memory_space<vmem>>
    %dma_start3A_88 = tpu.memref_squeeze %dma_start3A_87 : memref<1x128xi32, #tpu.memory_space<vmem>> -> memref<128xi32, #tpu.memory_space<vmem>>
    %dma_start3A_89 = arith.constant 0 : i32
    %dma_start3A_90 = arith.constant 0 : i32
    %dma_start3A_91 = tpu.memref_slice %arg2[%dma_start3A_89, %dma_start3A_90] : memref<10000x128xf32, #tpu.memory_space<hbm>> -> memref<10000x128xf32, #tpu.memory_space<hbm>>
    tpu.enqueue_indirect_dma source(%dma_start3A_91 : memref<10000x128xf32, #tpu.memory_space<hbm>>) target(%arg9 : memref<128x128xf32, #tpu.memory_space<vmem>>) offsets(%dma_start3A_88 : memref<128xi32, #tpu.memory_space<vmem>>) semaphore(%arg11 : memref<!tpu.dma_semaphore, #tpu.memory_space<semaphore_mem>>)
    %barrier3A = arith.constant 0 : index
    tpu.barrier barrier_id(%barrier3A)
    %scan3A_92 = arith.constant 0 : i32
    %scan3A_93 = arith.constant 0 : i32
    %scan3A_94 = arith.constant 20 : i32
    %scan3A_95 = arith.addi %scan3A_93, %scan3A_94 : i32
    %scan3A_96 = arith.constant 1 : i32
    scf.for %scan3A_103 = %scan3A_93 to %scan3A_95 step %scan3A_96  : i32 {
      %mul3A_104 = arith.constant 2 : i32
      %mul3A_105 = arith.muli %mul3A_104, %scan3A_103 : i32
      %dma_wait3A_106 = arith.constant 0 : i32
      %dma_wait3A_107 = arith.constant 0 : i32
      %dma_wait3A_108 = tpu.memref_slice %arg2[%dma_wait3A_106, %dma_wait3A_107] : memref<10000x128xf32, #tpu.memory_space<hbm>> -> memref<128x128xf32, #tpu.memory_space<hbm>>
      %dma_wait3A_109 = arith.constant 0 : i32
      %dma_wait3A_110 = arith.constant 0 : i32
      %dma_wait3A_111 = tpu.memref_slice %arg2[%dma_wait3A_109, %dma_wait3A_110] : memref<10000x128xf32, #tpu.memory_space<hbm>> -> memref<128x128xf32, #tpu.memory_space<hbm>>
      tpu.wait_dma2 semaphore(%arg10 : memref<!tpu.dma_semaphore, #tpu.memory_space<semaphore_mem>>) src(%dma_wait3A_111 : memref<128x128xf32, #tpu.memory_space<hbm>>) dst(%arg8 : memref<128x128xf32, #tpu.memory_space<vmem>>)
      "tpu.region"() ({
        %run_scoped3A = tpu.sem_alloc : memref<!tpu.dma_semaphore, #tpu.memory_space<semaphore_mem>>
        %dma_start3A_131 = arith.constant 0 : i32
        %dma_start3A_132 = tpu.memref_slice %arg7[%mul3A_105, %dma_start3A_131] : memref<40x128xi32, #tpu.memory_space<vmem>> -> memref<1x128xi32, #tpu.memory_space<vmem>>
        %dma_start3A_133 = tpu.memref_squeeze %dma_start3A_132 : memref<1x128xi32, #tpu.memory_space<vmem>> -> memref<128xi32, #tpu.memory_space<vmem>>
        %dma_start3A_134 = arith.constant 0 : i32
        %dma_start3A_135 = arith.constant 0 : i32
        %dma_start3A_136 = tpu.memref_slice %arg12[%dma_start3A_134, %dma_start3A_135] : memref<10240x128xf32, #tpu.memory_space<vmem_shared>> -> memref<10240x128xf32, #tpu.memory_space<vmem_shared>>
        tpu.enqueue_indirect_dma source(%arg8 : memref<128x128xf32, #tpu.memory_space<vmem>>) target(%dma_start3A_136 : memref<10240x128xf32, #tpu.memory_space<vmem_shared>>) offsets(%dma_start3A_133 : memref<128xi32, #tpu.memory_space<vmem>>) semaphore(%run_scoped3A : memref<!tpu.dma_semaphore, #tpu.memory_space<semaphore_mem>>) {add = true}
        %dma_wait3A_137 = arith.constant 0 : i32
        %dma_wait3A_138 = tpu.memref_slice %arg7[%mul3A_105, %dma_wait3A_137] : memref<40x128xi32, #tpu.memory_space<vmem>> -> memref<1x128xi32, #tpu.memory_space<vmem>>
        %dma_wait3A_139 = tpu.memref_squeeze %dma_wait3A_138 : memref<1x128xi32, #tpu.memory_space<vmem>> -> memref<128xi32, #tpu.memory_space<vmem>>
        %dma_wait3A_140 = arith.constant 0 : i32
        %dma_wait3A_141 = arith.constant 0 : i32
        %dma_wait3A_142 = tpu.memref_slice %arg12[%dma_wait3A_140, %dma_wait3A_141] : memref<10240x128xf32, #tpu.memory_space<vmem_shared>> -> memref<10240x128xf32, #tpu.memory_space<vmem_shared>>
        tpu.wait_indirect_dma semaphore(%run_scoped3A : memref<!tpu.dma_semaphore, #tpu.memory_space<semaphore_mem>>) src(%arg8 : memref<128x128xf32, #tpu.memory_space<vmem>>) dst(%dma_wait3A_142 : memref<10240x128xf32, #tpu.memory_space<vmem_shared>>)
        tpu.yield
      }) : () -> ()
      %add3A_112 = arith.constant 2 : i32
      %add3A_113 = arith.addi %mul3A_105, %add3A_112 : i32
      %lt3A = arith.constant 40 : i32
      %lt3A_114 = arith.cmpi slt, %add3A_113, %lt3A : i32
      %convert_element_type3A = arith.extui %lt3A_114 : i1 to i32
      %cond3A = arith.constant 0 : i32
      %cond3A_115 = arith.cmpi ne, %convert_element_type3A, %cond3A : i32
      scf.if %cond3A_115 {
        %add3A_131 = arith.constant 2 : i32
        %add3A_132 = arith.addi %mul3A_105, %add3A_131 : i32
        %dma_start3A_133 = arith.constant 0 : i32
        %dma_start3A_134 = tpu.memref_slice %arg6[%add3A_132, %dma_start3A_133] : memref<40x128xi32, #tpu.memory_space<vmem>> -> memref<1x128xi32, #tpu.memory_space<vmem>>
        %dma_start3A_135 = tpu.memref_squeeze %dma_start3A_134 : memref<1x128xi32, #tpu.memory_space<vmem>> -> memref<128xi32, #tpu.memory_space<vmem>>
        %dma_start3A_136 = arith.constant 0 : i32
        %dma_start3A_137 = arith.constant 0 : i32
        %dma_start3A_138 = tpu.memref_slice %arg2[%dma_start3A_136, %dma_start3A_137] : memref<10000x128xf32, #tpu.memory_space<hbm>> -> memref<10000x128xf32, #tpu.memory_space<hbm>>
        tpu.enqueue_indirect_dma source(%dma_start3A_138 : memref<10000x128xf32, #tpu.memory_space<hbm>>) target(%arg8 : memref<128x128xf32, #tpu.memory_space<vmem>>) offsets(%dma_start3A_135 : memref<128xi32, #tpu.memory_space<vmem>>) semaphore(%arg10 : memref<!tpu.dma_semaphore, #tpu.memory_space<semaphore_mem>>)
      } else {
      }
      %dma_wait3A_116 = arith.constant 0 : i32
      %dma_wait3A_117 = arith.constant 0 : i32
      %dma_wait3A_118 = tpu.memref_slice %arg2[%dma_wait3A_116, %dma_wait3A_117] : memref<10000x128xf32, #tpu.memory_space<hbm>> -> memref<128x128xf32, #tpu.memory_space<hbm>>
      %dma_wait3A_119 = arith.constant 0 : i32
      %dma_wait3A_120 = arith.constant 0 : i32
      %dma_wait3A_121 = tpu.memref_slice %arg2[%dma_wait3A_119, %dma_wait3A_120] : memref<10000x128xf32, #tpu.memory_space<hbm>> -> memref<128x128xf32, #tpu.memory_space<hbm>>
      tpu.wait_dma2 semaphore(%arg11 : memref<!tpu.dma_semaphore, #tpu.memory_space<semaphore_mem>>) src(%dma_wait3A_121 : memref<128x128xf32, #tpu.memory_space<hbm>>) dst(%arg9 : memref<128x128xf32, #tpu.memory_space<vmem>>)
      %add3A_122 = arith.constant 1 : i32
      %add3A_123 = arith.addi %mul3A_105, %add3A_122 : i32
      "tpu.region"() ({
        %run_scoped3A = tpu.sem_alloc : memref<!tpu.dma_semaphore, #tpu.memory_space<semaphore_mem>>
        %dma_start3A_131 = arith.constant 0 : i32
        %dma_start3A_132 = tpu.memref_slice %arg7[%add3A_123, %dma_start3A_131] : memref<40x128xi32, #tpu.memory_space<vmem>> -> memref<1x128xi32, #tpu.memory_space<vmem>>
        %dma_start3A_133 = tpu.memref_squeeze %dma_start3A_132 : memref<1x128xi32, #tpu.memory_space<vmem>> -> memref<128xi32, #tpu.memory_space<vmem>>
        %dma_start3A_134 = arith.constant 0 : i32
        %dma_start3A_135 = arith.constant 0 : i32
        %dma_start3A_136 = tpu.memref_slice %arg12[%dma_start3A_134, %dma_start3A_135] : memref<10240x128xf32, #tpu.memory_space<vmem_shared>> -> memref<10240x128xf32, #tpu.memory_space<vmem_shared>>
        tpu.enqueue_indirect_dma source(%arg9 : memref<128x128xf32, #tpu.memory_space<vmem>>) target(%dma_start3A_136 : memref<10240x128xf32, #tpu.memory_space<vmem_shared>>) offsets(%dma_start3A_133 : memref<128xi32, #tpu.memory_space<vmem>>) semaphore(%run_scoped3A : memref<!tpu.dma_semaphore, #tpu.memory_space<semaphore_mem>>) {add = true}
        %dma_wait3A_137 = arith.constant 0 : i32
        %dma_wait3A_138 = tpu.memref_slice %arg7[%add3A_123, %dma_wait3A_137] : memref<40x128xi32, #tpu.memory_space<vmem>> -> memref<1x128xi32, #tpu.memory_space<vmem>>
        %dma_wait3A_139 = tpu.memref_squeeze %dma_wait3A_138 : memref<1x128xi32, #tpu.memory_space<vmem>> -> memref<128xi32, #tpu.memory_space<vmem>>
        %dma_wait3A_140 = arith.constant 0 : i32
        %dma_wait3A_141 = arith.constant 0 : i32
        %dma_wait3A_142 = tpu.memref_slice %arg12[%dma_wait3A_140, %dma_wait3A_141] : memref<10240x128xf32, #tpu.memory_space<vmem_shared>> -> memref<10240x128xf32, #tpu.memory_space<vmem_shared>>
        tpu.wait_indirect_dma semaphore(%run_scoped3A : memref<!tpu.dma_semaphore, #tpu.memory_space<semaphore_mem>>) src(%arg9 : memref<128x128xf32, #tpu.memory_space<vmem>>) dst(%dma_wait3A_142 : memref<10240x128xf32, #tpu.memory_space<vmem_shared>>)
        tpu.yield
      }) : () -> ()
      %add3A_124 = arith.constant 3 : i32
      %add3A_125 = arith.addi %mul3A_105, %add3A_124 : i32
      %lt3A_126 = arith.constant 40 : i32
      %lt3A_127 = arith.cmpi slt, %add3A_125, %lt3A_126 : i32
      %convert_element_type3A_128 = arith.extui %lt3A_127 : i1 to i32
      %cond3A_129 = arith.constant 0 : i32
      %cond3A_130 = arith.cmpi ne, %convert_element_type3A_128, %cond3A_129 : i32
      scf.if %cond3A_130 {
        %add3A_131 = arith.constant 3 : i32
        %add3A_132 = arith.addi %mul3A_105, %add3A_131 : i32
        %dma_start3A_133 = arith.constant 0 : i32
        %dma_start3A_134 = tpu.memref_slice %arg6[%add3A_132, %dma_start3A_133] : memref<40x128xi32, #tpu.memory_space<vmem>> -> memref<1x128xi32, #tpu.memory_space<vmem>>
        %dma_start3A_135 = tpu.memref_squeeze %dma_start3A_134 : memref<1x128xi32, #tpu.memory_space<vmem>> -> memref<128xi32, #tpu.memory_space<vmem>>
        %dma_start3A_136 = arith.constant 0 : i32
        %dma_start3A_137 = arith.constant 0 : i32
        %dma_start3A_138 = tpu.memref_slice %arg2[%dma_start3A_136, %dma_start3A_137] : memref<10000x128xf32, #tpu.memory_space<hbm>> -> memref<10000x128xf32, #tpu.memory_space<hbm>>
        tpu.enqueue_indirect_dma source(%dma_start3A_138 : memref<10000x128xf32, #tpu.memory_space<hbm>>) target(%arg9 : memref<128x128xf32, #tpu.memory_space<vmem>>) offsets(%dma_start3A_135 : memref<128xi32, #tpu.memory_space<vmem>>) semaphore(%arg11 : memref<!tpu.dma_semaphore, #tpu.memory_space<semaphore_mem>>)
      } else {
      }
    }
    %scan3A_97 = arith.constant 20 : i32
    %barrier3A_98 = arith.constant 0 : index
    tpu.barrier barrier_id(%barrier3A_98)
    %mul3A_99 = arith.constant 640 : i32
    %mul3A_100 = arith.muli %arg1, %mul3A_99 : i32
    %mul3A_101 = arith.constant 640 : i32
    %mul3A_102 = arith.muli %arg1, %mul3A_101 : i32
    "tpu.region"() ({
      %run_scoped3A = tpu.sem_alloc : memref<!tpu.dma_semaphore, #tpu.memory_space<semaphore_mem>>
      %dma_start3A_103 = arith.constant 0 : i32
      %dma_start3A_104 = tpu.memref_slice %arg5[%arg0, %mul3A_102, %dma_start3A_103] : memref<2x10240x128xf32, #tpu.memory_space<hbm>> -> memref<1x640x128xf32, #tpu.memory_space<hbm>>
      %dma_start3A_105 = tpu.memref_squeeze %dma_start3A_104 : memref<1x640x128xf32, #tpu.memory_space<hbm>> -> memref<640x128xf32, #tpu.memory_space<hbm>>
      %dma_start3A_106 = arith.constant 0 : i32
      %dma_start3A_107 = tpu.memref_slice %arg12[%mul3A_100, %dma_start3A_106] : memref<10240x128xf32, #tpu.memory_space<vmem_shared>> -> memref<640x128xf32, #tpu.memory_space<vmem_shared>>
      tpu.enqueue_dma source(%dma_start3A_107 : memref<640x128xf32, #tpu.memory_space<vmem_shared>>) target(%dma_start3A_105 : memref<640x128xf32, #tpu.memory_space<hbm>>) target_semaphore(%run_scoped3A : memref<!tpu.dma_semaphore, #tpu.memory_space<semaphore_mem>>)
      %dma_wait3A_108 = arith.constant 0 : i32
      %dma_wait3A_109 = tpu.memref_slice %arg5[%arg0, %mul3A_102, %dma_wait3A_108] : memref<2x10240x128xf32, #tpu.memory_space<hbm>> -> memref<1x640x128xf32, #tpu.memory_space<hbm>>
      %dma_wait3A_110 = tpu.memref_squeeze %dma_wait3A_109 : memref<1x640x128xf32, #tpu.memory_space<hbm>> -> memref<640x128xf32, #tpu.memory_space<hbm>>
      %dma_wait3A_111 = arith.constant 0 : i32
      %dma_wait3A_112 = tpu.memref_slice %arg12[%mul3A_100, %dma_wait3A_111] : memref<10240x128xf32, #tpu.memory_space<vmem_shared>> -> memref<640x128xf32, #tpu.memory_space<vmem_shared>>
      tpu.wait_dma2 semaphore(%run_scoped3A : memref<!tpu.dma_semaphore, #tpu.memory_space<semaphore_mem>>) src(%dma_wait3A_112 : memref<640x128xf32, #tpu.memory_space<vmem_shared>>) dst(%dma_wait3A_110 : memref<640x128xf32, #tpu.memory_space<hbm>>)
      tpu.yield
    }) : () -> ()
    return
  }
}

#map = affine_map<(d0, d1) -> (0, 0)>
#map1 = affine_map<(d0, d1) -> (0, 0, 0)>
module attributes {stable_mosaic.version = 14 : i64} {
  func.func @_segsum_body(%arg0: i32, %arg1: i32, %arg2: memref<10000x128xf32, #tpu.memory_space<hbm>>, %arg3: memref<1280x128xi32, #tpu.memory_space<hbm>>, %arg4: memref<1280x128xi32, #tpu.memory_space<hbm>>, %arg5: memref<2x10240x128xf32, #tpu.memory_space<hbm>>, %arg6: memref<40x128xi32, #tpu.memory_space<vmem>>, %arg7: memref<40x128xi32, #tpu.memory_space<vmem>>, %arg8: memref<128x128xf32, #tpu.memory_space<vmem>>, %arg9: memref<128x128xf32, #tpu.memory_space<vmem>>, %arg10: memref<!tpu.dma_semaphore, #tpu.memory_space<semaphore_mem>>, %arg11: memref<!tpu.dma_semaphore, #tpu.memory_space<semaphore_mem>>, %arg12: memref<10240x128xf32, #tpu.memory_space<vmem_shared>>) attributes {dimension_semantics = [#tpu.dimension_semantics<core_parallel>, #tpu.dimension_semantics<subcore_parallel>], iteration_bounds = array<i64: 2, 16>, scalar_prefetch = 0 : i64, scratch_operands = 7 : i64, tpu.core_type = #tpu.core_type<sc_vector_subcore>, window_params = [{transform_indices = #map}, {transform_indices = #map}, {transform_indices = #map}, {transform_indices = #map1}]} {
    %mul3A = arith.constant 16 : i32
    %mul3A_0 = arith.muli %arg0, %mul3A : i32
    %add3A = arith.addi %mul3A_0, %arg1 : i32
    %mul3A_1 = arith.constant 40 : i32
    %mul3A_2 = arith.muli %add3A, %mul3A_1 : i32
    "tpu.region"() ({
      %run_scoped3A = tpu.sem_alloc : memref<!tpu.dma_semaphore, #tpu.memory_space<semaphore_mem>>
      %dma_start3A_103 = arith.constant 0 : i32
      %dma_start3A_104 = tpu.memref_slice %arg3[%mul3A_2, %dma_start3A_103] : memref<1280x128xi32, #tpu.memory_space<hbm>> -> memref<40x128xi32, #tpu.memory_space<hbm>>
      %dma_start3A_105 = arith.constant 0 : i32
      %dma_start3A_106 = tpu.memref_slice %arg3[%mul3A_2, %dma_start3A_105] : memref<1280x128xi32, #tpu.memory_space<hbm>> -> memref<40x128xi32, #tpu.memory_space<hbm>>
      tpu.enqueue_dma source(%dma_start3A_106 : memref<40x128xi32, #tpu.memory_space<hbm>>) target(%arg6 : memref<40x128xi32, #tpu.memory_space<vmem>>) target_semaphore(%run_scoped3A : memref<!tpu.dma_semaphore, #tpu.memory_space<semaphore_mem>>)
      %dma_wait3A_107 = arith.constant 0 : i32
      %dma_wait3A_108 = tpu.memref_slice %arg3[%mul3A_2, %dma_wait3A_107] : memref<1280x128xi32, #tpu.memory_space<hbm>> -> memref<40x128xi32, #tpu.memory_space<hbm>>
      %dma_wait3A_109 = arith.constant 0 : i32
      %dma_wait3A_110 = tpu.memref_slice %arg3[%mul3A_2, %dma_wait3A_109] : memref<1280x128xi32, #tpu.memory_space<hbm>> -> memref<40x128xi32, #tpu.memory_space<hbm>>
      tpu.wait_dma2 semaphore(%run_scoped3A : memref<!tpu.dma_semaphore, #tpu.memory_space<semaphore_mem>>) src(%dma_wait3A_110 : memref<40x128xi32, #tpu.memory_space<hbm>>) dst(%arg6 : memref<40x128xi32, #tpu.memory_space<vmem>>)
      tpu.yield
    }) : () -> ()
    %mul3A_3 = arith.constant 40 : i32
    %mul3A_4 = arith.muli %add3A, %mul3A_3 : i32
    "tpu.region"() ({
      %run_scoped3A = tpu.sem_alloc : memref<!tpu.dma_semaphore, #tpu.memory_space<semaphore_mem>>
      %dma_start3A_103 = arith.constant 0 : i32
      %dma_start3A_104 = tpu.memref_slice %arg4[%mul3A_4, %dma_start3A_103] : memref<1280x128xi32, #tpu.memory_space<hbm>> -> memref<40x128xi32, #tpu.memory_space<hbm>>
      %dma_start3A_105 = arith.constant 0 : i32
      %dma_start3A_106 = tpu.memref_slice %arg4[%mul3A_4, %dma_start3A_105] : memref<1280x128xi32, #tpu.memory_space<hbm>> -> memref<40x128xi32, #tpu.memory_space<hbm>>
      tpu.enqueue_dma source(%dma_start3A_106 : memref<40x128xi32, #tpu.memory_space<hbm>>) target(%arg7 : memref<40x128xi32, #tpu.memory_space<vmem>>) target_semaphore(%run_scoped3A : memref<!tpu.dma_semaphore, #tpu.memory_space<semaphore_mem>>)
      %dma_wait3A_107 = arith.constant 0 : i32
      %dma_wait3A_108 = tpu.memref_slice %arg4[%mul3A_4, %dma_wait3A_107] : memref<1280x128xi32, #tpu.memory_space<hbm>> -> memref<40x128xi32, #tpu.memory_space<hbm>>
      %dma_wait3A_109 = arith.constant 0 : i32
      %dma_wait3A_110 = tpu.memref_slice %arg4[%mul3A_4, %dma_wait3A_109] : memref<1280x128xi32, #tpu.memory_space<hbm>> -> memref<40x128xi32, #tpu.memory_space<hbm>>
      tpu.wait_dma2 semaphore(%run_scoped3A : memref<!tpu.dma_semaphore, #tpu.memory_space<semaphore_mem>>) src(%dma_wait3A_110 : memref<40x128xi32, #tpu.memory_space<hbm>>) dst(%arg7 : memref<40x128xi32, #tpu.memory_space<vmem>>)
      tpu.yield
    }) : () -> ()
    %scan3A = arith.constant 0 : i32
    %scan3A_5 = arith.constant 0 : i32
    %scan3A_6 = arith.constant 128 : i32
    %scan3A_7 = arith.addi %scan3A_5, %scan3A_6 : i32
    %scan3A_8 = arith.constant 1 : i32
    scf.for %scan3A_103 = %scan3A_5 to %scan3A_7 step %scan3A_8  : i32 {
      %broadcast_in_dim3A = arith.constant 0.000000e+00 : f32
      %broadcast_in_dim3A_104 = vector.broadcast %broadcast_in_dim3A : f32 to vector<16xf32>
      %swap3A = arith.index_cast %scan3A_103 : i32 to index
      %swap3A_105 = arith.constant 0 : index
      %swap3A_106 = tpu.vector_load %arg8[%swap3A, %swap3A_105] {strides = array<i32>} : memref<128x128xf32, #tpu.memory_space<vmem>>, vector<1x16xf32>,
      %swap3A_107 = vector.shape_cast %swap3A_106 : vector<1x16xf32> to vector<16xf32>
      %swap3A_108 = vector.shape_cast %broadcast_in_dim3A_104 : vector<16xf32> to vector<1x16xf32>
      tpu.vector_store %arg8[%swap3A, %swap3A_105], %swap3A_108 {strides = array<i32>} : memref<128x128xf32, #tpu.memory_space<vmem>>, vector<1x16xf32>,
      %broadcast_in_dim3A_109 = arith.constant 0.000000e+00 : f32
      %broadcast_in_dim3A_110 = vector.broadcast %broadcast_in_dim3A_109 : f32 to vector<16xf32>
      %swap3A_111 = arith.index_cast %scan3A_103 : i32 to index
      %swap3A_112 = arith.constant 16 : index
      %swap3A_113 = tpu.vector_load %arg8[%swap3A_111, %swap3A_112] {strides = array<i32>} : memref<128x128xf32, #tpu.memory_space<vmem>>, vector<1x16xf32>,
      %swap3A_114 = vector.shape_cast %swap3A_113 : vector<1x16xf32> to vector<16xf32>
      %swap3A_115 = vector.shape_cast %broadcast_in_dim3A_110 : vector<16xf32> to vector<1x16xf32>
      tpu.vector_store %arg8[%swap3A_111, %swap3A_112], %swap3A_115 {strides = array<i32>} : memref<128x128xf32, #tpu.memory_space<vmem>>, vector<1x16xf32>,
      %broadcast_in_dim3A_116 = arith.constant 0.000000e+00 : f32
      %broadcast_in_dim3A_117 = vector.broadcast %broadcast_in_dim3A_116 : f32 to vector<16xf32>
      %swap3A_118 = arith.index_cast %scan3A_103 : i32 to index
      %swap3A_119 = arith.constant 32 : index
      %swap3A_120 = tpu.vector_load %arg8[%swap3A_118, %swap3A_119] {strides = array<i32>} : memref<128x128xf32, #tpu.memory_space<vmem>>, vector<1x16xf32>,
      %swap3A_121 = vector.shape_cast %swap3A_120 : vector<1x16xf32> to vector<16xf32>
      %swap3A_122 = vector.shape_cast %broadcast_in_dim3A_117 : vector<16xf32> to vector<1x16xf32>
      tpu.vector_store %arg8[%swap3A_118, %swap3A_119], %swap3A_122 {strides = array<i32>} : memref<128x128xf32, #tpu.memory_space<vmem>>, vector<1x16xf32>,
      %broadcast_in_dim3A_123 = arith.constant 0.000000e+00 : f32
      %broadcast_in_dim3A_124 = vector.broadcast %broadcast_in_dim3A_123 : f32 to vector<16xf32>
      %swap3A_125 = arith.index_cast %scan3A_103 : i32 to index
      %swap3A_126 = arith.constant 48 : index
      %swap3A_127 = tpu.vector_load %arg8[%swap3A_125, %swap3A_126] {strides = array<i32>} : memref<128x128xf32, #tpu.memory_space<vmem>>, vector<1x16xf32>,
      %swap3A_128 = vector.shape_cast %swap3A_127 : vector<1x16xf32> to vector<16xf32>
      %swap3A_129 = vector.shape_cast %broadcast_in_dim3A_124 : vector<16xf32> to vector<1x16xf32>
      tpu.vector_store %arg8[%swap3A_125, %swap3A_126], %swap3A_129 {strides = array<i32>} : memref<128x128xf32, #tpu.memory_space<vmem>>, vector<1x16xf32>,
      %broadcast_in_dim3A_130 = arith.constant 0.000000e+00 : f32
      %broadcast_in_dim3A_131 = vector.broadcast %broadcast_in_dim3A_130 : f32 to vector<16xf32>
      %swap3A_132 = arith.index_cast %scan3A_103 : i32 to index
      %swap3A_133 = arith.constant 64 : index
      %swap3A_134 = tpu.vector_load %arg8[%swap3A_132, %swap3A_133] {strides = array<i32>} : memref<128x128xf32, #tpu.memory_space<vmem>>, vector<1x16xf32>,
      %swap3A_135 = vector.shape_cast %swap3A_134 : vector<1x16xf32> to vector<16xf32>
      %swap3A_136 = vector.shape_cast %broadcast_in_dim3A_131 : vector<16xf32> to vector<1x16xf32>
      tpu.vector_store %arg8[%swap3A_132, %swap3A_133], %swap3A_136 {strides = array<i32>} : memref<128x128xf32, #tpu.memory_space<vmem>>, vector<1x16xf32>,
      %broadcast_in_dim3A_137 = arith.constant 0.000000e+00 : f32
      %broadcast_in_dim3A_138 = vector.broadcast %broadcast_in_dim3A_137 : f32 to vector<16xf32>
      %swap3A_139 = arith.index_cast %scan3A_103 : i32 to index
      %swap3A_140 = arith.constant 80 : index
      %swap3A_141 = tpu.vector_load %arg8[%swap3A_139, %swap3A_140] {strides = array<i32>} : memref<128x128xf32, #tpu.memory_space<vmem>>, vector<1x16xf32>,
      %swap3A_142 = vector.shape_cast %swap3A_141 : vector<1x16xf32> to vector<16xf32>
      %swap3A_143 = vector.shape_cast %broadcast_in_dim3A_138 : vector<16xf32> to vector<1x16xf32>
      tpu.vector_store %arg8[%swap3A_139, %swap3A_140], %swap3A_143 {strides = array<i32>} : memref<128x128xf32, #tpu.memory_space<vmem>>, vector<1x16xf32>,
      %broadcast_in_dim3A_144 = arith.constant 0.000000e+00 : f32
      %broadcast_in_dim3A_145 = vector.broadcast %broadcast_in_dim3A_144 : f32 to vector<16xf32>
      %swap3A_146 = arith.index_cast %scan3A_103 : i32 to index
      %swap3A_147 = arith.constant 96 : index
      %swap3A_148 = tpu.vector_load %arg8[%swap3A_146, %swap3A_147] {strides = array<i32>} : memref<128x128xf32, #tpu.memory_space<vmem>>, vector<1x16xf32>,
      %swap3A_149 = vector.shape_cast %swap3A_148 : vector<1x16xf32> to vector<16xf32>
      %swap3A_150 = vector.shape_cast %broadcast_in_dim3A_145 : vector<16xf32> to vector<1x16xf32>
      tpu.vector_store %arg8[%swap3A_146, %swap3A_147], %swap3A_150 {strides = array<i32>} : memref<128x128xf32, #tpu.memory_space<vmem>>, vector<1x16xf32>,
      %broadcast_in_dim3A_151 = arith.constant 0.000000e+00 : f32
      %broadcast_in_dim3A_152 = vector.broadcast %broadcast_in_dim3A_151 : f32 to vector<16xf32>
      %swap3A_153 = arith.index_cast %scan3A_103 : i32 to index
      %swap3A_154 = arith.constant 112 : index
      %swap3A_155 = tpu.vector_load %arg8[%swap3A_153, %swap3A_154] {strides = array<i32>} : memref<128x128xf32, #tpu.memory_space<vmem>>, vector<1x16xf32>,
      %swap3A_156 = vector.shape_cast %swap3A_155 : vector<1x16xf32> to vector<16xf32>
      %swap3A_157 = vector.shape_cast %broadcast_in_dim3A_152 : vector<16xf32> to vector<1x16xf32>
      tpu.vector_store %arg8[%swap3A_153, %swap3A_154], %swap3A_157 {strides = array<i32>} : memref<128x128xf32, #tpu.memory_space<vmem>>, vector<1x16xf32>,
    }
    %scan3A_9 = arith.constant 128 : i32
    %mul3A_10 = arith.constant 640 : i32
    %mul3A_11 = arith.muli %arg1, %mul3A_10 : i32
    %add3A_12 = arith.constant 0 : i32
    %add3A_13 = arith.addi %mul3A_11, %add3A_12 : i32
    %dma_start3A = arith.constant 0 : i32
    %dma_start3A_14 = tpu.memref_slice %arg12[%add3A_13, %dma_start3A] : memref<10240x128xf32, #tpu.memory_space<vmem_shared>> -> memref<128x128xf32, #tpu.memory_space<vmem_shared>>
    %dma_start3A_15 = arith.constant 0 : i32
    %dma_start3A_16 = tpu.memref_slice %arg12[%add3A_13, %dma_start3A_15] : memref<10240x128xf32, #tpu.memory_space<vmem_shared>> -> memref<128x128xf32, #tpu.memory_space<vmem_shared>>
    tpu.enqueue_dma source(%arg8 : memref<128x128xf32, #tpu.memory_space<vmem>>) target(%dma_start3A_16 : memref<128x128xf32, #tpu.memory_space<vmem_shared>>) target_semaphore(%arg10 : memref<!tpu.dma_semaphore, #tpu.memory_space<semaphore_mem>>)
    %mul3A_17 = arith.constant 640 : i32
    %mul3A_18 = arith.muli %arg1, %mul3A_17 : i32
    %add3A_19 = arith.constant 128 : i32
    %add3A_20 = arith.addi %mul3A_18, %add3A_19 : i32
    %dma_start3A_21 = arith.constant 0 : i32
    %dma_start3A_22 = tpu.memref_slice %arg12[%add3A_20, %dma_start3A_21] : memref<10240x128xf32, #tpu.memory_space<vmem_shared>> -> memref<128x128xf32, #tpu.memory_space<vmem_shared>>
    %dma_start3A_23 = arith.constant 0 : i32
    %dma_start3A_24 = tpu.memref_slice %arg12[%add3A_20, %dma_start3A_23] : memref<10240x128xf32, #tpu.memory_space<vmem_shared>> -> memref<128x128xf32, #tpu.memory_space<vmem_shared>>
    tpu.enqueue_dma source(%arg8 : memref<128x128xf32, #tpu.memory_space<vmem>>) target(%dma_start3A_24 : memref<128x128xf32, #tpu.memory_space<vmem_shared>>) target_semaphore(%arg10 : memref<!tpu.dma_semaphore, #tpu.memory_space<semaphore_mem>>)
    %mul3A_25 = arith.constant 640 : i32
    %mul3A_26 = arith.muli %arg1, %mul3A_25 : i32
    %add3A_27 = arith.constant 256 : i32
    %add3A_28 = arith.addi %mul3A_26, %add3A_27 : i32
    %dma_start3A_29 = arith.constant 0 : i32
    %dma_start3A_30 = tpu.memref_slice %arg12[%add3A_28, %dma_start3A_29] : memref<10240x128xf32, #tpu.memory_space<vmem_shared>> -> memref<128x128xf32, #tpu.memory_space<vmem_shared>>
    %dma_start3A_31 = arith.constant 0 : i32
    %dma_start3A_32 = tpu.memref_slice %arg12[%add3A_28, %dma_start3A_31] : memref<10240x128xf32, #tpu.memory_space<vmem_shared>> -> memref<128x128xf32, #tpu.memory_space<vmem_shared>>
    tpu.enqueue_dma source(%arg8 : memref<128x128xf32, #tpu.memory_space<vmem>>) target(%dma_start3A_32 : memref<128x128xf32, #tpu.memory_space<vmem_shared>>) target_semaphore(%arg10 : memref<!tpu.dma_semaphore, #tpu.memory_space<semaphore_mem>>)
    %mul3A_33 = arith.constant 640 : i32
    %mul3A_34 = arith.muli %arg1, %mul3A_33 : i32
    %add3A_35 = arith.constant 384 : i32
    %add3A_36 = arith.addi %mul3A_34, %add3A_35 : i32
    %dma_start3A_37 = arith.constant 0 : i32
    %dma_start3A_38 = tpu.memref_slice %arg12[%add3A_36, %dma_start3A_37] : memref<10240x128xf32, #tpu.memory_space<vmem_shared>> -> memref<128x128xf32, #tpu.memory_space<vmem_shared>>
    %dma_start3A_39 = arith.constant 0 : i32
    %dma_start3A_40 = tpu.memref_slice %arg12[%add3A_36, %dma_start3A_39] : memref<10240x128xf32, #tpu.memory_space<vmem_shared>> -> memref<128x128xf32, #tpu.memory_space<vmem_shared>>
    tpu.enqueue_dma source(%arg8 : memref<128x128xf32, #tpu.memory_space<vmem>>) target(%dma_start3A_40 : memref<128x128xf32, #tpu.memory_space<vmem_shared>>) target_semaphore(%arg10 : memref<!tpu.dma_semaphore, #tpu.memory_space<semaphore_mem>>)
    %mul3A_41 = arith.constant 640 : i32
    %mul3A_42 = arith.muli %arg1, %mul3A_41 : i32
    %add3A_43 = arith.constant 512 : i32
    %add3A_44 = arith.addi %mul3A_42, %add3A_43 : i32
    %dma_start3A_45 = arith.constant 0 : i32
    %dma_start3A_46 = tpu.memref_slice %arg12[%add3A_44, %dma_start3A_45] : memref<10240x128xf32, #tpu.memory_space<vmem_shared>> -> memref<128x128xf32, #tpu.memory_space<vmem_shared>>
    %dma_start3A_47 = arith.constant 0 : i32
    %dma_start3A_48 = tpu.memref_slice %arg12[%add3A_44, %dma_start3A_47] : memref<10240x128xf32, #tpu.memory_space<vmem_shared>> -> memref<128x128xf32, #tpu.memory_space<vmem_shared>>
    tpu.enqueue_dma source(%arg8 : memref<128x128xf32, #tpu.memory_space<vmem>>) target(%dma_start3A_48 : memref<128x128xf32, #tpu.memory_space<vmem_shared>>) target_semaphore(%arg10 : memref<!tpu.dma_semaphore, #tpu.memory_space<semaphore_mem>>)
    %dma_wait3A = arith.constant 0 : i32
    %dma_wait3A_49 = arith.constant 0 : i32
    %dma_wait3A_50 = tpu.memref_slice %arg2[%dma_wait3A, %dma_wait3A_49] : memref<10000x128xf32, #tpu.memory_space<hbm>> -> memref<128x128xf32, #tpu.memory_space<hbm>>
    %dma_wait3A_51 = arith.constant 0 : i32
    %dma_wait3A_52 = arith.constant 0 : i32
    %dma_wait3A_53 = tpu.memref_slice %arg2[%dma_wait3A_51, %dma_wait3A_52] : memref<10000x128xf32, #tpu.memory_space<hbm>> -> memref<128x128xf32, #tpu.memory_space<hbm>>
    tpu.wait_dma2 semaphore(%arg10 : memref<!tpu.dma_semaphore, #tpu.memory_space<semaphore_mem>>) src(%dma_wait3A_53 : memref<128x128xf32, #tpu.memory_space<hbm>>) dst(%arg8 : memref<128x128xf32, #tpu.memory_space<vmem>>)
    %dma_wait3A_54 = arith.constant 0 : i32
    %dma_wait3A_55 = arith.constant 0 : i32
    %dma_wait3A_56 = tpu.memref_slice %arg2[%dma_wait3A_54, %dma_wait3A_55] : memref<10000x128xf32, #tpu.memory_space<hbm>> -> memref<128x128xf32, #tpu.memory_space<hbm>>
    %dma_wait3A_57 = arith.constant 0 : i32
    %dma_wait3A_58 = arith.constant 0 : i32
    %dma_wait3A_59 = tpu.memref_slice %arg2[%dma_wait3A_57, %dma_wait3A_58] : memref<10000x128xf32, #tpu.memory_space<hbm>> -> memref<128x128xf32, #tpu.memory_space<hbm>>
    tpu.wait_dma2 semaphore(%arg10 : memref<!tpu.dma_semaphore, #tpu.memory_space<semaphore_mem>>) src(%dma_wait3A_59 : memref<128x128xf32, #tpu.memory_space<hbm>>) dst(%arg8 : memref<128x128xf32, #tpu.memory_space<vmem>>)
    %dma_wait3A_60 = arith.constant 0 : i32
    %dma_wait3A_61 = arith.constant 0 : i32
    %dma_wait3A_62 = tpu.memref_slice %arg2[%dma_wait3A_60, %dma_wait3A_61] : memref<10000x128xf32, #tpu.memory_space<hbm>> -> memref<128x128xf32, #tpu.memory_space<hbm>>
    %dma_wait3A_63 = arith.constant 0 : i32
    %dma_wait3A_64 = arith.constant 0 : i32
    %dma_wait3A_65 = tpu.memref_slice %arg2[%dma_wait3A_63, %dma_wait3A_64] : memref<10000x128xf32, #tpu.memory_space<hbm>> -> memref<128x128xf32, #tpu.memory_space<hbm>>
    tpu.wait_dma2 semaphore(%arg10 : memref<!tpu.dma_semaphore, #tpu.memory_space<semaphore_mem>>) src(%dma_wait3A_65 : memref<128x128xf32, #tpu.memory_space<hbm>>) dst(%arg8 : memref<128x128xf32, #tpu.memory_space<vmem>>)
    %dma_wait3A_66 = arith.constant 0 : i32
    %dma_wait3A_67 = arith.constant 0 : i32
    %dma_wait3A_68 = tpu.memref_slice %arg2[%dma_wait3A_66, %dma_wait3A_67] : memref<10000x128xf32, #tpu.memory_space<hbm>> -> memref<128x128xf32, #tpu.memory_space<hbm>>
    %dma_wait3A_69 = arith.constant 0 : i32
    %dma_wait3A_70 = arith.constant 0 : i32
    %dma_wait3A_71 = tpu.memref_slice %arg2[%dma_wait3A_69, %dma_wait3A_70] : memref<10000x128xf32, #tpu.memory_space<hbm>> -> memref<128x128xf32, #tpu.memory_space<hbm>>
    tpu.wait_dma2 semaphore(%arg10 : memref<!tpu.dma_semaphore, #tpu.memory_space<semaphore_mem>>) src(%dma_wait3A_71 : memref<128x128xf32, #tpu.memory_space<hbm>>) dst(%arg8 : memref<128x128xf32, #tpu.memory_space<vmem>>)
    %dma_wait3A_72 = arith.constant 0 : i32
    %dma_wait3A_73 = arith.constant 0 : i32
    %dma_wait3A_74 = tpu.memref_slice %arg2[%dma_wait3A_72, %dma_wait3A_73] : memref<10000x128xf32, #tpu.memory_space<hbm>> -> memref<128x128xf32, #tpu.memory_space<hbm>>
    %dma_wait3A_75 = arith.constant 0 : i32
    %dma_wait3A_76 = arith.constant 0 : i32
    %dma_wait3A_77 = tpu.memref_slice %arg2[%dma_wait3A_75, %dma_wait3A_76] : memref<10000x128xf32, #tpu.memory_space<hbm>> -> memref<128x128xf32, #tpu.memory_space<hbm>>
    tpu.wait_dma2 semaphore(%arg10 : memref<!tpu.dma_semaphore, #tpu.memory_space<semaphore_mem>>) src(%dma_wait3A_77 : memref<128x128xf32, #tpu.memory_space<hbm>>) dst(%arg8 : memref<128x128xf32, #tpu.memory_space<vmem>>)
    %dma_start3A_78 = arith.constant 0 : i32
    %dma_start3A_79 = arith.constant 0 : i32
    %dma_start3A_80 = tpu.memref_slice %arg6[%dma_start3A_78, %dma_start3A_79] : memref<40x128xi32, #tpu.memory_space<vmem>> -> memref<1x128xi32, #tpu.memory_space<vmem>>
    %dma_start3A_81 = tpu.memref_squeeze %dma_start3A_80 : memref<1x128xi32, #tpu.memory_space<vmem>> -> memref<128xi32, #tpu.memory_space<vmem>>
    %dma_start3A_82 = arith.constant 0 : i32
    %dma_start3A_83 = arith.constant 0 : i32
    %dma_start3A_84 = tpu.memref_slice %arg2[%dma_start3A_82, %dma_start3A_83] : memref<10000x128xf32, #tpu.memory_space<hbm>> -> memref<10000x128xf32, #tpu.memory_space<hbm>>
    tpu.enqueue_indirect_dma source(%dma_start3A_84 : memref<10000x128xf32, #tpu.memory_space<hbm>>) target(%arg8 : memref<128x128xf32, #tpu.memory_space<vmem>>) offsets(%dma_start3A_81 : memref<128xi32, #tpu.memory_space<vmem>>) semaphore(%arg10 : memref<!tpu.dma_semaphore, #tpu.memory_space<semaphore_mem>>)
    %dma_start3A_85 = arith.constant 1 : i32
    %dma_start3A_86 = arith.constant 0 : i32
    %dma_start3A_87 = tpu.memref_slice %arg6[%dma_start3A_85, %dma_start3A_86] : memref<40x128xi32, #tpu.memory_space<vmem>> -> memref<1x128xi32, #tpu.memory_space<vmem>>
    %dma_start3A_88 = tpu.memref_squeeze %dma_start3A_87 : memref<1x128xi32, #tpu.memory_space<vmem>> -> memref<128xi32, #tpu.memory_space<vmem>>
    %dma_start3A_89 = arith.constant 0 : i32
    %dma_start3A_90 = arith.constant 0 : i32
    %dma_start3A_91 = tpu.memref_slice %arg2[%dma_start3A_89, %dma_start3A_90] : memref<10000x128xf32, #tpu.memory_space<hbm>> -> memref<10000x128xf32, #tpu.memory_space<hbm>>
    tpu.enqueue_indirect_dma source(%dma_start3A_91 : memref<10000x128xf32, #tpu.memory_space<hbm>>) target(%arg9 : memref<128x128xf32, #tpu.memory_space<vmem>>) offsets(%dma_start3A_88 : memref<128xi32, #tpu.memory_space<vmem>>) semaphore(%arg11 : memref<!tpu.dma_semaphore, #tpu.memory_space<semaphore_mem>>)
    %barrier3A = arith.constant 0 : index
    tpu.barrier barrier_id(%barrier3A)
    %scan3A_92 = arith.constant 0 : i32
    %scan3A_93 = arith.constant 0 : i32
    %scan3A_94 = arith.constant 20 : i32
    %scan3A_95 = arith.addi %scan3A_93, %scan3A_94 : i32
    %scan3A_96 = arith.constant 1 : i32
    scf.for %scan3A_103 = %scan3A_93 to %scan3A_95 step %scan3A_96  : i32 {
      %mul3A_104 = arith.constant 2 : i32
      %mul3A_105 = arith.muli %mul3A_104, %scan3A_103 : i32
      %dma_wait3A_106 = arith.constant 0 : i32
      %dma_wait3A_107 = arith.constant 0 : i32
      %dma_wait3A_108 = tpu.memref_slice %arg2[%dma_wait3A_106, %dma_wait3A_107] : memref<10000x128xf32, #tpu.memory_space<hbm>> -> memref<128x128xf32, #tpu.memory_space<hbm>>
      %dma_wait3A_109 = arith.constant 0 : i32
      %dma_wait3A_110 = arith.constant 0 : i32
      %dma_wait3A_111 = tpu.memref_slice %arg2[%dma_wait3A_109, %dma_wait3A_110] : memref<10000x128xf32, #tpu.memory_space<hbm>> -> memref<128x128xf32, #tpu.memory_space<hbm>>
      tpu.wait_dma2 semaphore(%arg10 : memref<!tpu.dma_semaphore, #tpu.memory_space<semaphore_mem>>) src(%dma_wait3A_111 : memref<128x128xf32, #tpu.memory_space<hbm>>) dst(%arg8 : memref<128x128xf32, #tpu.memory_space<vmem>>)
      "tpu.region"() ({
        %run_scoped3A = tpu.sem_alloc : memref<!tpu.dma_semaphore, #tpu.memory_space<semaphore_mem>>
        %dma_start3A_131 = arith.constant 0 : i32
        %dma_start3A_132 = tpu.memref_slice %arg7[%mul3A_105, %dma_start3A_131] : memref<40x128xi32, #tpu.memory_space<vmem>> -> memref<1x128xi32, #tpu.memory_space<vmem>>
        %dma_start3A_133 = tpu.memref_squeeze %dma_start3A_132 : memref<1x128xi32, #tpu.memory_space<vmem>> -> memref<128xi32, #tpu.memory_space<vmem>>
        %dma_start3A_134 = arith.constant 0 : i32
        %dma_start3A_135 = arith.constant 0 : i32
        %dma_start3A_136 = tpu.memref_slice %arg12[%dma_start3A_134, %dma_start3A_135] : memref<10240x128xf32, #tpu.memory_space<vmem_shared>> -> memref<10240x128xf32, #tpu.memory_space<vmem_shared>>
        tpu.enqueue_indirect_dma source(%arg8 : memref<128x128xf32, #tpu.memory_space<vmem>>) target(%dma_start3A_136 : memref<10240x128xf32, #tpu.memory_space<vmem_shared>>) offsets(%dma_start3A_133 : memref<128xi32, #tpu.memory_space<vmem>>) semaphore(%run_scoped3A : memref<!tpu.dma_semaphore, #tpu.memory_space<semaphore_mem>>) {add = true}
        %dma_wait3A_137 = arith.constant 0 : i32
        %dma_wait3A_138 = tpu.memref_slice %arg7[%mul3A_105, %dma_wait3A_137] : memref<40x128xi32, #tpu.memory_space<vmem>> -> memref<1x128xi32, #tpu.memory_space<vmem>>
        %dma_wait3A_139 = tpu.memref_squeeze %dma_wait3A_138 : memref<1x128xi32, #tpu.memory_space<vmem>> -> memref<128xi32, #tpu.memory_space<vmem>>
        %dma_wait3A_140 = arith.constant 0 : i32
        %dma_wait3A_141 = arith.constant 0 : i32
        %dma_wait3A_142 = tpu.memref_slice %arg12[%dma_wait3A_140, %dma_wait3A_141] : memref<10240x128xf32, #tpu.memory_space<vmem_shared>> -> memref<10240x128xf32, #tpu.memory_space<vmem_shared>>
        tpu.wait_indirect_dma semaphore(%run_scoped3A : memref<!tpu.dma_semaphore, #tpu.memory_space<semaphore_mem>>) src(%arg8 : memref<128x128xf32, #tpu.memory_space<vmem>>) dst(%dma_wait3A_142 : memref<10240x128xf32, #tpu.memory_space<vmem_shared>>)
        tpu.yield
      }) : () -> ()
      %add3A_112 = arith.constant 2 : i32
      %add3A_113 = arith.addi %mul3A_105, %add3A_112 : i32
      %lt3A = arith.constant 40 : i32
      %lt3A_114 = arith.cmpi slt, %add3A_113, %lt3A : i32
      %convert_element_type3A = arith.extui %lt3A_114 : i1 to i32
      %cond3A = arith.constant 0 : i32
      %cond3A_115 = arith.cmpi ne, %convert_element_type3A, %cond3A : i32
      scf.if %cond3A_115 {
        %add3A_131 = arith.constant 2 : i32
        %add3A_132 = arith.addi %mul3A_105, %add3A_131 : i32
        %dma_start3A_133 = arith.constant 0 : i32
        %dma_start3A_134 = tpu.memref_slice %arg6[%add3A_132, %dma_start3A_133] : memref<40x128xi32, #tpu.memory_space<vmem>> -> memref<1x128xi32, #tpu.memory_space<vmem>>
        %dma_start3A_135 = tpu.memref_squeeze %dma_start3A_134 : memref<1x128xi32, #tpu.memory_space<vmem>> -> memref<128xi32, #tpu.memory_space<vmem>>
        %dma_start3A_136 = arith.constant 0 : i32
        %dma_start3A_137 = arith.constant 0 : i32
        %dma_start3A_138 = tpu.memref_slice %arg2[%dma_start3A_136, %dma_start3A_137] : memref<10000x128xf32, #tpu.memory_space<hbm>> -> memref<10000x128xf32, #tpu.memory_space<hbm>>
        tpu.enqueue_indirect_dma source(%dma_start3A_138 : memref<10000x128xf32, #tpu.memory_space<hbm>>) target(%arg8 : memref<128x128xf32, #tpu.memory_space<vmem>>) offsets(%dma_start3A_135 : memref<128xi32, #tpu.memory_space<vmem>>) semaphore(%arg10 : memref<!tpu.dma_semaphore, #tpu.memory_space<semaphore_mem>>)
      } else {
      }
      %dma_wait3A_116 = arith.constant 0 : i32
      %dma_wait3A_117 = arith.constant 0 : i32
      %dma_wait3A_118 = tpu.memref_slice %arg2[%dma_wait3A_116, %dma_wait3A_117] : memref<10000x128xf32, #tpu.memory_space<hbm>> -> memref<128x128xf32, #tpu.memory_space<hbm>>
      %dma_wait3A_119 = arith.constant 0 : i32
      %dma_wait3A_120 = arith.constant 0 : i32
      %dma_wait3A_121 = tpu.memref_slice %arg2[%dma_wait3A_119, %dma_wait3A_120] : memref<10000x128xf32, #tpu.memory_space<hbm>> -> memref<128x128xf32, #tpu.memory_space<hbm>>
      tpu.wait_dma2 semaphore(%arg11 : memref<!tpu.dma_semaphore, #tpu.memory_space<semaphore_mem>>) src(%dma_wait3A_121 : memref<128x128xf32, #tpu.memory_space<hbm>>) dst(%arg9 : memref<128x128xf32, #tpu.memory_space<vmem>>)
      %add3A_122 = arith.constant 1 : i32
      %add3A_123 = arith.addi %mul3A_105, %add3A_122 : i32
      "tpu.region"() ({
        %run_scoped3A = tpu.sem_alloc : memref<!tpu.dma_semaphore, #tpu.memory_space<semaphore_mem>>
        %dma_start3A_131 = arith.constant 0 : i32
        %dma_start3A_132 = tpu.memref_slice %arg7[%add3A_123, %dma_start3A_131] : memref<40x128xi32, #tpu.memory_space<vmem>> -> memref<1x128xi32, #tpu.memory_space<vmem>>
        %dma_start3A_133 = tpu.memref_squeeze %dma_start3A_132 : memref<1x128xi32, #tpu.memory_space<vmem>> -> memref<128xi32, #tpu.memory_space<vmem>>
        %dma_start3A_134 = arith.constant 0 : i32
        %dma_start3A_135 = arith.constant 0 : i32
        %dma_start3A_136 = tpu.memref_slice %arg12[%dma_start3A_134, %dma_start3A_135] : memref<10240x128xf32, #tpu.memory_space<vmem_shared>> -> memref<10240x128xf32, #tpu.memory_space<vmem_shared>>
        tpu.enqueue_indirect_dma source(%arg9 : memref<128x128xf32, #tpu.memory_space<vmem>>) target(%dma_start3A_136 : memref<10240x128xf32, #tpu.memory_space<vmem_shared>>) offsets(%dma_start3A_133 : memref<128xi32, #tpu.memory_space<vmem>>) semaphore(%run_scoped3A : memref<!tpu.dma_semaphore, #tpu.memory_space<semaphore_mem>>) {add = true}
        %dma_wait3A_137 = arith.constant 0 : i32
        %dma_wait3A_138 = tpu.memref_slice %arg7[%add3A_123, %dma_wait3A_137] : memref<40x128xi32, #tpu.memory_space<vmem>> -> memref<1x128xi32, #tpu.memory_space<vmem>>
        %dma_wait3A_139 = tpu.memref_squeeze %dma_wait3A_138 : memref<1x128xi32, #tpu.memory_space<vmem>> -> memref<128xi32, #tpu.memory_space<vmem>>
        %dma_wait3A_140 = arith.constant 0 : i32
        %dma_wait3A_141 = arith.constant 0 : i32
        %dma_wait3A_142 = tpu.memref_slice %arg12[%dma_wait3A_140, %dma_wait3A_141] : memref<10240x128xf32, #tpu.memory_space<vmem_shared>> -> memref<10240x128xf32, #tpu.memory_space<vmem_shared>>
        tpu.wait_indirect_dma semaphore(%run_scoped3A : memref<!tpu.dma_semaphore, #tpu.memory_space<semaphore_mem>>) src(%arg9 : memref<128x128xf32, #tpu.memory_space<vmem>>) dst(%dma_wait3A_142 : memref<10240x128xf32, #tpu.memory_space<vmem_shared>>)
        tpu.yield
      }) : () -> ()
      %add3A_124 = arith.constant 3 : i32
      %add3A_125 = arith.addi %mul3A_105, %add3A_124 : i32
      %lt3A_126 = arith.constant 40 : i32
      %lt3A_127 = arith.cmpi slt, %add3A_125, %lt3A_126 : i32
      %convert_element_type3A_128 = arith.extui %lt3A_127 : i1 to i32
      %cond3A_129 = arith.constant 0 : i32
      %cond3A_130 = arith.cmpi ne, %convert_element_type3A_128, %cond3A_129 : i32
      scf.if %cond3A_130 {
        %add3A_131 = arith.constant 3 : i32
        %add3A_132 = arith.addi %mul3A_105, %add3A_131 : i32
        %dma_start3A_133 = arith.constant 0 : i32
        %dma_start3A_134 = tpu.memref_slice %arg6[%add3A_132, %dma_start3A_133] : memref<40x128xi32, #tpu.memory_space<vmem>> -> memref<1x128xi32, #tpu.memory_space<vmem>>
        %dma_start3A_135 = tpu.memref_squeeze %dma_start3A_134 : memref<1x128xi32, #tpu.memory_space<vmem>> -> memref<128xi32, #tpu.memory_space<vmem>>
        %dma_start3A_136 = arith.constant 0 : i32
        %dma_start3A_137 = arith.constant 0 : i32
        %dma_start3A_138 = tpu.memref_slice %arg2[%dma_start3A_136, %dma_start3A_137] : memref<10000x128xf32, #tpu.memory_space<hbm>> -> memref<10000x128xf32, #tpu.memory_space<hbm>>
        tpu.enqueue_indirect_dma source(%dma_start3A_138 : memref<10000x128xf32, #tpu.memory_space<hbm>>) target(%arg9 : memref<128x128xf32, #tpu.memory_space<vmem>>) offsets(%dma_start3A_135 : memref<128xi32, #tpu.memory_space<vmem>>) semaphore(%arg11 : memref<!tpu.dma_semaphore, #tpu.memory_space<semaphore_mem>>)
      } else {
      }
    }
    %scan3A_97 = arith.constant 20 : i32
    %barrier3A_98 = arith.constant 0 : index
    tpu.barrier barrier_id(%barrier3A_98)
    %mul3A_99 = arith.constant 640 : i32
    %mul3A_100 = arith.muli %arg1, %mul3A_99 : i32
    %mul3A_101 = arith.constant 640 : i32
    %mul3A_102 = arith.muli %arg1, %mul3A_101 : i32
    "tpu.region"() ({
      %run_scoped3A = tpu.sem_alloc : memref<!tpu.dma_semaphore, #tpu.memory_space<semaphore_mem>>
      %dma_start3A_103 = arith.constant 0 : i32
      %dma_start3A_104 = tpu.memref_slice %arg5[%arg0, %mul3A_102, %dma_start3A_103] : memref<2x10240x128xf32, #tpu.memory_space<hbm>> -> memref<1x640x128xf32, #tpu.memory_space<hbm>>
      %dma_start3A_105 = tpu.memref_squeeze %dma_start3A_104 : memref<1x640x128xf32, #tpu.memory_space<hbm>> -> memref<640x128xf32, #tpu.memory_space<hbm>>
      %dma_start3A_106 = arith.constant 0 : i32
      %dma_start3A_107 = tpu.memref_slice %arg12[%mul3A_100, %dma_start3A_106] : memref<10240x128xf32, #tpu.memory_space<vmem_shared>> -> memref<640x128xf32, #tpu.memory_space<vmem_shared>>
      tpu.enqueue_dma source(%dma_start3A_107 : memref<640x128xf32, #tpu.memory_space<vmem_shared>>) target(%dma_start3A_105 : memref<640x128xf32, #tpu.memory_space<hbm>>) target_semaphore(%run_scoped3A : memref<!tpu.dma_semaphore, #tpu.memory_space<semaphore_mem>>)
      %dma_wait3A_108 = arith.constant 0 : i32
      %dma_wait3A_109 = tpu.memref_slice %arg5[%arg0, %mul3A_102, %dma_wait3A_108] : memref<2x10240x128xf32, #tpu.memory_space<hbm>> -> memref<1x640x128xf32, #tpu.memory_space<hbm>>
      %dma_wait3A_110 = tpu.memref_squeeze %dma_wait3A_109 : memref<1x640x128xf32, #tpu.memory_space<hbm>> -> memref<640x128xf32, #tpu.memory_space<hbm>>
      %dma_wait3A_111 = arith.constant 0 : i32
      %dma_wait3A_112 = tpu.memref_slice %arg12[%mul3A_100, %dma_wait3A_111] : memref<10240x128xf32, #tpu.memory_space<vmem_shared>> -> memref<640x128xf32, #tpu.memory_space<vmem_shared>>
      tpu.wait_dma2 semaphore(%run_scoped3A : memref<!tpu.dma_semaphore, #tpu.memory_space<semaphore_mem>>) src(%dma_wait3A_112 : memref<640x128xf32, #tpu.memory_space<vmem_shared>>) dst(%dma_wait3A_110 : memref<640x128xf32, #tpu.memory_space<hbm>>)
      tpu.yield
    }) : () -> ()
    return
  }
}

#map = affine_map<(d0, d1) -> (0, 0)>
#map1 = affine_map<(d0, d1) -> (0, 0, 0)>
module attributes {stable_mosaic.version = 14 : i64} {
  func.func @_segsum_body(%arg0: i32, %arg1: i32, %arg2: memref<10000x128xf32, #tpu.memory_space<hbm>>, %arg3: memref<1280x128xi32, #tpu.memory_space<hbm>>, %arg4: memref<1280x128xi32, #tpu.memory_space<hbm>>, %arg5: memref<2x10240x128xf32, #tpu.memory_space<hbm>>, %arg6: memref<40x128xi32, #tpu.memory_space<vmem>>, %arg7: memref<40x128xi32, #tpu.memory_space<vmem>>, %arg8: memref<128x128xf32, #tpu.memory_space<vmem>>, %arg9: memref<128x128xf32, #tpu.memory_space<vmem>>, %arg10: memref<!tpu.dma_semaphore, #tpu.memory_space<semaphore_mem>>, %arg11: memref<!tpu.dma_semaphore, #tpu.memory_space<semaphore_mem>>, %arg12: memref<10240x128xf32, #tpu.memory_space<vmem_shared>>) attributes {dimension_semantics = [#tpu.dimension_semantics<core_parallel>, #tpu.dimension_semantics<subcore_parallel>], iteration_bounds = array<i64: 2, 16>, scalar_prefetch = 0 : i64, scratch_operands = 7 : i64, tpu.core_type = #tpu.core_type<sc_vector_subcore>, window_params = [{transform_indices = #map}, {transform_indices = #map}, {transform_indices = #map}, {transform_indices = #map1}]} {
    %mul3A = arith.constant 16 : i32
    %mul3A_0 = arith.muli %arg0, %mul3A : i32
    %add3A = arith.addi %mul3A_0, %arg1 : i32
    %mul3A_1 = arith.constant 40 : i32
    %mul3A_2 = arith.muli %add3A, %mul3A_1 : i32
    "tpu.region"() ({
      %run_scoped3A = tpu.sem_alloc : memref<!tpu.dma_semaphore, #tpu.memory_space<semaphore_mem>>
      %dma_start3A_103 = arith.constant 0 : i32
      %dma_start3A_104 = tpu.memref_slice %arg3[%mul3A_2, %dma_start3A_103] : memref<1280x128xi32, #tpu.memory_space<hbm>> -> memref<40x128xi32, #tpu.memory_space<hbm>>
      %dma_start3A_105 = arith.constant 0 : i32
      %dma_start3A_106 = tpu.memref_slice %arg3[%mul3A_2, %dma_start3A_105] : memref<1280x128xi32, #tpu.memory_space<hbm>> -> memref<40x128xi32, #tpu.memory_space<hbm>>
      tpu.enqueue_dma source(%dma_start3A_106 : memref<40x128xi32, #tpu.memory_space<hbm>>) target(%arg6 : memref<40x128xi32, #tpu.memory_space<vmem>>) target_semaphore(%run_scoped3A : memref<!tpu.dma_semaphore, #tpu.memory_space<semaphore_mem>>)
      %dma_wait3A_107 = arith.constant 0 : i32
      %dma_wait3A_108 = tpu.memref_slice %arg3[%mul3A_2, %dma_wait3A_107] : memref<1280x128xi32, #tpu.memory_space<hbm>> -> memref<40x128xi32, #tpu.memory_space<hbm>>
      %dma_wait3A_109 = arith.constant 0 : i32
      %dma_wait3A_110 = tpu.memref_slice %arg3[%mul3A_2, %dma_wait3A_109] : memref<1280x128xi32, #tpu.memory_space<hbm>> -> memref<40x128xi32, #tpu.memory_space<hbm>>
      tpu.wait_dma2 semaphore(%run_scoped3A : memref<!tpu.dma_semaphore, #tpu.memory_space<semaphore_mem>>) src(%dma_wait3A_110 : memref<40x128xi32, #tpu.memory_space<hbm>>) dst(%arg6 : memref<40x128xi32, #tpu.memory_space<vmem>>)
      tpu.yield
    }) : () -> ()
    %mul3A_3 = arith.constant 40 : i32
    %mul3A_4 = arith.muli %add3A, %mul3A_3 : i32
    "tpu.region"() ({
      %run_scoped3A = tpu.sem_alloc : memref<!tpu.dma_semaphore, #tpu.memory_space<semaphore_mem>>
      %dma_start3A_103 = arith.constant 0 : i32
      %dma_start3A_104 = tpu.memref_slice %arg4[%mul3A_4, %dma_start3A_103] : memref<1280x128xi32, #tpu.memory_space<hbm>> -> memref<40x128xi32, #tpu.memory_space<hbm>>
      %dma_start3A_105 = arith.constant 0 : i32
      %dma_start3A_106 = tpu.memref_slice %arg4[%mul3A_4, %dma_start3A_105] : memref<1280x128xi32, #tpu.memory_space<hbm>> -> memref<40x128xi32, #tpu.memory_space<hbm>>
      tpu.enqueue_dma source(%dma_start3A_106 : memref<40x128xi32, #tpu.memory_space<hbm>>) target(%arg7 : memref<40x128xi32, #tpu.memory_space<vmem>>) target_semaphore(%run_scoped3A : memref<!tpu.dma_semaphore, #tpu.memory_space<semaphore_mem>>)
      %dma_wait3A_107 = arith.constant 0 : i32
      %dma_wait3A_108 = tpu.memref_slice %arg4[%mul3A_4, %dma_wait3A_107] : memref<1280x128xi32, #tpu.memory_space<hbm>> -> memref<40x128xi32, #tpu.memory_space<hbm>>
      %dma_wait3A_109 = arith.constant 0 : i32
      %dma_wait3A_110 = tpu.memref_slice %arg4[%mul3A_4, %dma_wait3A_109] : memref<1280x128xi32, #tpu.memory_space<hbm>> -> memref<40x128xi32, #tpu.memory_space<hbm>>
      tpu.wait_dma2 semaphore(%run_scoped3A : memref<!tpu.dma_semaphore, #tpu.memory_space<semaphore_mem>>) src(%dma_wait3A_110 : memref<40x128xi32, #tpu.memory_space<hbm>>) dst(%arg7 : memref<40x128xi32, #tpu.memory_space<vmem>>)
      tpu.yield
    }) : () -> ()
    %scan3A = arith.constant 0 : i32
    %scan3A_5 = arith.constant 0 : i32
    %scan3A_6 = arith.constant 128 : i32
    %scan3A_7 = arith.addi %scan3A_5, %scan3A_6 : i32
    %scan3A_8 = arith.constant 1 : i32
    scf.for %scan3A_103 = %scan3A_5 to %scan3A_7 step %scan3A_8  : i32 {
      %broadcast_in_dim3A = arith.constant 0.000000e+00 : f32
      %broadcast_in_dim3A_104 = vector.broadcast %broadcast_in_dim3A : f32 to vector<16xf32>
      %swap3A = arith.index_cast %scan3A_103 : i32 to index
      %swap3A_105 = arith.constant 0 : index
      %swap3A_106 = tpu.vector_load %arg8[%swap3A, %swap3A_105] {strides = array<i32>} : memref<128x128xf32, #tpu.memory_space<vmem>>, vector<1x16xf32>,
      %swap3A_107 = vector.shape_cast %swap3A_106 : vector<1x16xf32> to vector<16xf32>
      %swap3A_108 = vector.shape_cast %broadcast_in_dim3A_104 : vector<16xf32> to vector<1x16xf32>
      tpu.vector_store %arg8[%swap3A, %swap3A_105], %swap3A_108 {strides = array<i32>} : memref<128x128xf32, #tpu.memory_space<vmem>>, vector<1x16xf32>,
      %broadcast_in_dim3A_109 = arith.constant 0.000000e+00 : f32
      %broadcast_in_dim3A_110 = vector.broadcast %broadcast_in_dim3A_109 : f32 to vector<16xf32>
      %swap3A_111 = arith.index_cast %scan3A_103 : i32 to index
      %swap3A_112 = arith.constant 16 : index
      %swap3A_113 = tpu.vector_load %arg8[%swap3A_111, %swap3A_112] {strides = array<i32>} : memref<128x128xf32, #tpu.memory_space<vmem>>, vector<1x16xf32>,
      %swap3A_114 = vector.shape_cast %swap3A_113 : vector<1x16xf32> to vector<16xf32>
      %swap3A_115 = vector.shape_cast %broadcast_in_dim3A_110 : vector<16xf32> to vector<1x16xf32>
      tpu.vector_store %arg8[%swap3A_111, %swap3A_112], %swap3A_115 {strides = array<i32>} : memref<128x128xf32, #tpu.memory_space<vmem>>, vector<1x16xf32>,
      %broadcast_in_dim3A_116 = arith.constant 0.000000e+00 : f32
      %broadcast_in_dim3A_117 = vector.broadcast %broadcast_in_dim3A_116 : f32 to vector<16xf32>
      %swap3A_118 = arith.index_cast %scan3A_103 : i32 to index
      %swap3A_119 = arith.constant 32 : index
      %swap3A_120 = tpu.vector_load %arg8[%swap3A_118, %swap3A_119] {strides = array<i32>} : memref<128x128xf32, #tpu.memory_space<vmem>>, vector<1x16xf32>,
      %swap3A_121 = vector.shape_cast %swap3A_120 : vector<1x16xf32> to vector<16xf32>
      %swap3A_122 = vector.shape_cast %broadcast_in_dim3A_117 : vector<16xf32> to vector<1x16xf32>
      tpu.vector_store %arg8[%swap3A_118, %swap3A_119], %swap3A_122 {strides = array<i32>} : memref<128x128xf32, #tpu.memory_space<vmem>>, vector<1x16xf32>,
      %broadcast_in_dim3A_123 = arith.constant 0.000000e+00 : f32
      %broadcast_in_dim3A_124 = vector.broadcast %broadcast_in_dim3A_123 : f32 to vector<16xf32>
      %swap3A_125 = arith.index_cast %scan3A_103 : i32 to index
      %swap3A_126 = arith.constant 48 : index
      %swap3A_127 = tpu.vector_load %arg8[%swap3A_125, %swap3A_126] {strides = array<i32>} : memref<128x128xf32, #tpu.memory_space<vmem>>, vector<1x16xf32>,
      %swap3A_128 = vector.shape_cast %swap3A_127 : vector<1x16xf32> to vector<16xf32>
      %swap3A_129 = vector.shape_cast %broadcast_in_dim3A_124 : vector<16xf32> to vector<1x16xf32>
      tpu.vector_store %arg8[%swap3A_125, %swap3A_126], %swap3A_129 {strides = array<i32>} : memref<128x128xf32, #tpu.memory_space<vmem>>, vector<1x16xf32>,
      %broadcast_in_dim3A_130 = arith.constant 0.000000e+00 : f32
      %broadcast_in_dim3A_131 = vector.broadcast %broadcast_in_dim3A_130 : f32 to vector<16xf32>
      %swap3A_132 = arith.index_cast %scan3A_103 : i32 to index
      %swap3A_133 = arith.constant 64 : index
      %swap3A_134 = tpu.vector_load %arg8[%swap3A_132, %swap3A_133] {strides = array<i32>} : memref<128x128xf32, #tpu.memory_space<vmem>>, vector<1x16xf32>,
      %swap3A_135 = vector.shape_cast %swap3A_134 : vector<1x16xf32> to vector<16xf32>
      %swap3A_136 = vector.shape_cast %broadcast_in_dim3A_131 : vector<16xf32> to vector<1x16xf32>
      tpu.vector_store %arg8[%swap3A_132, %swap3A_133], %swap3A_136 {strides = array<i32>} : memref<128x128xf32, #tpu.memory_space<vmem>>, vector<1x16xf32>,
      %broadcast_in_dim3A_137 = arith.constant 0.000000e+00 : f32
      %broadcast_in_dim3A_138 = vector.broadcast %broadcast_in_dim3A_137 : f32 to vector<16xf32>
      %swap3A_139 = arith.index_cast %scan3A_103 : i32 to index
      %swap3A_140 = arith.constant 80 : index
      %swap3A_141 = tpu.vector_load %arg8[%swap3A_139, %swap3A_140] {strides = array<i32>} : memref<128x128xf32, #tpu.memory_space<vmem>>, vector<1x16xf32>,
      %swap3A_142 = vector.shape_cast %swap3A_141 : vector<1x16xf32> to vector<16xf32>
      %swap3A_143 = vector.shape_cast %broadcast_in_dim3A_138 : vector<16xf32> to vector<1x16xf32>
      tpu.vector_store %arg8[%swap3A_139, %swap3A_140], %swap3A_143 {strides = array<i32>} : memref<128x128xf32, #tpu.memory_space<vmem>>, vector<1x16xf32>,
      %broadcast_in_dim3A_144 = arith.constant 0.000000e+00 : f32
      %broadcast_in_dim3A_145 = vector.broadcast %broadcast_in_dim3A_144 : f32 to vector<16xf32>
      %swap3A_146 = arith.index_cast %scan3A_103 : i32 to index
      %swap3A_147 = arith.constant 96 : index
      %swap3A_148 = tpu.vector_load %arg8[%swap3A_146, %swap3A_147] {strides = array<i32>} : memref<128x128xf32, #tpu.memory_space<vmem>>, vector<1x16xf32>,
      %swap3A_149 = vector.shape_cast %swap3A_148 : vector<1x16xf32> to vector<16xf32>
      %swap3A_150 = vector.shape_cast %broadcast_in_dim3A_145 : vector<16xf32> to vector<1x16xf32>
      tpu.vector_store %arg8[%swap3A_146, %swap3A_147], %swap3A_150 {strides = array<i32>} : memref<128x128xf32, #tpu.memory_space<vmem>>, vector<1x16xf32>,
      %broadcast_in_dim3A_151 = arith.constant 0.000000e+00 : f32
      %broadcast_in_dim3A_152 = vector.broadcast %broadcast_in_dim3A_151 : f32 to vector<16xf32>
      %swap3A_153 = arith.index_cast %scan3A_103 : i32 to index
      %swap3A_154 = arith.constant 112 : index
      %swap3A_155 = tpu.vector_load %arg8[%swap3A_153, %swap3A_154] {strides = array<i32>} : memref<128x128xf32, #tpu.memory_space<vmem>>, vector<1x16xf32>,
      %swap3A_156 = vector.shape_cast %swap3A_155 : vector<1x16xf32> to vector<16xf32>
      %swap3A_157 = vector.shape_cast %broadcast_in_dim3A_152 : vector<16xf32> to vector<1x16xf32>
      tpu.vector_store %arg8[%swap3A_153, %swap3A_154], %swap3A_157 {strides = array<i32>} : memref<128x128xf32, #tpu.memory_space<vmem>>, vector<1x16xf32>,
    }
    %scan3A_9 = arith.constant 128 : i32
    %mul3A_10 = arith.constant 640 : i32
    %mul3A_11 = arith.muli %arg1, %mul3A_10 : i32
    %add3A_12 = arith.constant 0 : i32
    %add3A_13 = arith.addi %mul3A_11, %add3A_12 : i32
    %dma_start3A = arith.constant 0 : i32
    %dma_start3A_14 = tpu.memref_slice %arg12[%add3A_13, %dma_start3A] : memref<10240x128xf32, #tpu.memory_space<vmem_shared>> -> memref<128x128xf32, #tpu.memory_space<vmem_shared>>
    %dma_start3A_15 = arith.constant 0 : i32
    %dma_start3A_16 = tpu.memref_slice %arg12[%add3A_13, %dma_start3A_15] : memref<10240x128xf32, #tpu.memory_space<vmem_shared>> -> memref<128x128xf32, #tpu.memory_space<vmem_shared>>
    tpu.enqueue_dma source(%arg8 : memref<128x128xf32, #tpu.memory_space<vmem>>) target(%dma_start3A_16 : memref<128x128xf32, #tpu.memory_space<vmem_shared>>) target_semaphore(%arg10 : memref<!tpu.dma_semaphore, #tpu.memory_space<semaphore_mem>>)
    %mul3A_17 = arith.constant 640 : i32
    %mul3A_18 = arith.muli %arg1, %mul3A_17 : i32
    %add3A_19 = arith.constant 128 : i32
    %add3A_20 = arith.addi %mul3A_18, %add3A_19 : i32
    %dma_start3A_21 = arith.constant 0 : i32
    %dma_start3A_22 = tpu.memref_slice %arg12[%add3A_20, %dma_start3A_21] : memref<10240x128xf32, #tpu.memory_space<vmem_shared>> -> memref<128x128xf32, #tpu.memory_space<vmem_shared>>
    %dma_start3A_23 = arith.constant 0 : i32
    %dma_start3A_24 = tpu.memref_slice %arg12[%add3A_20, %dma_start3A_23] : memref<10240x128xf32, #tpu.memory_space<vmem_shared>> -> memref<128x128xf32, #tpu.memory_space<vmem_shared>>
    tpu.enqueue_dma source(%arg8 : memref<128x128xf32, #tpu.memory_space<vmem>>) target(%dma_start3A_24 : memref<128x128xf32, #tpu.memory_space<vmem_shared>>) target_semaphore(%arg10 : memref<!tpu.dma_semaphore, #tpu.memory_space<semaphore_mem>>)
    %mul3A_25 = arith.constant 640 : i32
    %mul3A_26 = arith.muli %arg1, %mul3A_25 : i32
    %add3A_27 = arith.constant 256 : i32
    %add3A_28 = arith.addi %mul3A_26, %add3A_27 : i32
    %dma_start3A_29 = arith.constant 0 : i32
    %dma_start3A_30 = tpu.memref_slice %arg12[%add3A_28, %dma_start3A_29] : memref<10240x128xf32, #tpu.memory_space<vmem_shared>> -> memref<128x128xf32, #tpu.memory_space<vmem_shared>>
    %dma_start3A_31 = arith.constant 0 : i32
    %dma_start3A_32 = tpu.memref_slice %arg12[%add3A_28, %dma_start3A_31] : memref<10240x128xf32, #tpu.memory_space<vmem_shared>> -> memref<128x128xf32, #tpu.memory_space<vmem_shared>>
    tpu.enqueue_dma source(%arg8 : memref<128x128xf32, #tpu.memory_space<vmem>>) target(%dma_start3A_32 : memref<128x128xf32, #tpu.memory_space<vmem_shared>>) target_semaphore(%arg10 : memref<!tpu.dma_semaphore, #tpu.memory_space<semaphore_mem>>)
    %mul3A_33 = arith.constant 640 : i32
    %mul3A_34 = arith.muli %arg1, %mul3A_33 : i32
    %add3A_35 = arith.constant 384 : i32
    %add3A_36 = arith.addi %mul3A_34, %add3A_35 : i32
    %dma_start3A_37 = arith.constant 0 : i32
    %dma_start3A_38 = tpu.memref_slice %arg12[%add3A_36, %dma_start3A_37] : memref<10240x128xf32, #tpu.memory_space<vmem_shared>> -> memref<128x128xf32, #tpu.memory_space<vmem_shared>>
    %dma_start3A_39 = arith.constant 0 : i32
    %dma_start3A_40 = tpu.memref_slice %arg12[%add3A_36, %dma_start3A_39] : memref<10240x128xf32, #tpu.memory_space<vmem_shared>> -> memref<128x128xf32, #tpu.memory_space<vmem_shared>>
    tpu.enqueue_dma source(%arg8 : memref<128x128xf32, #tpu.memory_space<vmem>>) target(%dma_start3A_40 : memref<128x128xf32, #tpu.memory_space<vmem_shared>>) target_semaphore(%arg10 : memref<!tpu.dma_semaphore, #tpu.memory_space<semaphore_mem>>)
    %mul3A_41 = arith.constant 640 : i32
    %mul3A_42 = arith.muli %arg1, %mul3A_41 : i32
    %add3A_43 = arith.constant 512 : i32
    %add3A_44 = arith.addi %mul3A_42, %add3A_43 : i32
    %dma_start3A_45 = arith.constant 0 : i32
    %dma_start3A_46 = tpu.memref_slice %arg12[%add3A_44, %dma_start3A_45] : memref<10240x128xf32, #tpu.memory_space<vmem_shared>> -> memref<128x128xf32, #tpu.memory_space<vmem_shared>>
    %dma_start3A_47 = arith.constant 0 : i32
    %dma_start3A_48 = tpu.memref_slice %arg12[%add3A_44, %dma_start3A_47] : memref<10240x128xf32, #tpu.memory_space<vmem_shared>> -> memref<128x128xf32, #tpu.memory_space<vmem_shared>>
    tpu.enqueue_dma source(%arg8 : memref<128x128xf32, #tpu.memory_space<vmem>>) target(%dma_start3A_48 : memref<128x128xf32, #tpu.memory_space<vmem_shared>>) target_semaphore(%arg10 : memref<!tpu.dma_semaphore, #tpu.memory_space<semaphore_mem>>)
    %dma_wait3A = arith.constant 0 : i32
    %dma_wait3A_49 = arith.constant 0 : i32
    %dma_wait3A_50 = tpu.memref_slice %arg2[%dma_wait3A, %dma_wait3A_49] : memref<10000x128xf32, #tpu.memory_space<hbm>> -> memref<128x128xf32, #tpu.memory_space<hbm>>
    %dma_wait3A_51 = arith.constant 0 : i32
    %dma_wait3A_52 = arith.constant 0 : i32
    %dma_wait3A_53 = tpu.memref_slice %arg2[%dma_wait3A_51, %dma_wait3A_52] : memref<10000x128xf32, #tpu.memory_space<hbm>> -> memref<128x128xf32, #tpu.memory_space<hbm>>
    tpu.wait_dma2 semaphore(%arg10 : memref<!tpu.dma_semaphore, #tpu.memory_space<semaphore_mem>>) src(%dma_wait3A_53 : memref<128x128xf32, #tpu.memory_space<hbm>>) dst(%arg8 : memref<128x128xf32, #tpu.memory_space<vmem>>)
    %dma_wait3A_54 = arith.constant 0 : i32
    %dma_wait3A_55 = arith.constant 0 : i32
    %dma_wait3A_56 = tpu.memref_slice %arg2[%dma_wait3A_54, %dma_wait3A_55] : memref<10000x128xf32, #tpu.memory_space<hbm>> -> memref<128x128xf32, #tpu.memory_space<hbm>>
    %dma_wait3A_57 = arith.constant 0 : i32
    %dma_wait3A_58 = arith.constant 0 : i32
    %dma_wait3A_59 = tpu.memref_slice %arg2[%dma_wait3A_57, %dma_wait3A_58] : memref<10000x128xf32, #tpu.memory_space<hbm>> -> memref<128x128xf32, #tpu.memory_space<hbm>>
    tpu.wait_dma2 semaphore(%arg10 : memref<!tpu.dma_semaphore, #tpu.memory_space<semaphore_mem>>) src(%dma_wait3A_59 : memref<128x128xf32, #tpu.memory_space<hbm>>) dst(%arg8 : memref<128x128xf32, #tpu.memory_space<vmem>>)
    %dma_wait3A_60 = arith.constant 0 : i32
    %dma_wait3A_61 = arith.constant 0 : i32
    %dma_wait3A_62 = tpu.memref_slice %arg2[%dma_wait3A_60, %dma_wait3A_61] : memref<10000x128xf32, #tpu.memory_space<hbm>> -> memref<128x128xf32, #tpu.memory_space<hbm>>
    %dma_wait3A_63 = arith.constant 0 : i32
    %dma_wait3A_64 = arith.constant 0 : i32
    %dma_wait3A_65 = tpu.memref_slice %arg2[%dma_wait3A_63, %dma_wait3A_64] : memref<10000x128xf32, #tpu.memory_space<hbm>> -> memref<128x128xf32, #tpu.memory_space<hbm>>
    tpu.wait_dma2 semaphore(%arg10 : memref<!tpu.dma_semaphore, #tpu.memory_space<semaphore_mem>>) src(%dma_wait3A_65 : memref<128x128xf32, #tpu.memory_space<hbm>>) dst(%arg8 : memref<128x128xf32, #tpu.memory_space<vmem>>)
    %dma_wait3A_66 = arith.constant 0 : i32
    %dma_wait3A_67 = arith.constant 0 : i32
    %dma_wait3A_68 = tpu.memref_slice %arg2[%dma_wait3A_66, %dma_wait3A_67] : memref<10000x128xf32, #tpu.memory_space<hbm>> -> memref<128x128xf32, #tpu.memory_space<hbm>>
    %dma_wait3A_69 = arith.constant 0 : i32
    %dma_wait3A_70 = arith.constant 0 : i32
    %dma_wait3A_71 = tpu.memref_slice %arg2[%dma_wait3A_69, %dma_wait3A_70] : memref<10000x128xf32, #tpu.memory_space<hbm>> -> memref<128x128xf32, #tpu.memory_space<hbm>>
    tpu.wait_dma2 semaphore(%arg10 : memref<!tpu.dma_semaphore, #tpu.memory_space<semaphore_mem>>) src(%dma_wait3A_71 : memref<128x128xf32, #tpu.memory_space<hbm>>) dst(%arg8 : memref<128x128xf32, #tpu.memory_space<vmem>>)
    %dma_wait3A_72 = arith.constant 0 : i32
    %dma_wait3A_73 = arith.constant 0 : i32
    %dma_wait3A_74 = tpu.memref_slice %arg2[%dma_wait3A_72, %dma_wait3A_73] : memref<10000x128xf32, #tpu.memory_space<hbm>> -> memref<128x128xf32, #tpu.memory_space<hbm>>
    %dma_wait3A_75 = arith.constant 0 : i32
    %dma_wait3A_76 = arith.constant 0 : i32
    %dma_wait3A_77 = tpu.memref_slice %arg2[%dma_wait3A_75, %dma_wait3A_76] : memref<10000x128xf32, #tpu.memory_space<hbm>> -> memref<128x128xf32, #tpu.memory_space<hbm>>
    tpu.wait_dma2 semaphore(%arg10 : memref<!tpu.dma_semaphore, #tpu.memory_space<semaphore_mem>>) src(%dma_wait3A_77 : memref<128x128xf32, #tpu.memory_space<hbm>>) dst(%arg8 : memref<128x128xf32, #tpu.memory_space<vmem>>)
    %dma_start3A_78 = arith.constant 0 : i32
    %dma_start3A_79 = arith.constant 0 : i32
    %dma_start3A_80 = tpu.memref_slice %arg6[%dma_start3A_78, %dma_start3A_79] : memref<40x128xi32, #tpu.memory_space<vmem>> -> memref<1x128xi32, #tpu.memory_space<vmem>>
    %dma_start3A_81 = tpu.memref_squeeze %dma_start3A_80 : memref<1x128xi32, #tpu.memory_space<vmem>> -> memref<128xi32, #tpu.memory_space<vmem>>
    %dma_start3A_82 = arith.constant 0 : i32
    %dma_start3A_83 = arith.constant 0 : i32
    %dma_start3A_84 = tpu.memref_slice %arg2[%dma_start3A_82, %dma_start3A_83] : memref<10000x128xf32, #tpu.memory_space<hbm>> -> memref<10000x128xf32, #tpu.memory_space<hbm>>
    tpu.enqueue_indirect_dma source(%dma_start3A_84 : memref<10000x128xf32, #tpu.memory_space<hbm>>) target(%arg8 : memref<128x128xf32, #tpu.memory_space<vmem>>) offsets(%dma_start3A_81 : memref<128xi32, #tpu.memory_space<vmem>>) semaphore(%arg10 : memref<!tpu.dma_semaphore, #tpu.memory_space<semaphore_mem>>)
    %dma_start3A_85 = arith.constant 1 : i32
    %dma_start3A_86 = arith.constant 0 : i32
    %dma_start3A_87 = tpu.memref_slice %arg6[%dma_start3A_85, %dma_start3A_86] : memref<40x128xi32, #tpu.memory_space<vmem>> -> memref<1x128xi32, #tpu.memory_space<vmem>>
    %dma_start3A_88 = tpu.memref_squeeze %dma_start3A_87 : memref<1x128xi32, #tpu.memory_space<vmem>> -> memref<128xi32, #tpu.memory_space<vmem>>
    %dma_start3A_89 = arith.constant 0 : i32
    %dma_start3A_90 = arith.constant 0 : i32
    %dma_start3A_91 = tpu.memref_slice %arg2[%dma_start3A_89, %dma_start3A_90] : memref<10000x128xf32, #tpu.memory_space<hbm>> -> memref<10000x128xf32, #tpu.memory_space<hbm>>
    tpu.enqueue_indirect_dma source(%dma_start3A_91 : memref<10000x128xf32, #tpu.memory_space<hbm>>) target(%arg9 : memref<128x128xf32, #tpu.memory_space<vmem>>) offsets(%dma_start3A_88 : memref<128xi32, #tpu.memory_space<vmem>>) semaphore(%arg11 : memref<!tpu.dma_semaphore, #tpu.memory_space<semaphore_mem>>)
    %barrier3A = arith.constant 0 : index
    tpu.barrier barrier_id(%barrier3A)
    %scan3A_92 = arith.constant 0 : i32
    %scan3A_93 = arith.constant 0 : i32
    %scan3A_94 = arith.constant 20 : i32
    %scan3A_95 = arith.addi %scan3A_93, %scan3A_94 : i32
    %scan3A_96 = arith.constant 1 : i32
    scf.for %scan3A_103 = %scan3A_93 to %scan3A_95 step %scan3A_96  : i32 {
      %mul3A_104 = arith.constant 2 : i32
      %mul3A_105 = arith.muli %mul3A_104, %scan3A_103 : i32
      %dma_wait3A_106 = arith.constant 0 : i32
      %dma_wait3A_107 = arith.constant 0 : i32
      %dma_wait3A_108 = tpu.memref_slice %arg2[%dma_wait3A_106, %dma_wait3A_107] : memref<10000x128xf32, #tpu.memory_space<hbm>> -> memref<128x128xf32, #tpu.memory_space<hbm>>
      %dma_wait3A_109 = arith.constant 0 : i32
      %dma_wait3A_110 = arith.constant 0 : i32
      %dma_wait3A_111 = tpu.memref_slice %arg2[%dma_wait3A_109, %dma_wait3A_110] : memref<10000x128xf32, #tpu.memory_space<hbm>> -> memref<128x128xf32, #tpu.memory_space<hbm>>
      tpu.wait_dma2 semaphore(%arg10 : memref<!tpu.dma_semaphore, #tpu.memory_space<semaphore_mem>>) src(%dma_wait3A_111 : memref<128x128xf32, #tpu.memory_space<hbm>>) dst(%arg8 : memref<128x128xf32, #tpu.memory_space<vmem>>)
      "tpu.region"() ({
        %run_scoped3A = tpu.sem_alloc : memref<!tpu.dma_semaphore, #tpu.memory_space<semaphore_mem>>
        %dma_start3A_131 = arith.constant 0 : i32
        %dma_start3A_132 = tpu.memref_slice %arg7[%mul3A_105, %dma_start3A_131] : memref<40x128xi32, #tpu.memory_space<vmem>> -> memref<1x128xi32, #tpu.memory_space<vmem>>
        %dma_start3A_133 = tpu.memref_squeeze %dma_start3A_132 : memref<1x128xi32, #tpu.memory_space<vmem>> -> memref<128xi32, #tpu.memory_space<vmem>>
        %dma_start3A_134 = arith.constant 0 : i32
        %dma_start3A_135 = arith.constant 0 : i32
        %dma_start3A_136 = tpu.memref_slice %arg12[%dma_start3A_134, %dma_start3A_135] : memref<10240x128xf32, #tpu.memory_space<vmem_shared>> -> memref<10240x128xf32, #tpu.memory_space<vmem_shared>>
        tpu.enqueue_indirect_dma source(%arg8 : memref<128x128xf32, #tpu.memory_space<vmem>>) target(%dma_start3A_136 : memref<10240x128xf32, #tpu.memory_space<vmem_shared>>) offsets(%dma_start3A_133 : memref<128xi32, #tpu.memory_space<vmem>>) semaphore(%run_scoped3A : memref<!tpu.dma_semaphore, #tpu.memory_space<semaphore_mem>>) {add = true}
        %dma_wait3A_137 = arith.constant 0 : i32
        %dma_wait3A_138 = tpu.memref_slice %arg7[%mul3A_105, %dma_wait3A_137] : memref<40x128xi32, #tpu.memory_space<vmem>> -> memref<1x128xi32, #tpu.memory_space<vmem>>
        %dma_wait3A_139 = tpu.memref_squeeze %dma_wait3A_138 : memref<1x128xi32, #tpu.memory_space<vmem>> -> memref<128xi32, #tpu.memory_space<vmem>>
        %dma_wait3A_140 = arith.constant 0 : i32
        %dma_wait3A_141 = arith.constant 0 : i32
        %dma_wait3A_142 = tpu.memref_slice %arg12[%dma_wait3A_140, %dma_wait3A_141] : memref<10240x128xf32, #tpu.memory_space<vmem_shared>> -> memref<10240x128xf32, #tpu.memory_space<vmem_shared>>
        tpu.wait_indirect_dma semaphore(%run_scoped3A : memref<!tpu.dma_semaphore, #tpu.memory_space<semaphore_mem>>) src(%arg8 : memref<128x128xf32, #tpu.memory_space<vmem>>) dst(%dma_wait3A_142 : memref<10240x128xf32, #tpu.memory_space<vmem_shared>>)
        tpu.yield
      }) : () -> ()
      %add3A_112 = arith.constant 2 : i32
      %add3A_113 = arith.addi %mul3A_105, %add3A_112 : i32
      %lt3A = arith.constant 40 : i32
      %lt3A_114 = arith.cmpi slt, %add3A_113, %lt3A : i32
      %convert_element_type3A = arith.extui %lt3A_114 : i1 to i32
      %cond3A = arith.constant 0 : i32
      %cond3A_115 = arith.cmpi ne, %convert_element_type3A, %cond3A : i32
      scf.if %cond3A_115 {
        %add3A_131 = arith.constant 2 : i32
        %add3A_132 = arith.addi %mul3A_105, %add3A_131 : i32
        %dma_start3A_133 = arith.constant 0 : i32
        %dma_start3A_134 = tpu.memref_slice %arg6[%add3A_132, %dma_start3A_133] : memref<40x128xi32, #tpu.memory_space<vmem>> -> memref<1x128xi32, #tpu.memory_space<vmem>>
        %dma_start3A_135 = tpu.memref_squeeze %dma_start3A_134 : memref<1x128xi32, #tpu.memory_space<vmem>> -> memref<128xi32, #tpu.memory_space<vmem>>
        %dma_start3A_136 = arith.constant 0 : i32
        %dma_start3A_137 = arith.constant 0 : i32
        %dma_start3A_138 = tpu.memref_slice %arg2[%dma_start3A_136, %dma_start3A_137] : memref<10000x128xf32, #tpu.memory_space<hbm>> -> memref<10000x128xf32, #tpu.memory_space<hbm>>
        tpu.enqueue_indirect_dma source(%dma_start3A_138 : memref<10000x128xf32, #tpu.memory_space<hbm>>) target(%arg8 : memref<128x128xf32, #tpu.memory_space<vmem>>) offsets(%dma_start3A_135 : memref<128xi32, #tpu.memory_space<vmem>>) semaphore(%arg10 : memref<!tpu.dma_semaphore, #tpu.memory_space<semaphore_mem>>)
      } else {
      }
      %dma_wait3A_116 = arith.constant 0 : i32
      %dma_wait3A_117 = arith.constant 0 : i32
      %dma_wait3A_118 = tpu.memref_slice %arg2[%dma_wait3A_116, %dma_wait3A_117] : memref<10000x128xf32, #tpu.memory_space<hbm>> -> memref<128x128xf32, #tpu.memory_space<hbm>>
      %dma_wait3A_119 = arith.constant 0 : i32
      %dma_wait3A_120 = arith.constant 0 : i32
      %dma_wait3A_121 = tpu.memref_slice %arg2[%dma_wait3A_119, %dma_wait3A_120] : memref<10000x128xf32, #tpu.memory_space<hbm>> -> memref<128x128xf32, #tpu.memory_space<hbm>>
      tpu.wait_dma2 semaphore(%arg11 : memref<!tpu.dma_semaphore, #tpu.memory_space<semaphore_mem>>) src(%dma_wait3A_121 : memref<128x128xf32, #tpu.memory_space<hbm>>) dst(%arg9 : memref<128x128xf32, #tpu.memory_space<vmem>>)
      %add3A_122 = arith.constant 1 : i32
      %add3A_123 = arith.addi %mul3A_105, %add3A_122 : i32
      "tpu.region"() ({
        %run_scoped3A = tpu.sem_alloc : memref<!tpu.dma_semaphore, #tpu.memory_space<semaphore_mem>>
        %dma_start3A_131 = arith.constant 0 : i32
        %dma_start3A_132 = tpu.memref_slice %arg7[%add3A_123, %dma_start3A_131] : memref<40x128xi32, #tpu.memory_space<vmem>> -> memref<1x128xi32, #tpu.memory_space<vmem>>
        %dma_start3A_133 = tpu.memref_squeeze %dma_start3A_132 : memref<1x128xi32, #tpu.memory_space<vmem>> -> memref<128xi32, #tpu.memory_space<vmem>>
        %dma_start3A_134 = arith.constant 0 : i32
        %dma_start3A_135 = arith.constant 0 : i32
        %dma_start3A_136 = tpu.memref_slice %arg12[%dma_start3A_134, %dma_start3A_135] : memref<10240x128xf32, #tpu.memory_space<vmem_shared>> -> memref<10240x128xf32, #tpu.memory_space<vmem_shared>>
        tpu.enqueue_indirect_dma source(%arg9 : memref<128x128xf32, #tpu.memory_space<vmem>>) target(%dma_start3A_136 : memref<10240x128xf32, #tpu.memory_space<vmem_shared>>) offsets(%dma_start3A_133 : memref<128xi32, #tpu.memory_space<vmem>>) semaphore(%run_scoped3A : memref<!tpu.dma_semaphore, #tpu.memory_space<semaphore_mem>>) {add = true}
        %dma_wait3A_137 = arith.constant 0 : i32
        %dma_wait3A_138 = tpu.memref_slice %arg7[%add3A_123, %dma_wait3A_137] : memref<40x128xi32, #tpu.memory_space<vmem>> -> memref<1x128xi32, #tpu.memory_space<vmem>>
        %dma_wait3A_139 = tpu.memref_squeeze %dma_wait3A_138 : memref<1x128xi32, #tpu.memory_space<vmem>> -> memref<128xi32, #tpu.memory_space<vmem>>
        %dma_wait3A_140 = arith.constant 0 : i32
        %dma_wait3A_141 = arith.constant 0 : i32
        %dma_wait3A_142 = tpu.memref_slice %arg12[%dma_wait3A_140, %dma_wait3A_141] : memref<10240x128xf32, #tpu.memory_space<vmem_shared>> -> memref<10240x128xf32, #tpu.memory_space<vmem_shared>>
        tpu.wait_indirect_dma semaphore(%run_scoped3A : memref<!tpu.dma_semaphore, #tpu.memory_space<semaphore_mem>>) src(%arg9 : memref<128x128xf32, #tpu.memory_space<vmem>>) dst(%dma_wait3A_142 : memref<10240x128xf32, #tpu.memory_space<vmem_shared>>)
        tpu.yield
      }) : () -> ()
      %add3A_124 = arith.constant 3 : i32
      %add3A_125 = arith.addi %mul3A_105, %add3A_124 : i32
      %lt3A_126 = arith.constant 40 : i32
      %lt3A_127 = arith.cmpi slt, %add3A_125, %lt3A_126 : i32
      %convert_element_type3A_128 = arith.extui %lt3A_127 : i1 to i32
      %cond3A_129 = arith.constant 0 : i32
      %cond3A_130 = arith.cmpi ne, %convert_element_type3A_128, %cond3A_129 : i32
      scf.if %cond3A_130 {
        %add3A_131 = arith.constant 3 : i32
        %add3A_132 = arith.addi %mul3A_105, %add3A_131 : i32
        %dma_start3A_133 = arith.constant 0 : i32
        %dma_start3A_134 = tpu.memref_slice %arg6[%add3A_132, %dma_start3A_133] : memref<40x128xi32, #tpu.memory_space<vmem>> -> memref<1x128xi32, #tpu.memory_space<vmem>>
        %dma_start3A_135 = tpu.memref_squeeze %dma_start3A_134 : memref<1x128xi32, #tpu.memory_space<vmem>> -> memref<128xi32, #tpu.memory_space<vmem>>
        %dma_start3A_136 = arith.constant 0 : i32
        %dma_start3A_137 = arith.constant 0 : i32
        %dma_start3A_138 = tpu.memref_slice %arg2[%dma_start3A_136, %dma_start3A_137] : memref<10000x128xf32, #tpu.memory_space<hbm>> -> memref<10000x128xf32, #tpu.memory_space<hbm>>
        tpu.enqueue_indirect_dma source(%dma_start3A_138 : memref<10000x128xf32, #tpu.memory_space<hbm>>) target(%arg9 : memref<128x128xf32, #tpu.memory_space<vmem>>) offsets(%dma_start3A_135 : memref<128xi32, #tpu.memory_space<vmem>>) semaphore(%arg11 : memref<!tpu.dma_semaphore, #tpu.memory_space<semaphore_mem>>)
      } else {
      }
    }
    %scan3A_97 = arith.constant 20 : i32
    %barrier3A_98 = arith.constant 0 : index
    tpu.barrier barrier_id(%barrier3A_98)
    %mul3A_99 = arith.constant 640 : i32
    %mul3A_100 = arith.muli %arg1, %mul3A_99 : i32
    %mul3A_101 = arith.constant 640 : i32
    %mul3A_102 = arith.muli %arg1, %mul3A_101 : i32
    "tpu.region"() ({
      %run_scoped3A = tpu.sem_alloc : memref<!tpu.dma_semaphore, #tpu.memory_space<semaphore_mem>>
      %dma_start3A_103 = arith.constant 0 : i32
      %dma_start3A_104 = tpu.memref_slice %arg5[%arg0, %mul3A_102, %dma_start3A_103] : memref<2x10240x128xf32, #tpu.memory_space<hbm>> -> memref<1x640x128xf32, #tpu.memory_space<hbm>>
      %dma_start3A_105 = tpu.memref_squeeze %dma_start3A_104 : memref<1x640x128xf32, #tpu.memory_space<hbm>> -> memref<640x128xf32, #tpu.memory_space<hbm>>
      %dma_start3A_106 = arith.constant 0 : i32
      %dma_start3A_107 = tpu.memref_slice %arg12[%mul3A_100, %dma_start3A_106] : memref<10240x128xf32, #tpu.memory_space<vmem_shared>> -> memref<640x128xf32, #tpu.memory_space<vmem_shared>>
      tpu.enqueue_dma source(%dma_start3A_107 : memref<640x128xf32, #tpu.memory_space<vmem_shared>>) target(%dma_start3A_105 : memref<640x128xf32, #tpu.memory_space<hbm>>) target_semaphore(%run_scoped3A : memref<!tpu.dma_semaphore, #tpu.memory_space<semaphore_mem>>)
      %dma_wait3A_108 = arith.constant 0 : i32
      %dma_wait3A_109 = tpu.memref_slice %arg5[%arg0, %mul3A_102, %dma_wait3A_108] : memref<2x10240x128xf32, #tpu.memory_space<hbm>> -> memref<1x640x128xf32, #tpu.memory_space<hbm>>
      %dma_wait3A_110 = tpu.memref_squeeze %dma_wait3A_109 : memref<1x640x128xf32, #tpu.memory_space<hbm>> -> memref<640x128xf32, #tpu.memory_space<hbm>>
      %dma_wait3A_111 = arith.constant 0 : i32
      %dma_wait3A_112 = tpu.memref_slice %arg12[%mul3A_100, %dma_wait3A_111] : memref<10240x128xf32, #tpu.memory_space<vmem_shared>> -> memref<640x128xf32, #tpu.memory_space<vmem_shared>>
      tpu.wait_dma2 semaphore(%run_scoped3A : memref<!tpu.dma_semaphore, #tpu.memory_space<semaphore_mem>>) src(%dma_wait3A_112 : memref<640x128xf32, #tpu.memory_space<vmem_shared>>) dst(%dma_wait3A_110 : memref<640x128xf32, #tpu.memory_space<hbm>>)
      tpu.yield
    }) : () -> ()
    return
  }
}

module attributes {stable_mosaic.version = 14 : i64} {
  func.func @_mm_body(%arg0: i32, %arg1: memref<1000x417xf32, #tpu.memory_space<vmem>>, %arg2: memref<417x128xf32, #tpu.memory_space<vmem>>, %arg3: memref<1000x128xf32, #tpu.memory_space<vmem>>) attributes {dimension_semantics = [#tpu.dimension_semantics<arbitrary>], iteration_bounds = array<i64: 10>, scalar_prefetch = 0 : i64, scratch_operands = 0 : i64, tpu.core_type = #tpu.core_type<tc>, window_params = [{transform_indices = @transform_0, window_bounds = array<i64: 1000, 417>}, {pipeline_mode = #tpu.pipeline_mode<synchronous>, transform_indices = @transform_1, window_bounds = array<i64: 417, 128>}, {transform_indices = @transform_2, window_bounds = array<i64: 1000, 128>}]} {
    %get3A = arith.constant 0 : index
    %get3A_0 = arith.constant 0 : index
    %get3A_1 = vector.load %arg1[%get3A, %get3A_0] : memref<1000x417xf32, #tpu.memory_space<vmem>>, vector<1000x417xf32>
    %get3A_2 = arith.constant 0 : index
    %get3A_3 = arith.constant 0 : index
    %get3A_4 = vector.load %arg2[%get3A_2, %get3A_3] : memref<417x128xf32, #tpu.memory_space<vmem>>, vector<417x128xf32>
    %dot_general3A = arith.constant dense<0.000000e+00> : vector<1000x128xf32>
    %dot_general3A_5 = tpu.matmul %get3A_1, %get3A_4, %dot_general3A {dimension_numbers = #tpu.dot_dimension_numbers<[1], [0], [0], [1], [0, 0, 1, 1], [], []>, transpose_lhs_hint = false} : vector<1000x417xf32>, vector<417x128xf32>, vector<1000x128xf32> -> vector<1000x128xf32>
    %swap3A = arith.constant 0 : index
    %swap3A_6 = arith.constant 0 : index
    %swap3A_7 = vector.load %arg3[%swap3A, %swap3A_6] : memref<1000x128xf32, #tpu.memory_space<vmem>>, vector<1000x128xf32>
    tpu.vector_store %arg3[%swap3A, %swap3A_6], %dot_general3A_5 {strides = array<i32>} : memref<1000x128xf32, #tpu.memory_space<vmem>>, vector<1000x128xf32>,
    return
  }
  func.func @transform_0(%arg0: i32) -> (i32, i32) {
    %c0_i32 = arith.constant 0 : i32
    %c0_i32_0 = arith.constant 0 : i32
    return %arg0, %c0_i32 : i32, i32
  }
  func.func @transform_1(%arg0: i32) -> (i32, i32) {
    %c0_i32 = arith.constant 0 : i32
    %c0_i32_0 = arith.constant 0 : i32
    %c0_i32_1 = arith.constant 0 : i32
    return %c0_i32, %c0_i32_0 : i32, i32
  }
  func.func @transform_2(%arg0: i32) -> (i32, i32) {
    %c0_i32 = arith.constant 0 : i32
    %c0_i32_0 = arith.constant 0 : i32
    return %arg0, %c0_i32 : i32, i32
  }
}

module attributes {stable_mosaic.version = 14 : i64} {
  func.func @_t1_body(%arg0: memref<2x10240x128xf32, #tpu.memory_space<vmem>>, %arg1: memref<10000x128xf32, #tpu.memory_space<vmem>>, %arg2: memref<10000x1xf32, #tpu.memory_space<vmem>>, %arg3: memref<10000x128xf32, #tpu.memory_space<vmem>>) attributes {dimension_semantics = [], scalar_prefetch = 0 : i64, scratch_operands = 0 : i64, tpu.core_type = #tpu.core_type<tc>} {
    %get3A = arith.constant 0 : index
    %get3A_0 = arith.constant 0 : index
    %get3A_1 = arith.constant 0 : index
    %get3A_2 = vector.load %arg0[%get3A, %get3A_0, %get3A_1] : memref<2x10240x128xf32, #tpu.memory_space<vmem>>, vector<1x10000x1xf32>
    %get3A_3 = vector.shape_cast %get3A_2 : vector<1x10000x1xf32> to vector<10000x1xf32>
    %add3A = arith.constant 1.000000e+00 : f32
    %add3A_4 = vector.broadcast %add3A : f32 to vector<10000x1xf32>
    %add3A_5 = arith.addf %add3A_4, %get3A_3 : vector<10000x1xf32>
    %get3A_6 = arith.constant 1 : index
    %get3A_7 = arith.constant 0 : index
    %get3A_8 = arith.constant 0 : index
    %get3A_9 = vector.load %arg0[%get3A_6, %get3A_7, %get3A_8] : memref<2x10240x128xf32, #tpu.memory_space<vmem>>, vector<1x10000x1xf32>
    %get3A_10 = vector.shape_cast %get3A_9 : vector<1x10000x1xf32> to vector<10000x1xf32>
    %add3A_11 = arith.addf %add3A_5, %get3A_10 : vector<10000x1xf32>
    %rsqrt3A = math.rsqrt %add3A_11 : vector<10000x1xf32>
    %swap3A = arith.constant 0 : index
    %swap3A_12 = arith.constant 0 : index
    %swap3A_13 = vector.load %arg2[%swap3A, %swap3A_12] : memref<10000x1xf32, #tpu.memory_space<vmem>>, vector<10000x1xf32>
    tpu.vector_store %arg2[%swap3A, %swap3A_12], %rsqrt3A {strides = array<i32>} : memref<10000x1xf32, #tpu.memory_space<vmem>>, vector<10000x1xf32>,
    %get3A_14 = arith.constant 0 : index
    %get3A_15 = arith.constant 0 : index
    %get3A_16 = vector.load %arg1[%get3A_14, %get3A_15] : memref<10000x128xf32, #tpu.memory_space<vmem>>, vector<10000x128xf32>
    %mul3A = vector.broadcast %rsqrt3A : vector<10000x1xf32> to vector<10000x128xf32>
    %mul3A_17 = arith.mulf %get3A_16, %mul3A : vector<10000x128xf32>
    %swap3A_18 = arith.constant 0 : index
    %swap3A_19 = arith.constant 0 : index
    %swap3A_20 = vector.load %arg3[%swap3A_18, %swap3A_19] : memref<10000x128xf32, #tpu.memory_space<vmem>>, vector<10000x128xf32>
    tpu.vector_store %arg3[%swap3A_18, %swap3A_19], %mul3A_17 {strides = array<i32>} : memref<10000x128xf32, #tpu.memory_space<vmem>>, vector<10000x128xf32>,
    return
  }
}

module attributes {stable_mosaic.version = 14 : i64} {
  func.func @_t2_body(%arg0: memref<2x10240x128xf32, #tpu.memory_space<vmem>>, %arg1: memref<10000x128xf32, #tpu.memory_space<vmem>>, %arg2: memref<10000x1xf32, #tpu.memory_space<vmem>>, %arg3: memref<1x128xf32, #tpu.memory_space<vmem>>, %arg4: memref<1x128xf32, #tpu.memory_space<vmem>>, %arg5: memref<1x128xf32, #tpu.memory_space<vmem>>, %arg6: memref<128x128xf32, #tpu.memory_space<vmem>>, %arg7: memref<10000x128xf32, #tpu.memory_space<vmem>>) attributes {dimension_semantics = [], scalar_prefetch = 0 : i64, scratch_operands = 0 : i64, tpu.core_type = #tpu.core_type<tc>} {
    %get3A = arith.constant 0 : index
    %get3A_0 = arith.constant 0 : index
    %get3A_1 = vector.load %arg2[%get3A, %get3A_0] : memref<10000x1xf32, #tpu.memory_space<vmem>>, vector<10000x1xf32>
    %get3A_2 = arith.constant 0 : index
    %get3A_3 = arith.constant 0 : index
    %get3A_4 = arith.constant 0 : index
    %get3A_5 = vector.load %arg0[%get3A_2, %get3A_3, %get3A_4] : memref<2x10240x128xf32, #tpu.memory_space<vmem>>, vector<1x10000x128xf32>
    %get3A_6 = vector.shape_cast %get3A_5 : vector<1x10000x128xf32> to vector<10000x128xf32>
    %get3A_7 = arith.constant 1 : index
    %get3A_8 = arith.constant 0 : index
    %get3A_9 = arith.constant 0 : index
    %get3A_10 = vector.load %arg0[%get3A_7, %get3A_8, %get3A_9] : memref<2x10240x128xf32, #tpu.memory_space<vmem>>, vector<1x10000x128xf32>
    %get3A_11 = vector.shape_cast %get3A_10 : vector<1x10000x128xf32> to vector<10000x128xf32>
    %add3A = arith.addf %get3A_6, %get3A_11 : vector<10000x128xf32>
    %get3A_12 = arith.constant 0 : index
    %get3A_13 = arith.constant 0 : index
    %get3A_14 = vector.load %arg1[%get3A_12, %get3A_13] : memref<10000x128xf32, #tpu.memory_space<vmem>>, vector<10000x128xf32>
    %add3A_15 = arith.addf %add3A, %get3A_14 : vector<10000x128xf32>
    %mul3A = vector.broadcast %get3A_1 : vector<10000x1xf32> to vector<10000x128xf32>
    %mul3A_16 = arith.mulf %add3A_15, %mul3A : vector<10000x128xf32>
    %get3A_17 = arith.constant 0 : index
    %get3A_18 = arith.constant 0 : index
    %get3A_19 = vector.load %arg3[%get3A_17, %get3A_18] : memref<1x128xf32, #tpu.memory_space<vmem>>, vector<1x128xf32>
    %add3A_20 = vector.broadcast %get3A_19 : vector<1x128xf32> to vector<10000x128xf32>
    %add3A_21 = arith.addf %mul3A_16, %add3A_20 : vector<10000x128xf32>
    %reduce_sum3A = arith.constant dense<0.000000e+00> : vector<128xf32>
    %reduce_sum3A_22 = vector.multi_reduction <add>, %add3A_21, %reduce_sum3A [0] : vector<10000x128xf32> to vector<128xf32>
    %broadcast_in_dim3A = vector.shape_cast %reduce_sum3A_22 : vector<128xf32> to vector<1x128xf32>
    %div3A = arith.constant 1.000000e+04 : f32
    %div3A_23 = vector.broadcast %div3A : f32 to vector<1x128xf32>
    %div3A_24 = arith.divf %broadcast_in_dim3A, %div3A_23 : vector<1x128xf32>
    %sub3A = vector.broadcast %div3A_24 : vector<1x128xf32> to vector<10000x128xf32>
    %sub3A_25 = arith.subf %add3A_21, %sub3A : vector<10000x128xf32>
    %integer_pow3A = arith.mulf %sub3A_25, %sub3A_25 : vector<10000x128xf32>
    %reduce_sum3A_26 = arith.constant dense<0.000000e+00> : vector<128xf32>
    %reduce_sum3A_27 = vector.multi_reduction <add>, %integer_pow3A, %reduce_sum3A_26 [0] : vector<10000x128xf32> to vector<128xf32>
    %broadcast_in_dim3A_28 = vector.shape_cast %reduce_sum3A_27 : vector<128xf32> to vector<1x128xf32>
    %div3A_29 = arith.constant 1.000000e+04 : f32
    %div3A_30 = vector.broadcast %div3A_29 : f32 to vector<1x128xf32>
    %div3A_31 = arith.divf %broadcast_in_dim3A_28, %div3A_30 : vector<1x128xf32>
    %sub3A_32 = vector.broadcast %div3A_24 : vector<1x128xf32> to vector<10000x128xf32>
    %sub3A_33 = arith.subf %add3A_21, %sub3A_32 : vector<10000x128xf32>
    %add3A_34 = arith.constant 9.99999974E-6 : f32
    %add3A_35 = vector.broadcast %add3A_34 : f32 to vector<1x128xf32>
    %add3A_36 = arith.addf %div3A_31, %add3A_35 : vector<1x128xf32>
    %rsqrt3A = math.rsqrt %add3A_36 : vector<1x128xf32>
    %mul3A_37 = vector.broadcast %rsqrt3A : vector<1x128xf32> to vector<10000x128xf32>
    %mul3A_38 = arith.mulf %sub3A_33, %mul3A_37 : vector<10000x128xf32>
    %get3A_39 = arith.constant 0 : index
    %get3A_40 = arith.constant 0 : index
    %get3A_41 = vector.load %arg4[%get3A_39, %get3A_40] : memref<1x128xf32, #tpu.memory_space<vmem>>, vector<1x128xf32>
    %mul3A_42 = vector.broadcast %get3A_41 : vector<1x128xf32> to vector<10000x128xf32>
    %mul3A_43 = arith.mulf %mul3A_38, %mul3A_42 : vector<10000x128xf32>
    %get3A_44 = arith.constant 0 : index
    %get3A_45 = arith.constant 0 : index
    %get3A_46 = vector.load %arg5[%get3A_44, %get3A_45] : memref<1x128xf32, #tpu.memory_space<vmem>>, vector<1x128xf32>
    %add3A_47 = vector.broadcast %get3A_46 : vector<1x128xf32> to vector<10000x128xf32>
    %add3A_48 = arith.addf %mul3A_43, %add3A_47 : vector<10000x128xf32>
    %max3A = arith.constant 0.000000e+00 : f32
    %max3A_49 = vector.broadcast %max3A : f32 to vector<10000x128xf32>
    %max3A_50 = arith.maximumf %add3A_48, %max3A_49 : vector<10000x128xf32>
    %get3A_51 = arith.constant 0 : index
    %get3A_52 = arith.constant 0 : index
    %get3A_53 = vector.load %arg6[%get3A_51, %get3A_52] : memref<128x128xf32, #tpu.memory_space<vmem>>, vector<128x128xf32>
    %dot_general3A = arith.constant dense<0.000000e+00> : vector<10000x128xf32>
    %dot_general3A_54 = tpu.matmul %max3A_50, %get3A_53, %dot_general3A {dimension_numbers = #tpu.dot_dimension_numbers<[1], [0], [0], [1], [0, 0, 1, 1], [], []>, transpose_lhs_hint = false} : vector<10000x128xf32>, vector<128x128xf32>, vector<10000x128xf32> -> vector<10000x128xf32>
    %mul3A_55 = vector.broadcast %get3A_1 : vector<10000x1xf32> to vector<10000x128xf32>
    %mul3A_56 = arith.mulf %dot_general3A_54, %mul3A_55 : vector<10000x128xf32>
    %swap3A = arith.constant 0 : index
    %swap3A_57 = arith.constant 0 : index
    %swap3A_58 = vector.load %arg7[%swap3A, %swap3A_57] : memref<10000x128xf32, #tpu.memory_space<vmem>>, vector<10000x128xf32>
    tpu.vector_store %arg7[%swap3A, %swap3A_57], %mul3A_56 {strides = array<i32>} : memref<10000x128xf32, #tpu.memory_space<vmem>>, vector<10000x128xf32>,
    return
  }
}

module attributes {stable_mosaic.version = 14 : i64} {
  func.func @_t3_body(%arg0: memref<2x10240x128xf32, #tpu.memory_space<vmem>>, %arg1: memref<10000x128xf32, #tpu.memory_space<vmem>>, %arg2: memref<10000x1xf32, #tpu.memory_space<vmem>>, %arg3: memref<1x128xf32, #tpu.memory_space<vmem>>, %arg4: memref<1x128xf32, #tpu.memory_space<vmem>>, %arg5: memref<1x128xf32, #tpu.memory_space<vmem>>, %arg6: memref<128x3xf32, #tpu.memory_space<vmem>>, %arg7: memref<1x3xf32, #tpu.memory_space<vmem>>, %arg8: memref<1x3xf32, #tpu.memory_space<vmem>>) attributes {dimension_semantics = [], scalar_prefetch = 0 : i64, scratch_operands = 0 : i64, tpu.core_type = #tpu.core_type<tc>} {
    %get3A = arith.constant 0 : index
    %get3A_0 = arith.constant 0 : index
    %get3A_1 = arith.constant 0 : index
    %get3A_2 = vector.load %arg0[%get3A, %get3A_0, %get3A_1] : memref<2x10240x128xf32, #tpu.memory_space<vmem>>, vector<1x10000x128xf32>
    %get3A_3 = vector.shape_cast %get3A_2 : vector<1x10000x128xf32> to vector<10000x128xf32>
    %get3A_4 = arith.constant 1 : index
    %get3A_5 = arith.constant 0 : index
    %get3A_6 = arith.constant 0 : index
    %get3A_7 = vector.load %arg0[%get3A_4, %get3A_5, %get3A_6] : memref<2x10240x128xf32, #tpu.memory_space<vmem>>, vector<1x10000x128xf32>
    %get3A_8 = vector.shape_cast %get3A_7 : vector<1x10000x128xf32> to vector<10000x128xf32>
    %add3A = arith.addf %get3A_3, %get3A_8 : vector<10000x128xf32>
    %get3A_9 = arith.constant 0 : index
    %get3A_10 = arith.constant 0 : index
    %get3A_11 = vector.load %arg1[%get3A_9, %get3A_10] : memref<10000x128xf32, #tpu.memory_space<vmem>>, vector<10000x128xf32>
    %add3A_12 = arith.addf %add3A, %get3A_11 : vector<10000x128xf32>
    %get3A_13 = arith.constant 0 : index
    %get3A_14 = arith.constant 0 : index
    %get3A_15 = vector.load %arg2[%get3A_13, %get3A_14] : memref<10000x1xf32, #tpu.memory_space<vmem>>, vector<10000x1xf32>
    %mul3A = vector.broadcast %get3A_15 : vector<10000x1xf32> to vector<10000x128xf32>
    %mul3A_16 = arith.mulf %add3A_12, %mul3A : vector<10000x128xf32>
    %get3A_17 = arith.constant 0 : index
    %get3A_18 = arith.constant 0 : index
    %get3A_19 = vector.load %arg3[%get3A_17, %get3A_18] : memref<1x128xf32, #tpu.memory_space<vmem>>, vector<1x128xf32>
    %add3A_20 = vector.broadcast %get3A_19 : vector<1x128xf32> to vector<10000x128xf32>
    %add3A_21 = arith.addf %mul3A_16, %add3A_20 : vector<10000x128xf32>
    %reduce_sum3A = arith.constant dense<0.000000e+00> : vector<128xf32>
    %reduce_sum3A_22 = vector.multi_reduction <add>, %add3A_21, %reduce_sum3A [0] : vector<10000x128xf32> to vector<128xf32>
    %broadcast_in_dim3A = vector.shape_cast %reduce_sum3A_22 : vector<128xf32> to vector<1x128xf32>
    %div3A = arith.constant 1.000000e+04 : f32
    %div3A_23 = vector.broadcast %div3A : f32 to vector<1x128xf32>
    %div3A_24 = arith.divf %broadcast_in_dim3A, %div3A_23 : vector<1x128xf32>
    %sub3A = vector.broadcast %div3A_24 : vector<1x128xf32> to vector<10000x128xf32>
    %sub3A_25 = arith.subf %add3A_21, %sub3A : vector<10000x128xf32>
    %integer_pow3A = arith.mulf %sub3A_25, %sub3A_25 : vector<10000x128xf32>
    %reduce_sum3A_26 = arith.constant dense<0.000000e+00> : vector<128xf32>
    %reduce_sum3A_27 = vector.multi_reduction <add>, %integer_pow3A, %reduce_sum3A_26 [0] : vector<10000x128xf32> to vector<128xf32>
    %broadcast_in_dim3A_28 = vector.shape_cast %reduce_sum3A_27 : vector<128xf32> to vector<1x128xf32>
    %div3A_29 = arith.constant 1.000000e+04 : f32
    %div3A_30 = vector.broadcast %div3A_29 : f32 to vector<1x128xf32>
    %div3A_31 = arith.divf %broadcast_in_dim3A_28, %div3A_30 : vector<1x128xf32>
    %sub3A_32 = vector.broadcast %div3A_24 : vector<1x128xf32> to vector<10000x128xf32>
    %sub3A_33 = arith.subf %add3A_21, %sub3A_32 : vector<10000x128xf32>
    %add3A_34 = arith.constant 9.99999974E-6 : f32
    %add3A_35 = vector.broadcast %add3A_34 : f32 to vector<1x128xf32>
    %add3A_36 = arith.addf %div3A_31, %add3A_35 : vector<1x128xf32>
    %rsqrt3A = math.rsqrt %add3A_36 : vector<1x128xf32>
    %mul3A_37 = vector.broadcast %rsqrt3A : vector<1x128xf32> to vector<10000x128xf32>
    %mul3A_38 = arith.mulf %sub3A_33, %mul3A_37 : vector<10000x128xf32>
    %get3A_39 = arith.constant 0 : index
    %get3A_40 = arith.constant 0 : index
    %get3A_41 = vector.load %arg4[%get3A_39, %get3A_40] : memref<1x128xf32, #tpu.memory_space<vmem>>, vector<1x128xf32>
    %mul3A_42 = vector.broadcast %get3A_41 : vector<1x128xf32> to vector<10000x128xf32>
    %mul3A_43 = arith.mulf %mul3A_38, %mul3A_42 : vector<10000x128xf32>
    %get3A_44 = arith.constant 0 : index
    %get3A_45 = arith.constant 0 : index
    %get3A_46 = vector.load %arg5[%get3A_44, %get3A_45] : memref<1x128xf32, #tpu.memory_space<vmem>>, vector<1x128xf32>
    %add3A_47 = vector.broadcast %get3A_46 : vector<1x128xf32> to vector<10000x128xf32>
    %add3A_48 = arith.addf %mul3A_43, %add3A_47 : vector<10000x128xf32>
    %max3A = arith.constant 0.000000e+00 : f32
    %max3A_49 = vector.broadcast %max3A : f32 to vector<10000x128xf32>
    %max3A_50 = arith.maximumf %add3A_48, %max3A_49 : vector<10000x128xf32>
    %reduce_sum3A_51 = arith.constant dense<0.000000e+00> : vector<128xf32>
    %reduce_sum3A_52 = vector.multi_reduction <add>, %max3A_50, %reduce_sum3A_51 [0] : vector<10000x128xf32> to vector<128xf32>
    %broadcast_in_dim3A_53 = vector.shape_cast %reduce_sum3A_52 : vector<128xf32> to vector<1x128xf32>
    %div3A_54 = arith.constant 1.000000e+04 : f32
    %div3A_55 = vector.broadcast %div3A_54 : f32 to vector<1x128xf32>
    %div3A_56 = arith.divf %broadcast_in_dim3A_53, %div3A_55 : vector<1x128xf32>
    %get3A_57 = arith.constant 0 : index
    %get3A_58 = arith.constant 0 : index
    %get3A_59 = vector.load %arg6[%get3A_57, %get3A_58] : memref<128x3xf32, #tpu.memory_space<vmem>>, vector<128x3xf32>
    %dot_general3A = arith.constant dense<0.000000e+00> : vector<1x3xf32>
    %dot_general3A_60 = tpu.matmul %div3A_56, %get3A_59, %dot_general3A {dimension_numbers = #tpu.dot_dimension_numbers<[1], [0], [0], [1], [0, 0, 1, 1], [], []>, transpose_lhs_hint = false} : vector<1x128xf32>, vector<128x3xf32>, vector<1x3xf32> -> vector<1x3xf32>
    %get3A_61 = arith.constant 0 : index
    %get3A_62 = arith.constant 0 : index
    %get3A_63 = vector.load %arg7[%get3A_61, %get3A_62] : memref<1x3xf32, #tpu.memory_space<vmem>>, vector<1x3xf32>
    %add3A_64 = arith.addf %dot_general3A_60, %get3A_63 : vector<1x3xf32>
    %swap3A = arith.constant 0 : index
    %swap3A_65 = arith.constant 0 : index
    %swap3A_66 = vector.load %arg8[%swap3A, %swap3A_65] : memref<1x3xf32, #tpu.memory_space<vmem>>, vector<1x3xf32>
    tpu.vector_store %arg8[%swap3A, %swap3A_65], %add3A_64 {strides = array<i32>} : memref<1x3xf32, #tpu.memory_space<vmem>>, vector<1x3xf32>,
    return
  }
}

</mosaic_0001>

<sc_bundles>
// kernel: kernel.11.cloned.1.call-start
scs
__scs_entry_jumppad:
0x0: {  	(pc) =	sbr.rel $0x88, $3  }
0x1: {  	(tag) =	ssettag $0x0;
	lr =	simm.s32 $0x1  }
0x2: {  	[smem:$0x3F91] =	sst lr;
	_ =	strace $0xD0000000  }
0x3: {  	_ = 	snop  }
0x4: {  	_ = 	snop  }
0x5: {  	_ = 	snop  }
0x6: {  	_ = 	snop  }
0x7: {  	_ = 	snop  }
__scs_overlays_trampoline_lowered:
0x8: {  	[smem:$0x3FA0] =	sst s0  }
0x9: {  	[smem:$0x3FA1] =	sst s1  }
0xa: {  	[smem:$0x3FA2] =	sst s2  }
0xb: {  	[smem:$0x3FA3] =	sst s3  }
0xc: {  	[smem:$0x3FA4] =	sst s4  }
0xd: {  	[smem:$0x3FA5] =	sst s5  }
0xe: {  	[smem:$0x3FA6] =	sst s6  }
0xf: {  	[smem:$0x3FA7] =	sst s7  }
0x10: {  	[smem:$0x3FA8] =	sst s8  }
0x11: {  	[smem:$0x3FA9] =	sst s9;
	s0 =	simm.s32 @!p0 $0x0  }
0x12: {  	s1 =	sld [smem:$0x3F8F];
	s0 =	simm.s32 @p0 $0x1  }
0x13: {  	[smem:$0x3FAA] =	sst s0;
	s0 =	simm.s32 @!p1 $0x0  }
0x14: {  	s2 =	sld [smem:$0x3F8E];
	s0 =	simm.s32 @p1 $0x1  }
0x15: {  	[smem:$0x3FAB] =	sst s0;
	s0 =	simm.s32 @!p2 $0x0  }
0x16: {  	s3 =	sld [smem:$0x3FDB];
	s0 =	simm.s32 @p2 $0x1  }
0x17: {  	s4 =	simm.s32 $0x1BF5;
	[smem:$0x3FAD] =	sst s0  }
0x18: {  	s0 =	sld [smem:$0x3F90];
	_ =	swait.ge [sflag:s4], $0x0  }
0x19: {  	s7 =	sld [smem:$0x3F91]  }
0x1a: {  	s8 =	sadd.s32 $0xFFFFE003, lr  }
0x1b: {  	s9 =	sadd.s32 $0xFFFFFEF7, lr;
	s5 =	simm.s32 $0xFFFFFFFF;
	p2 =	slt.u32 s8, $0xFFFFF086  }
0x1c: {  	p1 =	slt.u32 s9, $0xF7A;
	s5 =	simm.s32 @!p2 $0x0  }
0x1d: {  	s5 =	simm.s32 @p1 $0x1;
	p0 =	seq.s32 s7, s2  }
0x1e: {  	s7 =	smul.u32 @!p0 $0xF7A, s2;
	p2 =	seq.s32 @!p0 s5, $0x0  }
0x1f: {  	s9 =	smul.u32 $0xF7A, s1;
	s8 =	simm.s32 @!p0 $0x1BF5;
	p2 =	por !p2, p0  }
0x20: {  	[sflag:s8] =	ssyncset.s32 @!p0 $0xFFFFF086;
	s6 =	sadd.s32 @!p0 s3, s7;
	s7 =	simm.s32 @!p0 $0x108  }
0x21: {  	s3 =	sadd.s32 s3, s9;
	s6 =	sadd.s32 @!p0 $0x88, s6;
	s7 =	simm.s32 @p2 $0x1082  }
0x22: {  	[simem:s7], [sflag:s8] =	dma.local @!p0 [hbm:s6], $0xF7A  }
0x23: {  	s9 =	sor.u32 $0xD0000000, s2;
	s6 =	simm.s32 $0x108;
	_ =	swait.ge @!p0 [sflag:s8], $0x0  }
0x24: {  	s3 =	sadd.s32 $0x88, s3;
	s6 =	simm.s32 @!p1 $0x1082;
	[sflag:s4] =	ssyncset.s32 $0xFFFFF086  }
0x25: {  	[simem:s6], [sflag:s4] =	dma.local [hbm:s3], $0xF7A  }
0x26: {  	[smem:$0x3F91] =	sst s1;
	(tag) =	ssettag s2;
	_ =	strace s9  }
0x27: {  	s1 =	sld [smem:$0x3FA1]  }
0x28: {  	s2 =	sld [smem:$0x3FA2]  }
0x29: {  	s4 =	sld [smem:$0x3FA4]  }
0x2a: {  	p0 =	seq.s32 s5, $0x0;
	s5 =	sld [smem:$0x3FA5]  }
0x2b: {  	s6 =	sld [smem:$0x3FA6]  }
0x2c: {  	s7 =	sld [smem:$0x3FA7]  }
0x2d: {  	s3 =	simm.s32 $0x108;
	s8 =	sld [smem:$0x3FA8]  }
0x2e: {  	s3 =	simm.s32 @!p0 $0x1082;
	s9 =	sld [smem:$0x3FA9]  }
0x2f: {  	lr =	sadd.s32 s0, s3;
	s0 =	sld [smem:$0x3FA0]  }
0x30: {  	s3 =	sld [smem:$0x3FA3]  }
0x31: {  	[smem:$0x3FAC] =	sst s10  }
0x32: {  	s10 =	sld [smem:$0x3FAA];
	_ =	sdelay $0x3  }
0x33: {  	p0 =	seq.s32 s10, $0x1;
	s10 =	sld [smem:$0x3FAC];
	_ =	sdelay $0x3  }
0x34: {  	[smem:$0x3FAC] =	sst s10  }
0x35: {  	s10 =	sld [smem:$0x3FAB];
	_ =	sdelay $0x3  }
0x36: {  	p1 =	seq.s32 s10, $0x1;
	s10 =	sld [smem:$0x3FAC];
	_ =	sdelay $0x3  }
0x37: {  	[smem:$0x3FAC] =	sst s10  }
0x38: {  	s10 =	sld [smem:$0x3FAD]  }
0x39: {  	_ = 	snop;
	(pc) =	sbr.ind lr, $3  }
0x3a: {  	_ = 	snop  }
0x3b: {  	_ = 	snop  }
0x3c: {  	p2 =	seq.s32 s10, $0x1;
	s10 =	sld [smem:$0x3FAC]  }
0x3d: {  	_ =	shalt  }
0x3e: {  	_ =	shalt  }
0x3f: {  	_ =	shalt  }
0x40: {  	_ =	shalt  }
0x41: {  	_ =	shalt  }
0x42: {  	_ =	shalt  }
0x43: {  	_ =	shalt  }
0x44: {  	_ =	shalt  }
0x45: {  	_ =	shalt  }
0x46: {  	_ =	shalt  }
0x47: {  	_ =	shalt  }
0x48: {  	_ =	shalt  }
0x49: {  	_ =	shalt  }
0x4a: {  	_ =	shalt  }
0x4b: {  	_ =	shalt  }
0x4c: {  	_ =	shalt  }
0x4d: {  	_ =	shalt  }
0x4e: {  	_ =	shalt  }
0x4f: {  	_ =	shalt  }
0x50: {  	_ =	shalt  }
0x51: {  	_ =	shalt  }
0x52: {  	_ =	shalt  }
0x53: {  	_ =	shalt  }
0x54: {  	_ =	shalt  }
0x55: {  	_ =	shalt  }
0x56: {  	_ =	shalt  }
0x57: {  	_ =	shalt  }
0x58: {  	_ =	shalt  }
0x59: {  	_ =	shalt  }
0x5a: {  	_ =	shalt  }
0x5b: {  	_ =	shalt  }
0x5c: {  	_ =	shalt  }
0x5d: {  	_ =	shalt  }
0x5e: {  	_ =	shalt  }
0x5f: {  	_ =	shalt  }
0x60: {  	_ =	shalt  }
0x61: {  	_ =	shalt  }
0x62: {  	_ =	shalt  }
0x63: {  	_ =	shalt  }
0x64: {  	_ =	shalt  }
0x65: {  	_ =	shalt  }
0x66: {  	_ =	shalt  }
0x67: {  	_ =	shalt  }
0x68: {  	_ =	shalt  }
0x69: {  	_ =	shalt  }
0x6a: {  	_ =	shalt  }
0x6b: {  	_ =	shalt  }
0x6c: {  	_ =	shalt  }
0x6d: {  	_ =	shalt  }
0x6e: {  	_ =	shalt  }
0x6f: {  	_ =	shalt  }
0x70: {  	_ =	shalt  }
0x71: {  	_ =	shalt  }
0x72: {  	_ =	shalt  }
0x73: {  	_ =	shalt  }
0x74: {  	_ =	shalt  }
0x75: {  	_ =	shalt  }
0x76: {  	_ =	shalt  }
0x77: {  	_ =	shalt  }
0x78: {  	_ =	shalt  }
0x79: {  	_ =	shalt  }
0x7a: {  	_ =	shalt  }
0x7b: {  	_ =	shalt  }
0x7c: {  	_ =	shalt  }
0x7d: {  	_ =	shalt  }
0x7e: {  	_ =	shalt  }
0x7f: {  	_ =	shalt  }
0x80: {  	_ =	shalt  }
0x81: {  	_ =	shalt  }
0x82: {  	_ =	shalt  }
0x83: {  	_ =	shalt  }
0x84: {  	_ =	shalt  }
0x85: {  	_ =	shalt  }
0x86: {  	_ =	shalt  }
0x87: {  	_ =	shalt  }
.Lfunc_end0:
.L_simem_size_0:
called_computation_lowered:
.L_overlay_start_0:
0x88: {  	s2 =	sld [smem:$0x3FD9]  }
0x89: {  	s3 =	sld [smem:$0x3FFE];
	_ =	sdelay $0x1  }
0x8a: {  	s1 =	srdreg.scid  }
0x8b: {  	s0 =	sand.u32 $0x1, s1  }
0x8c: {  	s16 =	sshll.u32 s0, $0xA;
	s2 =	sadd.s32 s3, s2  }
0x8d: {  	s2 =	sadd.s32 s2, s16  }
0x8e: {  	[smem:$0x3FB8] =	sst s2  }
0x8f: {  	_ = 	snop  }
0x90: {  	(tm) =	ssettm $0x1  }
0x91: {  	s17 =	sld [smem:$0x3FFB];
	_ =	sdelay $0x3  }
0x92: {  	_ =	strace s17  }
0x93: {  	s2 =	sld [smem:$0x3FFC];
	_ =	sdelay $0x3  }
0x94: {  	_ =	strace s2  }
0x95: {  	s2 =	sld [smem:$0x3FFD];
	_ =	sdelay $0x3  }
0x96: {  	_ =	strace s2  }
0x97: {  	_ =	strace $0x8FFFFFFF  }
0x98: {  	s18 =	sld [smem:$0x3FDB];
	_ =	sdelay $0x1  }
0x99: {  	s19 =	simm.s32 $_scs_section_size  }
0x9a: {  	s4 =	simm.s32 $_size__tile_overlayer_lowered;
	s5 =	simm.s32 $_tile_overlayer_lowered  }
0x9b: {  	s22 =	simm.s32 $0x1BFF;
	s21 =	sshll.u32 s5, $0x1;
	s2 =	sadd.s32 s19, s18  }
0x9c: {  	s6 =	simm.s32 $0x0;
	s20 =	sshll.u32 s4, $0x1;
	s4 =	sadd.s32 s21, s2  }
0x9d: {  	[timem:s6], [sflag:s22] =	dma.local [hbm:s4], s20  }
0x9e: {  	_ =	swait.ge [sflag:s22], s20  }
0x9f: {  	s3 =	ssub.s32 $0x0, s20;
	[sflag:s22] =	ssyncset.done $0x0  }
0xa0: {  	[sflag:s22] =	ssyncadd.s32 s3;
	_ =	sdelay $0x1  }
0xa1: {  	s23 =	simm.s32 $0x1B8B  }
0xa2: {  	_ =	swait.ge [sflag:s23], $0x1  }
0xa3: {  	[sflag:s23] =	ssyncset.done $0x0  }
0xa4: {  	s25 =	simm.s32 $0x1B8E;
	s24 =	sld [smem:$0x3FFE];
	[sflag:s23] =	ssyncadd.s32 $0xFFFFFFFF  }
0xa5: {  	s26 =	simm.s32 $execute0_lowered;
	[smem:$0x3FD2] =	sst s25  }
0xa6: {  	s4 =	sshll.u32 s26, $0x1;
	_ =	strace $0x80000046;
	[dreg:$0x1] =	wrdreg $0xFFFFFFFF  }
0xa7: {  	s28 =	simm.s32 $_size_execute0_lowered;
	s2 =	sadd.s32 s2, s4;
	[dreg:$0x0] =	wrdreg $0x0  }
0xa8: {  	s4 =	sshll.u32 s28, $0x1;
	[dreg:$0x2] =	wrdreg s2  }
0xa9: {  	[dreg:$0x3] =	wrdreg s4  }
0xaa: {  	[dreg:$0x4] =	wrdreg $0xC0  }
0xab: {  	_ =	task [dreg:s6], $0x5FFFF  }
0xac: {  	[dreg:$0x1] =	wrdreg $0xFFFFFFFF  }
0xad: {  	[dreg:$0x0] =	wrdreg $0x60  }
0xae: {  	[dreg:$0x2] =	wrdreg s24  }
0xaf: {  	[dreg:$0x3] =	wrdreg $0xA8000  }
0xb0: {  	[dreg:$0x4] =	wrdreg $0x9  }
0xb1: {  	_ =	task.clear_ibuf [dreg:s6], $0x5FFFF;
	_ =	strace $0x90000046  }
0xb2: {  	s29 =	simm.s32 $0x9;
	_ =	strace $0x80000048  }
0xb3: {  	_ =	swait.ge [sflag:s29], $0x1  }
0xb4: {  	[sflag:s29] =	ssyncadd.s32 $0xFFFFFFFF  }
0xb5: {  	_ =	strace $0x90000048  }
0xb6: {  	_ =	sfence  }
0xb7: {  	s30 =	sld [smem:$0x0];
	_ =	sdelay $0x2  }
0xb8: {  	s31 =	sshll.u32 s1, $0xD;
	s1 =	sshrl.u32 s1, $0x2  }
0xb9: {  	s3 =	sand.u32 $0x4000, s31;
	s1 =	sadd.s32 s1, s30  }
0xba: {  	s0 =	sor.u32 s3, s0;
	s1 =	sshll.u32 s1, $0x11  }
0xbb: {  	s0 =	sor.u32 s1, s0  }
0xbc: {  	s0 =	sadd.s32 $0x8F2B, s0  }
0xbd: {  	[sflag:s0] =	ssyncadd.remote.s32 $0x1  }
0xbe: {  	_ =	sfence.sel $0xFFFF  }
0xbf: {  	[dreg:$0x0] =	wrdreg $0xFFFFFFFF;
	(pc) =	sbr.abs _section_cstart, $3  }
0xc0: {  	[dreg:$0x1] =	wrdreg $0xFFFFFFFF  }
0xc1: {  	_ =	task.clear_ibuf [dreg:s6], $0x2FFFF;
	_ =	strace $0x9FFFFFFF  }
0xc2: {  	(tm) =	ssettm $0x7FFFFFFF  }
0xc3: {  	_ =	shalt  }
tec
execute0_lowered:
.L_overlay_start_1:
0x0: {  	(tag) =	ssettag $0x1  }
0x1: {  	s6 =	rddreg [dreg:$0x0]  }
0x2: {  	s0 =	srdreg.scid;
	s2 =	rddreg [dreg:$0x1];
	s3 =	simm.s32 $0x0  }
0x3: {  	s14 =	simm.s32 $0x3;
	s15 =	simm.s32 $0x1400;
	s16 =	simm.s32 $0x2800  }
0x4: {  	s17 =	simm.s32 $0x1;
	s18 =	simm.s32 $0x80;
	s19 =	simm.s32 $0x6800  }
0x5: {  	s20 =	simm.s32 $0x2;
	s21 =	simm.s32 $0x2700;
	s5 =	sand.u32 $0x1, s0  }
0x6: {  	s22 =	simm.s32 $0x2780;
	s0 =	stileid.u32;
	s8 =	smul.u32 $0x140000, s5  }
0x7: {  	s25 =	simm.s32 $0x0;
	[smem:$0x7FF] =	sst s3;
	s9 =	smul.u32 $0x14000, s0  }
0x8: {  	s4 =	sadd.s32 $0xE800, s6;
	s1 =	sshll.u32 s5, $0x4;
	s10 =	smul.u32 $0x50000, s0  }
0x9: {  	s5 =	ssub.s32 $0x2, s5;
	s23 =	sshll.u32 s0, $0x6;
	s1 =	sor.u32 s0, s1  }
0xa: {  	s31 =	sshrl.u32 s5, $0x1;
	s23 =	sor.u32 $0x1C03, s23;
	s7 =	smul.u32 $0x280, s1  }
0xb: {  	s1 =	rddreg [dreg:$0x2];
	_ =	strace $0x80000047;
	s8 =	sadd.s32 s9, s8  }
0xc: {  	s10 =	sshrl.u32 s10, $0x2;
	s13 =	ssub.s32 s5, s31;
	s8 =	sshrl.u32 s8, $0x3  }
0xd: {  	s5 =	sadd.s32 s10, s2;
	s13 =	smax.u32 s13, $0x1;
	s7 =	sadd.s32 s7, s6  }
0xe: {  	s12 =	sadd.s32 s8, s6;
	s8 =	sadd.s32 $0x4000, s5;
	s9 =	sadd.s32 $0x8000, s5  }
0xf: {  	s10 =	sadd.s32 $0xC000, s5;
	s11 =	sadd.s32 $0x10000, s5;
	s24 =	sshrl.u32 s5, $0x3  }
0x10: {  	v0 =	vimm.f32 $0.0e+00;
	s6 =	sadd.s32 $0x9800, s7;
	s7 =	sadd.s32 $0x4800, s7;
	s12 =	sadd.s32 $0x35A00, s12  }
.LBB2_1:
0x11: {  	[tilespmem:s3], [sflag:$0x3] =	stream.linear.gather [hbm4b:s6+s3], $0x1400, $0x38;
	[tilespmem:$0x1E800] =	vst v63  }
0x12: {  	_ =	swait.ge [sflag:s14], $0x1400  }
0x13: {  	[sflag:s14] =	ssyncset.done $0x0  }
0x14: {  	[sflag:s14] =	ssyncadd.s32 $0xFFFFEC00  }
0x15: {  	[tilespmem:s15], [sflag:$0x3] =	stream.linear.gather [hbm4b:s7+s3], $0x1400, $0x38;
	[tilespmem:$0x1E800] =	vst v63  }
0x16: {  	_ =	swait.ge [sflag:s14], $0x1400  }
0x17: {  	[sflag:s14] =	ssyncset.done $0x0  }
0x18: {  	s26 =	simm.s32 $0x0;
	s28 =	simm.s32 $0x200;
	[sflag:s14] =	ssyncadd.s32 $0xFFFFEC00  }
.LBB2_2:
0x19: {  	p0 =	sne.s32 s28, $0xFE00;
	[tilespmem:s26+$0x2870] =	vst v0  }
0x1a: {  	[tilespmem:s26+$0x2800] =	vst v0  }
0x1b: {  	[tilespmem:s26+$0x2810] =	vst v0  }
.Ltmp0:
0x1c: {  	[tilespmem:s26+$0x2820] =	vst v0;
	(pc) =	sbr.rel @p0 .LBB2_2-.Ltmp0, $4  }
0x1d: {  	[tilespmem:s26+$0x2830] =	vst v0  }
0x1e: {  	[tilespmem:s26+$0x2840] =	vst v0  }
0x1f: {  	[tilespmem:s26+$0x2850] =	vst v0  }
0x20: {  	[tilespmem:s26+$0x2860] =	vst v0;
	s26 =	sshra.s32 s28, $0x2;
	s28 =	sadd.s32 $0x200, s28  }
0x21: {  	[tilespmem:s26+$0x2870] =	vst v0  }
0x22: {  	[tilespmem:s26+$0x2800] =	vst v0  }
0x23: {  	[tilespmem:s26+$0x2810] =	vst v0  }
0x24: {  	[tilespmem:s26+$0x2820] =	vst v0  }
0x25: {  	[tilespmem:s26+$0x2830] =	vst v0  }
0x26: {  	[tilespmem:s26+$0x2840] =	vst v0  }
0x27: {  	[tilespmem:s26+$0x2850] =	vst v0  }
0x28: {  	[tilespmem:s26+$0x2860] =	vst v0  }
0x29: {  	[spmem:s5] =	stream.linear.scatter [tilespmem:s16], [sflag:$0x1], $0x4000, $0x38;
	[tilespmem:$0x1E800] =	vst v63  }
0x2a: {  	_ = 	snop  }
0x2b: {  	[spmem:s8] =	stream.linear.scatter [tilespmem:s16], [sflag:$0x1], $0x4000, $0x38;
	[tilespmem:$0x1E800] =	vst v63  }
0x2c: {  	_ = 	snop  }
0x2d: {  	[spmem:s9] =	stream.linear.scatter [tilespmem:s16], [sflag:$0x1], $0x4000, $0x38;
	[tilespmem:$0x1E800] =	vst v63  }
0x2e: {  	_ = 	snop  }
0x2f: {  	[spmem:s10] =	stream.linear.scatter [tilespmem:s16], [sflag:$0x1], $0x4000, $0x38;
	[tilespmem:$0x1E800] =	vst v63  }
0x30: {  	_ = 	snop  }
0x31: {  	[spmem:s11] =	stream.linear.scatter [tilespmem:s16], [sflag:$0x1], $0x4000, $0x38;
	[tilespmem:$0x1E800] =	vst v63  }
0x32: {  	_ =	swait.ge [sflag:s17], $0x4000  }
0x33: {  	[sflag:s17] =	ssyncset.done $0x0  }
0x34: {  	[sflag:s17] =	ssyncadd.s32 $0xFFFFC000  }
0x35: {  	_ =	swait.ge [sflag:s17], $0x4000  }
0x36: {  	[sflag:s17] =	ssyncset.done $0x0  }
0x37: {  	[sflag:s17] =	ssyncadd.s32 $0xFFFFC000  }
0x38: {  	_ =	swait.ge [sflag:s17], $0x4000  }
0x39: {  	[sflag:s17] =	ssyncset.done $0x0  }
0x3a: {  	[sflag:s17] =	ssyncadd.s32 $0xFFFFC000  }
0x3b: {  	_ =	swait.ge [sflag:s17], $0x4000  }
0x3c: {  	[sflag:s17] =	ssyncset.done $0x0  }
0x3d: {  	[sflag:s17] =	ssyncadd.s32 $0xFFFFC000  }
0x3e: {  	_ =	swait.ge [sflag:s17], $0x4000  }
0x3f: {  	[sflag:s17] =	ssyncset.done $0x0  }
0x40: {  	s31 =	simm.s32 $0x0;
	[sflag:s17] =	ssyncadd.s32 $0xFFFFC000  }
0x41: {  	[tilespmem:s16], [sflag:$0x1] =	stream.indirect.gather [hbm4b:s4+s18], $0x80, s31, s18, $0xb8;
	[tilespmem:$0x1E800] =	vst v63  }
0x42: {  	_ = 	snop  }
0x43: {  	[tilespmem:s19], [sflag:$0x2] =	stream.indirect.gather [hbm4b:s4+s18], $0x80, s18, s18, $0xb8;
	[tilespmem:$0x1E800] =	vst v63  }
0x44: {  	[bflag:$0x0] =	sbarrier.arrive $0xFFFF  }
0x45: {  	_ =	swait.ge [sflag:s17], $0x4000  }
0x46: {  	[sflag:s17] =	ssyncset.done $0x0  }
0x47: {  	s29 =	simm.s32 $0x1400;
	[sflag:s17] =	ssyncadd.s32 $0xFFFFC000  }
0x48: {  	[spmem:s2] =	stream.indirect.scatter.add.f32 [tilespmem:s16], [sflag:$0x3], $0x80, s29, s18, $0xb8;
	[tilespmem:$0x1E800] =	vst v63  }
0x49: {  	_ =	swait.ge [sflag:s14], $0x4000  }
0x4a: {  	[sflag:s14] =	ssyncset.done $0x0  }
0x4b: {  	s30 =	simm.s32 $0x100;
	[sflag:s14] =	ssyncadd.s32 $0xFFFFC000  }
0x4c: {  	[tilespmem:s16], [sflag:$0x1] =	stream.indirect.gather [hbm4b:s4+s18], $0x80, s30, s18, $0xb8;
	[tilespmem:$0x1E800] =	vst v63  }
0x4d: {  	_ =	swait.ge [sflag:s20], $0x4000  }
0x4e: {  	[sflag:s20] =	ssyncset.done $0x0  }
0x4f: {  	s31 =	simm.s32 $0x1480;
	[sflag:s20] =	ssyncadd.s32 $0xFFFFC000  }
0x50: {  	[spmem:s2] =	stream.indirect.scatter.add.f32 [tilespmem:s19], [sflag:$0x3], $0x80, s31, s18, $0xb8;
	[tilespmem:$0x1E800] =	vst v63  }
0x51: {  	_ =	swait.ge [sflag:s14], $0x4000  }
0x52: {  	[sflag:s14] =	ssyncset.done $0x0  }
0x53: {  	s26 =	simm.s32 $0x400;
	s28 =	simm.s32 $0x180;
	[sflag:s14] =	ssyncadd.s32 $0xFFFFC000  }
.LBB2_4:
0x54: {  	[tilespmem:s19], [sflag:$0x2] =	stream.indirect.gather [hbm4b:s4+s18], $0x80, s28, s18, $0xb8;
	[tilespmem:$0x1E800] =	vst v63  }
0x55: {  	s28 =	smov.u32 s26  }
0x56: {  	p0 =	sne.s32 s26, $0x4800;
	s26 =	sadd.s32 $0x400, s26;
	_ =	swait.ge [sflag:s17], $0x4000  }
0x57: {  	s28 =	sshra.s32 s28, $0x2;
	[sflag:s17] =	ssyncset.done $0x0  }
0x58: {  	s29 =	sadd.s32 $0x1400, s28;
	[sflag:s17] =	ssyncadd.s32 $0xFFFFC000  }
0x59: {  	[spmem:s2] =	stream.indirect.scatter.add.f32 [tilespmem:s16], [sflag:$0x3], $0x80, s29, s18, $0xb8;
	[tilespmem:$0x1E800] =	vst v63  }
0x5a: {  	_ =	swait.ge [sflag:s14], $0x4000  }
0x5b: {  	[sflag:s14] =	ssyncset.done $0x0  }
0x5c: {  	s29 =	sadd.s32 $0x100, s28;
	[sflag:s14] =	ssyncadd.s32 $0xFFFFC000  }
0x5d: {  	[tilespmem:s16], [sflag:$0x1] =	stream.indirect.gather [hbm4b:s4+s18], $0x80, s29, s18, $0xb8;
	[tilespmem:$0x1E800] =	vst v63  }
0x5e: {  	_ =	swait.ge [sflag:s20], $0x4000  }
0x5f: {  	[sflag:s20] =	ssyncset.done $0x0  }
.Ltmp1:
0x60: {  	s29 =	sadd.s32 $0x1480, s28;
	[sflag:s20] =	ssyncadd.s32 $0xFFFFC000;
	(pc) =	sbr.rel @p0 .LBB2_4-.Ltmp1, $4  }
0x61: {  	[spmem:s2] =	stream.indirect.scatter.add.f32 [tilespmem:s19], [sflag:$0x3], $0x80, s29, s18, $0xb8;
	[tilespmem:$0x1E800] =	vst v63  }
0x62: {  	_ =	swait.ge [sflag:s14], $0x4000  }
0x63: {  	[sflag:s14] =	ssyncset.done $0x0  }
0x64: {  	s28 =	sadd.s32 $0x180, s28;
	[sflag:s14] =	ssyncadd.s32 $0xFFFFC000  }
0x65: {  	[tilespmem:s19], [sflag:$0x2] =	stream.indirect.gather [hbm4b:s4+s18], $0x80, s28, s18, $0xb8;
	[tilespmem:$0x1E800] =	vst v63  }
0x66: {  	_ =	swait.ge [sflag:s17], $0x4000  }
0x67: {  	[sflag:s17] =	ssyncset.done $0x0  }
0x68: {  	[sflag:s17] =	ssyncadd.s32 $0xFFFFC000  }
0x69: {  	[spmem:s2] =	stream.indirect.scatter.add.f32 [tilespmem:s16], [sflag:$0x3], $0x80, s21, s18, $0xb8;
	[tilespmem:$0x1E800] =	vst v63  }
0x6a: {  	_ =	swait.ge [sflag:s14], $0x4000  }
0x6b: {  	[sflag:s14] =	ssyncset.done $0x0  }
0x6c: {  	[sflag:s14] =	ssyncadd.s32 $0xFFFFC000  }
0x6d: {  	_ =	swait.ge [sflag:s20], $0x4000  }
0x6e: {  	[sflag:s20] =	ssyncset.done $0x0  }
0x6f: {  	[sflag:s20] =	ssyncadd.s32 $0xFFFFC000  }
0x70: {  	[spmem:s2] =	stream.indirect.scatter.add.f32 [tilespmem:s19], [sflag:$0x3], $0x80, s22, s18, $0xb8;
	[tilespmem:$0x1E800] =	vst v63  }
0x71: {  	_ =	swait.ge [sflag:s14], $0x4000  }
0x72: {  	s25 =	sadd.s32 $0x1, s25;
	[sflag:s14] =	ssyncset.done $0x0  }
0x73: {  	p0 =	sne.s32 s25, s13;
	[sflag:s14] =	ssyncadd.s32 $0xFFFFC000  }
.Ltmp2:
0x74: {  	[bflag:$0x0] =	sbarrier.arrive $0xFFFF;
	(pc) =	sbr.rel @p0 .LBB2_1-.Ltmp2, $4  }
0x75: {  	[hbm:s12], [sflag:s23] =	dma.local [spmem:s24], $0x2800  }
0x76: {  	_ =	swait.ge [sflag:s14], $0x2800  }
0x77: {  	[sflag:s14] =	ssyncset.done $0x0  }
0x78: {  	[sflag:s14] =	ssyncadd.s32 $0xFFFFD800  }
0x79: {  	_ =	sfence.sel $0x180000  }
0x7a: {  	[bflag:$0x0] =	sbarrier.arrive $0xFFFF  }
0x7b: {  	p0 =	sne.s32 s0, $0x0;
	_ =	strace $0x90000047  }
0x7c: {  	s0 =	sadd.s32 @!p0 $0x100000, s1;
	[bflag:$0x2] =	sbarrier.arrive $0xFFFF  }
0x7d: {  	[sflag:s0] =	ssyncadd.tile.s32 @!p0 $0x1;
	_ =	shalt  }
.Lfunc_end2:
_tile_overlayer_lowered:
.L_overlay_start_2:
0x7e: {  	(tag) =	ssettag $0x2  }
0x7f: {  	s0 =	rddreg [dreg:$0x0];
	s2 =	stileid.u32  }
0x80: {  	s1 =	rddreg [dreg:$0x1];
	p0 =	sne.s32 s2, $0x0  }
0x81: {  	s3 =	rddreg [dreg:$0x2];
	[bflag:$0x3] =	sbarrier.arrive $0xFFFF;
	s2 =	simm.s32 @!p0 $0x1C03  }
0x82: {  	[timem:s3], [sflag:s2] =	dma.local @!p0 [hbm:s0], s1  }
0x83: {  	s0 =	simm.s32 @!p0 $0x3  }
0x84: {  	_ =	swait.ge @!p0 [sflag:s0], s1  }
0x85: {  	s1 =	ssub.s32 @!p0 $0x0, s1;
	[sflag:s0] =	ssyncset.done @!p0 $0x0  }
0x86: {  	[sflag:s0] =	ssyncadd.s32 @!p0 s1  }
0x87: {  	[bflag:$0x3] =	sbarrier.arrive $0xFFFF  }
0x88: {  	_ =	shalt  }

// kernel: kernel.14.cloned.1.call-start
scs
__scs_entry_jumppad:
0x0: {  	(pc) =	sbr.rel $0x88, $3  }
0x1: {  	(tag) =	ssettag $0x0;
	lr =	simm.s32 $0x1  }
0x2: {  	[smem:$0x3F91] =	sst lr;
	_ =	strace $0xD0000000  }
0x3: {  	_ = 	snop  }
0x4: {  	_ = 	snop  }
0x5: {  	_ = 	snop  }
0x6: {  	_ = 	snop  }
0x7: {  	_ = 	snop  }
__scs_overlays_trampoline_lowered:
0x8: {  	[smem:$0x3FA0] =	sst s0  }
0x9: {  	[smem:$0x3FA1] =	sst s1  }
0xa: {  	[smem:$0x3FA2] =	sst s2  }
0xb: {  	[smem:$0x3FA3] =	sst s3  }
0xc: {  	[smem:$0x3FA4] =	sst s4  }
0xd: {  	[smem:$0x3FA5] =	sst s5  }
0xe: {  	[smem:$0x3FA6] =	sst s6  }
0xf: {  	[smem:$0x3FA7] =	sst s7  }
0x10: {  	[smem:$0x3FA8] =	sst s8  }
0x11: {  	[smem:$0x3FA9] =	sst s9;
	s0 =	simm.s32 @!p0 $0x0  }
0x12: {  	s1 =	sld [smem:$0x3F8F];
	s0 =	simm.s32 @p0 $0x1  }
0x13: {  	[smem:$0x3FAA] =	sst s0;
	s0 =	simm.s32 @!p1 $0x0  }
0x14: {  	s2 =	sld [smem:$0x3F8E];
	s0 =	simm.s32 @p1 $0x1  }
0x15: {  	[smem:$0x3FAB] =	sst s0;
	s0 =	simm.s32 @!p2 $0x0  }
0x16: {  	s3 =	sld [smem:$0x3FDB];
	s0 =	simm.s32 @p2 $0x1  }
0x17: {  	s4 =	simm.s32 $0x1BF5;
	[smem:$0x3FAD] =	sst s0  }
0x18: {  	s0 =	sld [smem:$0x3F90];
	_ =	swait.ge [sflag:s4], $0x0  }
0x19: {  	s7 =	sld [smem:$0x3F91]  }
0x1a: {  	s8 =	sadd.s32 $0xFFFFE003, lr  }
0x1b: {  	s9 =	sadd.s32 $0xFFFFFEF7, lr;
	s5 =	simm.s32 $0xFFFFFFFF;
	p2 =	slt.u32 s8, $0xFFFFF086  }
0x1c: {  	p1 =	slt.u32 s9, $0xF7A;
	s5 =	simm.s32 @!p2 $0x0  }
0x1d: {  	s5 =	simm.s32 @p1 $0x1;
	p0 =	seq.s32 s7, s2  }
0x1e: {  	s7 =	smul.u32 @!p0 $0xF7A, s2;
	p2 =	seq.s32 @!p0 s5, $0x0  }
0x1f: {  	s9 =	smul.u32 $0xF7A, s1;
	s8 =	simm.s32 @!p0 $0x1BF5;
	p2 =	por !p2, p0  }
0x20: {  	[sflag:s8] =	ssyncset.s32 @!p0 $0xFFFFF086;
	s6 =	sadd.s32 @!p0 s3, s7;
	s7 =	simm.s32 @!p0 $0x108  }
0x21: {  	s3 =	sadd.s32 s3, s9;
	s6 =	sadd.s32 @!p0 $0x88, s6;
	s7 =	simm.s32 @p2 $0x1082  }
0x22: {  	[simem:s7], [sflag:s8] =	dma.local @!p0 [hbm:s6], $0xF7A  }
0x23: {  	s9 =	sor.u32 $0xD0000000, s2;
	s6 =	simm.s32 $0x108;
	_ =	swait.ge @!p0 [sflag:s8], $0x0  }
0x24: {  	s3 =	sadd.s32 $0x88, s3;
	s6 =	simm.s32 @!p1 $0x1082;
	[sflag:s4] =	ssyncset.s32 $0xFFFFF086  }
0x25: {  	[simem:s6], [sflag:s4] =	dma.local [hbm:s3], $0xF7A  }
0x26: {  	[smem:$0x3F91] =	sst s1;
	(tag) =	ssettag s2;
	_ =	strace s9  }
0x27: {  	s1 =	sld [smem:$0x3FA1]  }
0x28: {  	s2 =	sld [smem:$0x3FA2]  }
0x29: {  	s4 =	sld [smem:$0x3FA4]  }
0x2a: {  	p0 =	seq.s32 s5, $0x0;
	s5 =	sld [smem:$0x3FA5]  }
0x2b: {  	s6 =	sld [smem:$0x3FA6]  }
0x2c: {  	s7 =	sld [smem:$0x3FA7]  }
0x2d: {  	s3 =	simm.s32 $0x108;
	s8 =	sld [smem:$0x3FA8]  }
0x2e: {  	s3 =	simm.s32 @!p0 $0x1082;
	s9 =	sld [smem:$0x3FA9]  }
0x2f: {  	lr =	sadd.s32 s0, s3;
	s0 =	sld [smem:$0x3FA0]  }
0x30: {  	s3 =	sld [smem:$0x3FA3]  }
0x31: {  	[smem:$0x3FAC] =	sst s10  }
0x32: {  	s10 =	sld [smem:$0x3FAA];
	_ =	sdelay $0x3  }
0x33: {  	p0 =	seq.s32 s10, $0x1;
	s10 =	sld [smem:$0x3FAC];
	_ =	sdelay $0x3  }
0x34: {  	[smem:$0x3FAC] =	sst s10  }
0x35: {  	s10 =	sld [smem:$0x3FAB];
	_ =	sdelay $0x3  }
0x36: {  	p1 =	seq.s32 s10, $0x1;
	s10 =	sld [smem:$0x3FAC];
	_ =	sdelay $0x3  }
0x37: {  	[smem:$0x3FAC] =	sst s10  }
0x38: {  	s10 =	sld [smem:$0x3FAD]  }
0x39: {  	_ = 	snop;
	(pc) =	sbr.ind lr, $3  }
0x3a: {  	_ = 	snop  }
0x3b: {  	_ = 	snop  }
0x3c: {  	p2 =	seq.s32 s10, $0x1;
	s10 =	sld [smem:$0x3FAC]  }
0x3d: {  	_ =	shalt  }
0x3e: {  	_ =	shalt  }
0x3f: {  	_ =	shalt  }
0x40: {  	_ =	shalt  }
0x41: {  	_ =	shalt  }
0x42: {  	_ =	shalt  }
0x43: {  	_ =	shalt  }
0x44: {  	_ =	shalt  }
0x45: {  	_ =	shalt  }
0x46: {  	_ =	shalt  }
0x47: {  	_ =	shalt  }
0x48: {  	_ =	shalt  }
0x49: {  	_ =	shalt  }
0x4a: {  	_ =	shalt  }
0x4b: {  	_ =	shalt  }
0x4c: {  	_ =	shalt  }
0x4d: {  	_ =	shalt  }
0x4e: {  	_ =	shalt  }
0x4f: {  	_ =	shalt  }
0x50: {  	_ =	shalt  }
0x51: {  	_ =	shalt  }
0x52: {  	_ =	shalt  }
0x53: {  	_ =	shalt  }
0x54: {  	_ =	shalt  }
0x55: {  	_ =	shalt  }
0x56: {  	_ =	shalt  }
0x57: {  	_ =	shalt  }
0x58: {  	_ =	shalt  }
0x59: {  	_ =	shalt  }
0x5a: {  	_ =	shalt  }
0x5b: {  	_ =	shalt  }
0x5c: {  	_ =	shalt  }
0x5d: {  	_ =	shalt  }
0x5e: {  	_ =	shalt  }
0x5f: {  	_ =	shalt  }
0x60: {  	_ =	shalt  }
0x61: {  	_ =	shalt  }
0x62: {  	_ =	shalt  }
0x63: {  	_ =	shalt  }
0x64: {  	_ =	shalt  }
0x65: {  	_ =	shalt  }
0x66: {  	_ =	shalt  }
0x67: {  	_ =	shalt  }
0x68: {  	_ =	shalt  }
0x69: {  	_ =	shalt  }
0x6a: {  	_ =	shalt  }
0x6b: {  	_ =	shalt  }
0x6c: {  	_ =	shalt  }
0x6d: {  	_ =	shalt  }
0x6e: {  	_ =	shalt  }
0x6f: {  	_ =	shalt  }
0x70: {  	_ =	shalt  }
0x71: {  	_ =	shalt  }
0x72: {  	_ =	shalt  }
0x73: {  	_ =	shalt  }
0x74: {  	_ =	shalt  }
0x75: {  	_ =	shalt  }
0x76: {  	_ =	shalt  }
0x77: {  	_ =	shalt  }
0x78: {  	_ =	shalt  }
0x79: {  	_ =	shalt  }
0x7a: {  	_ =	shalt  }
0x7b: {  	_ =	shalt  }
0x7c: {  	_ =	shalt  }
0x7d: {  	_ =	shalt  }
0x7e: {  	_ =	shalt  }
0x7f: {  	_ =	shalt  }
0x80: {  	_ =	shalt  }
0x81: {  	_ =	shalt  }
0x82: {  	_ =	shalt  }
0x83: {  	_ =	shalt  }
0x84: {  	_ =	shalt  }
0x85: {  	_ =	shalt  }
0x86: {  	_ =	shalt  }
0x87: {  	_ =	shalt  }
.Lfunc_end0:
.L_simem_size_0:
called_computation.1_lowered:
.L_overlay_start_0:
0x88: {  	s2 =	sld [smem:$0x3FD9]  }
0x89: {  	s3 =	sld [smem:$0x3FFE];
	_ =	sdelay $0x1  }
0x8a: {  	s1 =	srdreg.scid  }
0x8b: {  	s0 =	sand.u32 $0x1, s1  }
0x8c: {  	s16 =	sshll.u32 s0, $0xA;
	s2 =	sadd.s32 s3, s2  }
0x8d: {  	s2 =	sadd.s32 s2, s16  }
0x8e: {  	[smem:$0x3FB8] =	sst s2  }
0x8f: {  	_ = 	snop  }
0x90: {  	(tm) =	ssettm $0x1  }
0x91: {  	s17 =	sld [smem:$0x3FFB];
	_ =	sdelay $0x3  }
0x92: {  	_ =	strace s17  }
0x93: {  	s2 =	sld [smem:$0x3FFC];
	_ =	sdelay $0x3  }
0x94: {  	_ =	strace s2  }
0x95: {  	s2 =	sld [smem:$0x3FFD];
	_ =	sdelay $0x3  }
0x96: {  	_ =	strace s2  }
0x97: {  	_ =	strace $0x8FFFFFFF  }
0x98: {  	s18 =	sld [smem:$0x3FDB];
	_ =	sdelay $0x1  }
0x99: {  	s19 =	simm.s32 $_scs_section_size  }
0x9a: {  	s4 =	simm.s32 $_size__tile_overlayer_lowered;
	s5 =	simm.s32 $_tile_overlayer_lowered  }
0x9b: {  	s22 =	simm.s32 $0x1BFF;
	s21 =	sshll.u32 s5, $0x1;
	s2 =	sadd.s32 s19, s18  }
0x9c: {  	s6 =	simm.s32 $0x0;
	s20 =	sshll.u32 s4, $0x1;
	s4 =	sadd.s32 s21, s2  }
0x9d: {  	[timem:s6], [sflag:s22] =	dma.local [hbm:s4], s20  }
0x9e: {  	_ =	swait.ge [sflag:s22], s20  }
0x9f: {  	s3 =	ssub.s32 $0x0, s20;
	[sflag:s22] =	ssyncset.done $0x0  }
0xa0: {  	[sflag:s22] =	ssyncadd.s32 s3;
	_ =	sdelay $0x1  }
0xa1: {  	s23 =	simm.s32 $0x1B8B  }
0xa2: {  	_ =	swait.ge [sflag:s23], $0x1  }
0xa3: {  	[sflag:s23] =	ssyncset.done $0x0  }
0xa4: {  	s25 =	simm.s32 $0x1B8E;
	s24 =	sld [smem:$0x3FFE];
	[sflag:s23] =	ssyncadd.s32 $0xFFFFFFFF  }
0xa5: {  	s26 =	simm.s32 $execute0_lowered;
	[smem:$0x3FD2] =	sst s25  }
0xa6: {  	s4 =	sshll.u32 s26, $0x1;
	_ =	strace $0x80000049;
	[dreg:$0x1] =	wrdreg $0xFFFFFFFF  }
0xa7: {  	s28 =	simm.s32 $_size_execute0_lowered;
	s2 =	sadd.s32 s2, s4;
	[dreg:$0x0] =	wrdreg $0x0  }
0xa8: {  	s4 =	sshll.u32 s28, $0x1;
	[dreg:$0x2] =	wrdreg s2  }
0xa9: {  	[dreg:$0x3] =	wrdreg s4  }
0xaa: {  	[dreg:$0x4] =	wrdreg $0xC0  }
0xab: {  	_ =	task [dreg:s6], $0x5FFFF  }
0xac: {  	[dreg:$0x1] =	wrdreg $0xFFFFFFFF  }
0xad: {  	[dreg:$0x0] =	wrdreg $0x60  }
0xae: {  	[dreg:$0x2] =	wrdreg s24  }
0xaf: {  	[dreg:$0x3] =	wrdreg $0xA8000  }
0xb0: {  	[dreg:$0x4] =	wrdreg $0x9  }
0xb1: {  	_ =	task.clear_ibuf [dreg:s6], $0x5FFFF;
	_ =	strace $0x90000049  }
0xb2: {  	s29 =	simm.s32 $0x9;
	_ =	strace $0x8000004B  }
0xb3: {  	_ =	swait.ge [sflag:s29], $0x1  }
0xb4: {  	[sflag:s29] =	ssyncadd.s32 $0xFFFFFFFF  }
0xb5: {  	_ =	strace $0x9000004B  }
0xb6: {  	_ =	sfence  }
0xb7: {  	s30 =	sld [smem:$0x0];
	_ =	sdelay $0x2  }
0xb8: {  	s31 =	sshll.u32 s1, $0xD;
	s1 =	sshrl.u32 s1, $0x2  }
0xb9: {  	s3 =	sand.u32 $0x4000, s31;
	s1 =	sadd.s32 s1, s30  }
0xba: {  	s0 =	sor.u32 s3, s0;
	s1 =	sshll.u32 s1, $0x11  }
0xbb: {  	s0 =	sor.u32 s1, s0  }
0xbc: {  	s0 =	sadd.s32 $0x8F2B, s0  }
0xbd: {  	[sflag:s0] =	ssyncadd.remote.s32 $0x1  }
0xbe: {  	_ =	sfence.sel $0xFFFF  }
0xbf: {  	[dreg:$0x0] =	wrdreg $0xFFFFFFFF;
	(pc) =	sbr.abs _section_cstart, $3  }
0xc0: {  	[dreg:$0x1] =	wrdreg $0xFFFFFFFF  }
0xc1: {  	_ =	task.clear_ibuf [dreg:s6], $0x2FFFF;
	_ =	strace $0x9FFFFFFF  }
0xc2: {  	(tm) =	ssettm $0x7FFFFFFF  }
0xc3: {  	_ =	shalt  }
tec
execute0_lowered:
.L_overlay_start_1:
0x0: {  	(tag) =	ssettag $0x1  }
0x1: {  	s6 =	rddreg [dreg:$0x0]  }
0x2: {  	s0 =	srdreg.scid;
	s2 =	rddreg [dreg:$0x1];
	s3 =	simm.s32 $0x0  }
0x3: {  	s14 =	simm.s32 $0x3;
	s15 =	simm.s32 $0x1400;
	s16 =	simm.s32 $0x2800  }
0x4: {  	s17 =	simm.s32 $0x1;
	s18 =	simm.s32 $0x80;
	s19 =	simm.s32 $0x6800  }
0x5: {  	s20 =	simm.s32 $0x2;
	s21 =	simm.s32 $0x2700;
	s5 =	sand.u32 $0x1, s0  }
0x6: {  	s22 =	simm.s32 $0x2780;
	s0 =	stileid.u32;
	s8 =	smul.u32 $0x140000, s5  }
0x7: {  	s25 =	simm.s32 $0x0;
	[smem:$0x7FF] =	sst s3;
	s9 =	smul.u32 $0x14000, s0  }
0x8: {  	s4 =	sadd.s32 $0x9800, s6;
	s1 =	sshll.u32 s5, $0x4;
	s10 =	smul.u32 $0x50000, s0  }
0x9: {  	s5 =	ssub.s32 $0x2, s5;
	s23 =	sshll.u32 s0, $0x6;
	s1 =	sor.u32 s0, s1  }
0xa: {  	s31 =	sshrl.u32 s5, $0x1;
	s23 =	sor.u32 $0x1C03, s23;
	s7 =	smul.u32 $0x280, s1  }
0xb: {  	s1 =	rddreg [dreg:$0x2];
	_ =	strace $0x8000004A;
	s8 =	sadd.s32 s9, s8  }
0xc: {  	s10 =	sshrl.u32 s10, $0x2;
	s13 =	ssub.s32 s5, s31;
	s8 =	sshrl.u32 s8, $0x3  }
0xd: {  	s5 =	sadd.s32 s10, s2;
	s13 =	smax.u32 s13, $0x1;
	s7 =	sadd.s32 s7, s6  }
0xe: {  	s12 =	sadd.s32 s8, s6;
	s8 =	sadd.s32 $0x4000, s5;
	s9 =	sadd.s32 $0x8000, s5  }
0xf: {  	s10 =	sadd.s32 $0xC000, s5;
	s11 =	sadd.s32 $0x10000, s5;
	s24 =	sshrl.u32 s5, $0x3  }
0x10: {  	v0 =	vimm.f32 $0.0e+00;
	s6 =	sadd.s32 $0x121E00, s7;
	s7 =	sadd.s32 $0x4800, s7;
	s12 =	sadd.s32 $0x30A00, s12  }
.LBB2_1:
0x11: {  	[tilespmem:s3], [sflag:$0x3] =	stream.linear.gather [hbm4b:s6+s3], $0x1400, $0x38;
	[tilespmem:$0x1E800] =	vst v63  }
0x12: {  	_ =	swait.ge [sflag:s14], $0x1400  }
0x13: {  	[sflag:s14] =	ssyncset.done $0x0  }
0x14: {  	[sflag:s14] =	ssyncadd.s32 $0xFFFFEC00  }
0x15: {  	[tilespmem:s15], [sflag:$0x3] =	stream.linear.gather [hbm4b:s7+s3], $0x1400, $0x38;
	[tilespmem:$0x1E800] =	vst v63  }
0x16: {  	_ =	swait.ge [sflag:s14], $0x1400  }
0x17: {  	[sflag:s14] =	ssyncset.done $0x0  }
0x18: {  	s26 =	simm.s32 $0x0;
	s28 =	simm.s32 $0x200;
	[sflag:s14] =	ssyncadd.s32 $0xFFFFEC00  }
.LBB2_2:
0x19: {  	p0 =	sne.s32 s28, $0xFE00;
	[tilespmem:s26+$0x2870] =	vst v0  }
0x1a: {  	[tilespmem:s26+$0x2800] =	vst v0  }
0x1b: {  	[tilespmem:s26+$0x2810] =	vst v0  }
.Ltmp0:
0x1c: {  	[tilespmem:s26+$0x2820] =	vst v0;
	(pc) =	sbr.rel @p0 .LBB2_2-.Ltmp0, $4  }
0x1d: {  	[tilespmem:s26+$0x2830] =	vst v0  }
0x1e: {  	[tilespmem:s26+$0x2840] =	vst v0  }
0x1f: {  	[tilespmem:s26+$0x2850] =	vst v0  }
0x20: {  	[tilespmem:s26+$0x2860] =	vst v0;
	s26 =	sshra.s32 s28, $0x2;
	s28 =	sadd.s32 $0x200, s28  }
0x21: {  	[tilespmem:s26+$0x2870] =	vst v0  }
0x22: {  	[tilespmem:s26+$0x2800] =	vst v0  }
0x23: {  	[tilespmem:s26+$0x2810] =	vst v0  }
0x24: {  	[tilespmem:s26+$0x2820] =	vst v0  }
0x25: {  	[tilespmem:s26+$0x2830] =	vst v0  }
0x26: {  	[tilespmem:s26+$0x2840] =	vst v0  }
0x27: {  	[tilespmem:s26+$0x2850] =	vst v0  }
0x28: {  	[tilespmem:s26+$0x2860] =	vst v0  }
0x29: {  	[spmem:s5] =	stream.linear.scatter [tilespmem:s16], [sflag:$0x1], $0x4000, $0x38;
	[tilespmem:$0x1E800] =	vst v63  }
0x2a: {  	_ = 	snop  }
0x2b: {  	[spmem:s8] =	stream.linear.scatter [tilespmem:s16], [sflag:$0x1], $0x4000, $0x38;
	[tilespmem:$0x1E800] =	vst v63  }
0x2c: {  	_ = 	snop  }
0x2d: {  	[spmem:s9] =	stream.linear.scatter [tilespmem:s16], [sflag:$0x1], $0x4000, $0x38;
	[tilespmem:$0x1E800] =	vst v63  }
0x2e: {  	_ = 	snop  }
0x2f: {  	[spmem:s10] =	stream.linear.scatter [tilespmem:s16], [sflag:$0x1], $0x4000, $0x38;
	[tilespmem:$0x1E800] =	vst v63  }
0x30: {  	_ = 	snop  }
0x31: {  	[spmem:s11] =	stream.linear.scatter [tilespmem:s16], [sflag:$0x1], $0x4000, $0x38;
	[tilespmem:$0x1E800] =	vst v63  }
0x32: {  	_ =	swait.ge [sflag:s17], $0x4000  }
0x33: {  	[sflag:s17] =	ssyncset.done $0x0  }
0x34: {  	[sflag:s17] =	ssyncadd.s32 $0xFFFFC000  }
0x35: {  	_ =	swait.ge [sflag:s17], $0x4000  }
0x36: {  	[sflag:s17] =	ssyncset.done $0x0  }
0x37: {  	[sflag:s17] =	ssyncadd.s32 $0xFFFFC000  }
0x38: {  	_ =	swait.ge [sflag:s17], $0x4000  }
0x39: {  	[sflag:s17] =	ssyncset.done $0x0  }
0x3a: {  	[sflag:s17] =	ssyncadd.s32 $0xFFFFC000  }
0x3b: {  	_ =	swait.ge [sflag:s17], $0x4000  }
0x3c: {  	[sflag:s17] =	ssyncset.done $0x0  }
0x3d: {  	[sflag:s17] =	ssyncadd.s32 $0xFFFFC000  }
0x3e: {  	_ =	swait.ge [sflag:s17], $0x4000  }
0x3f: {  	[sflag:s17] =	ssyncset.done $0x0  }
0x40: {  	s31 =	simm.s32 $0x0;
	[sflag:s17] =	ssyncadd.s32 $0xFFFFC000  }
0x41: {  	[tilespmem:s16], [sflag:$0x1] =	stream.indirect.gather [hbm4b:s4+s18], $0x80, s31, s18, $0xb8;
	[tilespmem:$0x1E800] =	vst v63  }
0x42: {  	_ = 	snop  }
0x43: {  	[tilespmem:s19], [sflag:$0x2] =	stream.indirect.gather [hbm4b:s4+s18], $0x80, s18, s18, $0xb8;
	[tilespmem:$0x1E800] =	vst v63  }
0x44: {  	[bflag:$0x0] =	sbarrier.arrive $0xFFFF  }
0x45: {  	_ =	swait.ge [sflag:s17], $0x4000  }
0x46: {  	[sflag:s17] =	ssyncset.done $0x0  }
0x47: {  	s29 =	simm.s32 $0x1400;
	[sflag:s17] =	ssyncadd.s32 $0xFFFFC000  }
0x48: {  	[spmem:s2] =	stream.indirect.scatter.add.f32 [tilespmem:s16], [sflag:$0x3], $0x80, s29, s18, $0xb8;
	[tilespmem:$0x1E800] =	vst v63  }
0x49: {  	_ =	swait.ge [sflag:s14], $0x4000  }
0x4a: {  	[sflag:s14] =	ssyncset.done $0x0  }
0x4b: {  	s30 =	simm.s32 $0x100;
	[sflag:s14] =	ssyncadd.s32 $0xFFFFC000  }
0x4c: {  	[tilespmem:s16], [sflag:$0x1] =	stream.indirect.gather [hbm4b:s4+s18], $0x80, s30, s18, $0xb8;
	[tilespmem:$0x1E800] =	vst v63  }
0x4d: {  	_ =	swait.ge [sflag:s20], $0x4000  }
0x4e: {  	[sflag:s20] =	ssyncset.done $0x0  }
0x4f: {  	s31 =	simm.s32 $0x1480;
	[sflag:s20] =	ssyncadd.s32 $0xFFFFC000  }
0x50: {  	[spmem:s2] =	stream.indirect.scatter.add.f32 [tilespmem:s19], [sflag:$0x3], $0x80, s31, s18, $0xb8;
	[tilespmem:$0x1E800] =	vst v63  }
0x51: {  	_ =	swait.ge [sflag:s14], $0x4000  }
0x52: {  	[sflag:s14] =	ssyncset.done $0x0  }
0x53: {  	s26 =	simm.s32 $0x400;
	s28 =	simm.s32 $0x180;
	[sflag:s14] =	ssyncadd.s32 $0xFFFFC000  }
.LBB2_4:
0x54: {  	[tilespmem:s19], [sflag:$0x2] =	stream.indirect.gather [hbm4b:s4+s18], $0x80, s28, s18, $0xb8;
	[tilespmem:$0x1E800] =	vst v63  }
0x55: {  	s28 =	smov.u32 s26  }
0x56: {  	p0 =	sne.s32 s26, $0x4800;
	s26 =	sadd.s32 $0x400, s26;
	_ =	swait.ge [sflag:s17], $0x4000  }
0x57: {  	s28 =	sshra.s32 s28, $0x2;
	[sflag:s17] =	ssyncset.done $0x0  }
0x58: {  	s29 =	sadd.s32 $0x1400, s28;
	[sflag:s17] =	ssyncadd.s32 $0xFFFFC000  }
0x59: {  	[spmem:s2] =	stream.indirect.scatter.add.f32 [tilespmem:s16], [sflag:$0x3], $0x80, s29, s18, $0xb8;
	[tilespmem:$0x1E800] =	vst v63  }
0x5a: {  	_ =	swait.ge [sflag:s14], $0x4000  }
0x5b: {  	[sflag:s14] =	ssyncset.done $0x0  }
0x5c: {  	s29 =	sadd.s32 $0x100, s28;
	[sflag:s14] =	ssyncadd.s32 $0xFFFFC000  }
0x5d: {  	[tilespmem:s16], [sflag:$0x1] =	stream.indirect.gather [hbm4b:s4+s18], $0x80, s29, s18, $0xb8;
	[tilespmem:$0x1E800] =	vst v63  }
0x5e: {  	_ =	swait.ge [sflag:s20], $0x4000  }
0x5f: {  	[sflag:s20] =	ssyncset.done $0x0  }
.Ltmp1:
0x60: {  	s29 =	sadd.s32 $0x1480, s28;
	[sflag:s20] =	ssyncadd.s32 $0xFFFFC000;
	(pc) =	sbr.rel @p0 .LBB2_4-.Ltmp1, $4  }
0x61: {  	[spmem:s2] =	stream.indirect.scatter.add.f32 [tilespmem:s19], [sflag:$0x3], $0x80, s29, s18, $0xb8;
	[tilespmem:$0x1E800] =	vst v63  }
0x62: {  	_ =	swait.ge [sflag:s14], $0x4000  }
0x63: {  	[sflag:s14] =	ssyncset.done $0x0  }
0x64: {  	s28 =	sadd.s32 $0x180, s28;
	[sflag:s14] =	ssyncadd.s32 $0xFFFFC000  }
0x65: {  	[tilespmem:s19], [sflag:$0x2] =	stream.indirect.gather [hbm4b:s4+s18], $0x80, s28, s18, $0xb8;
	[tilespmem:$0x1E800] =	vst v63  }
0x66: {  	_ =	swait.ge [sflag:s17], $0x4000  }
0x67: {  	[sflag:s17] =	ssyncset.done $0x0  }
0x68: {  	[sflag:s17] =	ssyncadd.s32 $0xFFFFC000  }
0x69: {  	[spmem:s2] =	stream.indirect.scatter.add.f32 [tilespmem:s16], [sflag:$0x3], $0x80, s21, s18, $0xb8;
	[tilespmem:$0x1E800] =	vst v63  }
0x6a: {  	_ =	swait.ge [sflag:s14], $0x4000  }
0x6b: {  	[sflag:s14] =	ssyncset.done $0x0  }
0x6c: {  	[sflag:s14] =	ssyncadd.s32 $0xFFFFC000  }
0x6d: {  	_ =	swait.ge [sflag:s20], $0x4000  }
0x6e: {  	[sflag:s20] =	ssyncset.done $0x0  }
0x6f: {  	[sflag:s20] =	ssyncadd.s32 $0xFFFFC000  }
0x70: {  	[spmem:s2] =	stream.indirect.scatter.add.f32 [tilespmem:s19], [sflag:$0x3], $0x80, s22, s18, $0xb8;
	[tilespmem:$0x1E800] =	vst v63  }
0x71: {  	_ =	swait.ge [sflag:s14], $0x4000  }
0x72: {  	s25 =	sadd.s32 $0x1, s25;
	[sflag:s14] =	ssyncset.done $0x0  }
0x73: {  	p0 =	sne.s32 s25, s13;
	[sflag:s14] =	ssyncadd.s32 $0xFFFFC000  }
.Ltmp2:
0x74: {  	[bflag:$0x0] =	sbarrier.arrive $0xFFFF;
	(pc) =	sbr.rel @p0 .LBB2_1-.Ltmp2, $4  }
0x75: {  	[hbm:s12], [sflag:s23] =	dma.local [spmem:s24], $0x2800  }
0x76: {  	_ =	swait.ge [sflag:s14], $0x2800  }
0x77: {  	[sflag:s14] =	ssyncset.done $0x0  }
0x78: {  	[sflag:s14] =	ssyncadd.s32 $0xFFFFD800  }
0x79: {  	_ =	sfence.sel $0x180000  }
0x7a: {  	[bflag:$0x0] =	sbarrier.arrive $0xFFFF  }
0x7b: {  	p0 =	sne.s32 s0, $0x0;
	_ =	strace $0x9000004A  }
0x7c: {  	s0 =	sadd.s32 @!p0 $0x100000, s1;
	[bflag:$0x2] =	sbarrier.arrive $0xFFFF  }
0x7d: {  	[sflag:s0] =	ssyncadd.tile.s32 @!p0 $0x1;
	_ =	shalt  }
.Lfunc_end2:
_tile_overlayer_lowered:
.L_overlay_start_2:
0x7e: {  	(tag) =	ssettag $0x2  }
0x7f: {  	s0 =	rddreg [dreg:$0x0];
	s2 =	stileid.u32  }
0x80: {  	s1 =	rddreg [dreg:$0x1];
	p0 =	sne.s32 s2, $0x0  }
0x81: {  	s3 =	rddreg [dreg:$0x2];
	[bflag:$0x3] =	sbarrier.arrive $0xFFFF;
	s2 =	simm.s32 @!p0 $0x1C03  }
0x82: {  	[timem:s3], [sflag:s2] =	dma.local @!p0 [hbm:s0], s1  }
0x83: {  	s0 =	simm.s32 @!p0 $0x3  }
0x84: {  	_ =	swait.ge @!p0 [sflag:s0], s1  }
0x85: {  	s1 =	ssub.s32 @!p0 $0x0, s1;
	[sflag:s0] =	ssyncset.done @!p0 $0x0  }
0x86: {  	[sflag:s0] =	ssyncadd.s32 @!p0 s1  }
0x87: {  	[bflag:$0x3] =	sbarrier.arrive $0xFFFF  }
0x88: {  	_ =	shalt  }

// kernel: kernel.17.cloned.1.call-start
scs
__scs_entry_jumppad:
0x0: {  	(pc) =	sbr.rel $0x88, $3  }
0x1: {  	(tag) =	ssettag $0x0;
	lr =	simm.s32 $0x1  }
0x2: {  	[smem:$0x3F91] =	sst lr;
	_ =	strace $0xD0000000  }
0x3: {  	_ = 	snop  }
0x4: {  	_ = 	snop  }
0x5: {  	_ = 	snop  }
0x6: {  	_ = 	snop  }
0x7: {  	_ = 	snop  }
__scs_overlays_trampoline_lowered:
0x8: {  	[smem:$0x3FA0] =	sst s0  }
0x9: {  	[smem:$0x3FA1] =	sst s1  }
0xa: {  	[smem:$0x3FA2] =	sst s2  }
0xb: {  	[smem:$0x3FA3] =	sst s3  }
0xc: {  	[smem:$0x3FA4] =	sst s4  }
0xd: {  	[smem:$0x3FA5] =	sst s5  }
0xe: {  	[smem:$0x3FA6] =	sst s6  }
0xf: {  	[smem:$0x3FA7] =	sst s7  }
0x10: {  	[smem:$0x3FA8] =	sst s8  }
0x11: {  	[smem:$0x3FA9] =	sst s9;
	s0 =	simm.s32 @!p0 $0x0  }
0x12: {  	s1 =	sld [smem:$0x3F8F];
	s0 =	simm.s32 @p0 $0x1  }
0x13: {  	[smem:$0x3FAA] =	sst s0;
	s0 =	simm.s32 @!p1 $0x0  }
0x14: {  	s2 =	sld [smem:$0x3F8E];
	s0 =	simm.s32 @p1 $0x1  }
0x15: {  	[smem:$0x3FAB] =	sst s0;
	s0 =	simm.s32 @!p2 $0x0  }
0x16: {  	s3 =	sld [smem:$0x3FDB];
	s0 =	simm.s32 @p2 $0x1  }
0x17: {  	s4 =	simm.s32 $0x1BF5;
	[smem:$0x3FAD] =	sst s0  }
0x18: {  	s0 =	sld [smem:$0x3F90];
	_ =	swait.ge [sflag:s4], $0x0  }
0x19: {  	s7 =	sld [smem:$0x3F91]  }
0x1a: {  	s8 =	sadd.s32 $0xFFFFE003, lr  }
0x1b: {  	s9 =	sadd.s32 $0xFFFFFEF7, lr;
	s5 =	simm.s32 $0xFFFFFFFF;
	p2 =	slt.u32 s8, $0xFFFFF086  }
0x1c: {  	p1 =	slt.u32 s9, $0xF7A;
	s5 =	simm.s32 @!p2 $0x0  }
0x1d: {  	s5 =	simm.s32 @p1 $0x1;
	p0 =	seq.s32 s7, s2  }
0x1e: {  	s7 =	smul.u32 @!p0 $0xF7A, s2;
	p2 =	seq.s32 @!p0 s5, $0x0  }
0x1f: {  	s9 =	smul.u32 $0xF7A, s1;
	s8 =	simm.s32 @!p0 $0x1BF5;
	p2 =	por !p2, p0  }
0x20: {  	[sflag:s8] =	ssyncset.s32 @!p0 $0xFFFFF086;
	s6 =	sadd.s32 @!p0 s3, s7;
	s7 =	simm.s32 @!p0 $0x108  }
0x21: {  	s3 =	sadd.s32 s3, s9;
	s6 =	sadd.s32 @!p0 $0x88, s6;
	s7 =	simm.s32 @p2 $0x1082  }
0x22: {  	[simem:s7], [sflag:s8] =	dma.local @!p0 [hbm:s6], $0xF7A  }
0x23: {  	s9 =	sor.u32 $0xD0000000, s2;
	s6 =	simm.s32 $0x108;
	_ =	swait.ge @!p0 [sflag:s8], $0x0  }
0x24: {  	s3 =	sadd.s32 $0x88, s3;
	s6 =	simm.s32 @!p1 $0x1082;
	[sflag:s4] =	ssyncset.s32 $0xFFFFF086  }
0x25: {  	[simem:s6], [sflag:s4] =	dma.local [hbm:s3], $0xF7A  }
0x26: {  	[smem:$0x3F91] =	sst s1;
	(tag) =	ssettag s2;
	_ =	strace s9  }
0x27: {  	s1 =	sld [smem:$0x3FA1]  }
0x28: {  	s2 =	sld [smem:$0x3FA2]  }
0x29: {  	s4 =	sld [smem:$0x3FA4]  }
0x2a: {  	p0 =	seq.s32 s5, $0x0;
	s5 =	sld [smem:$0x3FA5]  }
0x2b: {  	s6 =	sld [smem:$0x3FA6]  }
0x2c: {  	s7 =	sld [smem:$0x3FA7]  }
0x2d: {  	s3 =	simm.s32 $0x108;
	s8 =	sld [smem:$0x3FA8]  }
0x2e: {  	s3 =	simm.s32 @!p0 $0x1082;
	s9 =	sld [smem:$0x3FA9]  }
0x2f: {  	lr =	sadd.s32 s0, s3;
	s0 =	sld [smem:$0x3FA0]  }
0x30: {  	s3 =	sld [smem:$0x3FA3]  }
0x31: {  	[smem:$0x3FAC] =	sst s10  }
0x32: {  	s10 =	sld [smem:$0x3FAA];
	_ =	sdelay $0x3  }
0x33: {  	p0 =	seq.s32 s10, $0x1;
	s10 =	sld [smem:$0x3FAC];
	_ =	sdelay $0x3  }
0x34: {  	[smem:$0x3FAC] =	sst s10  }
0x35: {  	s10 =	sld [smem:$0x3FAB];
	_ =	sdelay $0x3  }
0x36: {  	p1 =	seq.s32 s10, $0x1;
	s10 =	sld [smem:$0x3FAC];
	_ =	sdelay $0x3  }
0x37: {  	[smem:$0x3FAC] =	sst s10  }
0x38: {  	s10 =	sld [smem:$0x3FAD]  }
0x39: {  	_ = 	snop;
	(pc) =	sbr.ind lr, $3  }
0x3a: {  	_ = 	snop  }
0x3b: {  	_ = 	snop  }
0x3c: {  	p2 =	seq.s32 s10, $0x1;
	s10 =	sld [smem:$0x3FAC]  }
0x3d: {  	_ =	shalt  }
0x3e: {  	_ =	shalt  }
0x3f: {  	_ =	shalt  }
0x40: {  	_ =	shalt  }
0x41: {  	_ =	shalt  }
0x42: {  	_ =	shalt  }
0x43: {  	_ =	shalt  }
0x44: {  	_ =	shalt  }
0x45: {  	_ =	shalt  }
0x46: {  	_ =	shalt  }
0x47: {  	_ =	shalt  }
0x48: {  	_ =	shalt  }
0x49: {  	_ =	shalt  }
0x4a: {  	_ =	shalt  }
0x4b: {  	_ =	shalt  }
0x4c: {  	_ =	shalt  }
0x4d: {  	_ =	shalt  }
0x4e: {  	_ =	shalt  }
0x4f: {  	_ =	shalt  }
0x50: {  	_ =	shalt  }
0x51: {  	_ =	shalt  }
0x52: {  	_ =	shalt  }
0x53: {  	_ =	shalt  }
0x54: {  	_ =	shalt  }
0x55: {  	_ =	shalt  }
0x56: {  	_ =	shalt  }
0x57: {  	_ =	shalt  }
0x58: {  	_ =	shalt  }
0x59: {  	_ =	shalt  }
0x5a: {  	_ =	shalt  }
0x5b: {  	_ =	shalt  }
0x5c: {  	_ =	shalt  }
0x5d: {  	_ =	shalt  }
0x5e: {  	_ =	shalt  }
0x5f: {  	_ =	shalt  }
0x60: {  	_ =	shalt  }
0x61: {  	_ =	shalt  }
0x62: {  	_ =	shalt  }
0x63: {  	_ =	shalt  }
0x64: {  	_ =	shalt  }
0x65: {  	_ =	shalt  }
0x66: {  	_ =	shalt  }
0x67: {  	_ =	shalt  }
0x68: {  	_ =	shalt  }
0x69: {  	_ =	shalt  }
0x6a: {  	_ =	shalt  }
0x6b: {  	_ =	shalt  }
0x6c: {  	_ =	shalt  }
0x6d: {  	_ =	shalt  }
0x6e: {  	_ =	shalt  }
0x6f: {  	_ =	shalt  }
0x70: {  	_ =	shalt  }
0x71: {  	_ =	shalt  }
0x72: {  	_ =	shalt  }
0x73: {  	_ =	shalt  }
0x74: {  	_ =	shalt  }
0x75: {  	_ =	shalt  }
0x76: {  	_ =	shalt  }
0x77: {  	_ =	shalt  }
0x78: {  	_ =	shalt  }
0x79: {  	_ =	shalt  }
0x7a: {  	_ =	shalt  }
0x7b: {  	_ =	shalt  }
0x7c: {  	_ =	shalt  }
0x7d: {  	_ =	shalt  }
0x7e: {  	_ =	shalt  }
0x7f: {  	_ =	shalt  }
0x80: {  	_ =	shalt  }
0x81: {  	_ =	shalt  }
0x82: {  	_ =	shalt  }
0x83: {  	_ =	shalt  }
0x84: {  	_ =	shalt  }
0x85: {  	_ =	shalt  }
0x86: {  	_ =	shalt  }
0x87: {  	_ =	shalt  }
.Lfunc_end0:
.L_simem_size_0:
called_computation.2_lowered:
.L_overlay_start_0:
0x88: {  	s2 =	sld [smem:$0x3FD9]  }
0x89: {  	s3 =	sld [smem:$0x3FFE];
	_ =	sdelay $0x1  }
0x8a: {  	s1 =	srdreg.scid  }
0x8b: {  	s0 =	sand.u32 $0x1, s1  }
0x8c: {  	s16 =	sshll.u32 s0, $0xA;
	s2 =	sadd.s32 s3, s2  }
0x8d: {  	s2 =	sadd.s32 s2, s16  }
0x8e: {  	[smem:$0x3FB8] =	sst s2  }
0x8f: {  	_ = 	snop  }
0x90: {  	(tm) =	ssettm $0x1  }
0x91: {  	s17 =	sld [smem:$0x3FFB];
	_ =	sdelay $0x3  }
0x92: {  	_ =	strace s17  }
0x93: {  	s2 =	sld [smem:$0x3FFC];
	_ =	sdelay $0x3  }
0x94: {  	_ =	strace s2  }
0x95: {  	s2 =	sld [smem:$0x3FFD];
	_ =	sdelay $0x3  }
0x96: {  	_ =	strace s2  }
0x97: {  	_ =	strace $0x8FFFFFFF  }
0x98: {  	s18 =	sld [smem:$0x3FDB];
	_ =	sdelay $0x1  }
0x99: {  	s19 =	simm.s32 $_scs_section_size  }
0x9a: {  	s4 =	simm.s32 $_size__tile_overlayer_lowered;
	s5 =	simm.s32 $_tile_overlayer_lowered  }
0x9b: {  	s22 =	simm.s32 $0x1BFF;
	s21 =	sshll.u32 s5, $0x1;
	s2 =	sadd.s32 s19, s18  }
0x9c: {  	s6 =	simm.s32 $0x0;
	s20 =	sshll.u32 s4, $0x1;
	s4 =	sadd.s32 s21, s2  }
0x9d: {  	[timem:s6], [sflag:s22] =	dma.local [hbm:s4], s20  }
0x9e: {  	_ =	swait.ge [sflag:s22], s20  }
0x9f: {  	s3 =	ssub.s32 $0x0, s20;
	[sflag:s22] =	ssyncset.done $0x0  }
0xa0: {  	[sflag:s22] =	ssyncadd.s32 s3;
	_ =	sdelay $0x1  }
0xa1: {  	s23 =	simm.s32 $0x1B8B  }
0xa2: {  	_ =	swait.ge [sflag:s23], $0x1  }
0xa3: {  	[sflag:s23] =	ssyncset.done $0x0  }
0xa4: {  	s25 =	simm.s32 $0x1B8E;
	s24 =	sld [smem:$0x3FFE];
	[sflag:s23] =	ssyncadd.s32 $0xFFFFFFFF  }
0xa5: {  	s26 =	simm.s32 $execute0_lowered;
	[smem:$0x3FD2] =	sst s25  }
0xa6: {  	s4 =	sshll.u32 s26, $0x1;
	_ =	strace $0x8000004C;
	[dreg:$0x1] =	wrdreg $0xFFFFFFFF  }
0xa7: {  	s28 =	simm.s32 $_size_execute0_lowered;
	s2 =	sadd.s32 s2, s4;
	[dreg:$0x0] =	wrdreg $0x0  }
0xa8: {  	s4 =	sshll.u32 s28, $0x1;
	[dreg:$0x2] =	wrdreg s2  }
0xa9: {  	[dreg:$0x3] =	wrdreg s4  }
0xaa: {  	[dreg:$0x4] =	wrdreg $0xC0  }
0xab: {  	_ =	task [dreg:s6], $0x5FFFF  }
0xac: {  	[dreg:$0x1] =	wrdreg $0xFFFFFFFF  }
0xad: {  	[dreg:$0x0] =	wrdreg $0x60  }
0xae: {  	[dreg:$0x2] =	wrdreg s24  }
0xaf: {  	[dreg:$0x3] =	wrdreg $0xA8000  }
0xb0: {  	[dreg:$0x4] =	wrdreg $0x9  }
0xb1: {  	_ =	task.clear_ibuf [dreg:s6], $0x5FFFF;
	_ =	strace $0x9000004C  }
0xb2: {  	s29 =	simm.s32 $0x9;
	_ =	strace $0x8000004E  }
0xb3: {  	_ =	swait.ge [sflag:s29], $0x1  }
0xb4: {  	[sflag:s29] =	ssyncadd.s32 $0xFFFFFFFF  }
0xb5: {  	_ =	strace $0x9000004E  }
0xb6: {  	_ =	sfence  }
0xb7: {  	s30 =	sld [smem:$0x0];
	_ =	sdelay $0x2  }
0xb8: {  	s31 =	sshll.u32 s1, $0xD;
	s1 =	sshrl.u32 s1, $0x2  }
0xb9: {  	s3 =	sand.u32 $0x4000, s31;
	s1 =	sadd.s32 s1, s30  }
0xba: {  	s0 =	sor.u32 s3, s0;
	s1 =	sshll.u32 s1, $0x11  }
0xbb: {  	s0 =	sor.u32 s1, s0  }
0xbc: {  	s0 =	sadd.s32 $0x8F2B, s0  }
0xbd: {  	[sflag:s0] =	ssyncadd.remote.s32 $0x1  }
0xbe: {  	_ =	sfence.sel $0xFFFF  }
0xbf: {  	[dreg:$0x0] =	wrdreg $0xFFFFFFFF;
	(pc) =	sbr.abs _section_cstart, $3  }
0xc0: {  	[dreg:$0x1] =	wrdreg $0xFFFFFFFF  }
0xc1: {  	_ =	task.clear_ibuf [dreg:s6], $0x2FFFF;
	_ =	strace $0x9FFFFFFF  }
0xc2: {  	(tm) =	ssettm $0x7FFFFFFF  }
0xc3: {  	_ =	shalt  }
tec
execute0_lowered:
.L_overlay_start_1:
0x0: {  	(tag) =	ssettag $0x1  }
0x1: {  	s6 =	rddreg [dreg:$0x0]  }
0x2: {  	s0 =	srdreg.scid;
	s2 =	rddreg [dreg:$0x1];
	s3 =	simm.s32 $0x0  }
0x3: {  	s14 =	simm.s32 $0x3;
	s15 =	simm.s32 $0x1400;
	s16 =	simm.s32 $0x2800  }
0x4: {  	s17 =	simm.s32 $0x1;
	s18 =	simm.s32 $0x80;
	s19 =	simm.s32 $0x6800  }
0x5: {  	s20 =	simm.s32 $0x2;
	s21 =	simm.s32 $0x2700;
	s5 =	sand.u32 $0x1, s0  }
0x6: {  	s22 =	simm.s32 $0x2780;
	s0 =	stileid.u32;
	s8 =	smul.u32 $0x140000, s5  }
0x7: {  	s25 =	simm.s32 $0x0;
	[smem:$0x7FF] =	sst s3;
	s9 =	smul.u32 $0x14000, s0  }
0x8: {  	s4 =	sadd.s32 $0x9800, s6;
	s1 =	sshll.u32 s5, $0x4;
	s10 =	smul.u32 $0x50000, s0  }
0x9: {  	s5 =	ssub.s32 $0x2, s5;
	s23 =	sshll.u32 s0, $0x6;
	s1 =	sor.u32 s0, s1  }
0xa: {  	s31 =	sshrl.u32 s5, $0x1;
	s23 =	sor.u32 $0x1C03, s23;
	s7 =	smul.u32 $0x280, s1  }
0xb: {  	s1 =	rddreg [dreg:$0x2];
	_ =	strace $0x8000004D;
	s8 =	sadd.s32 s9, s8  }
0xc: {  	s10 =	sshrl.u32 s10, $0x2;
	s13 =	ssub.s32 s5, s31;
	s8 =	sshrl.u32 s8, $0x3  }
0xd: {  	s5 =	sadd.s32 s10, s2;
	s13 =	smax.u32 s13, $0x1;
	s7 =	sadd.s32 s7, s6  }
0xe: {  	s12 =	sadd.s32 s8, s6;
	s8 =	sadd.s32 $0x4000, s5;
	s9 =	sadd.s32 $0x8000, s5  }
0xf: {  	s10 =	sadd.s32 $0xC000, s5;
	s11 =	sadd.s32 $0x10000, s5;
	s24 =	sshrl.u32 s5, $0x3  }
0x10: {  	v0 =	vimm.f32 $0.0e+00;
	s6 =	sadd.s32 $0x121E00, s7;
	s7 =	sadd.s32 $0x4800, s7;
	s12 =	sadd.s32 $0x30A00, s12  }
.LBB2_1:
0x11: {  	[tilespmem:s3], [sflag:$0x3] =	stream.linear.gather [hbm4b:s6+s3], $0x1400, $0x38;
	[tilespmem:$0x1E800] =	vst v63  }
0x12: {  	_ =	swait.ge [sflag:s14], $0x1400  }
0x13: {  	[sflag:s14] =	ssyncset.done $0x0  }
0x14: {  	[sflag:s14] =	ssyncadd.s32 $0xFFFFEC00  }
0x15: {  	[tilespmem:s15], [sflag:$0x3] =	stream.linear.gather [hbm4b:s7+s3], $0x1400, $0x38;
	[tilespmem:$0x1E800] =	vst v63  }
0x16: {  	_ =	swait.ge [sflag:s14], $0x1400  }
0x17: {  	[sflag:s14] =	ssyncset.done $0x0  }
0x18: {  	s26 =	simm.s32 $0x0;
	s28 =	simm.s32 $0x200;
	[sflag:s14] =	ssyncadd.s32 $0xFFFFEC00  }
.LBB2_2:
0x19: {  	p0 =	sne.s32 s28, $0xFE00;
	[tilespmem:s26+$0x2870] =	vst v0  }
0x1a: {  	[tilespmem:s26+$0x2800] =	vst v0  }
0x1b: {  	[tilespmem:s26+$0x2810] =	vst v0  }
.Ltmp0:
0x1c: {  	[tilespmem:s26+$0x2820] =	vst v0;
	(pc) =	sbr.rel @p0 .LBB2_2-.Ltmp0, $4  }
0x1d: {  	[tilespmem:s26+$0x2830] =	vst v0  }
0x1e: {  	[tilespmem:s26+$0x2840] =	vst v0  }
0x1f: {  	[tilespmem:s26+$0x2850] =	vst v0  }
0x20: {  	[tilespmem:s26+$0x2860] =	vst v0;
	s26 =	sshra.s32 s28, $0x2;
	s28 =	sadd.s32 $0x200, s28  }
0x21: {  	[tilespmem:s26+$0x2870] =	vst v0  }
0x22: {  	[tilespmem:s26+$0x2800] =	vst v0  }
0x23: {  	[tilespmem:s26+$0x2810] =	vst v0  }
0x24: {  	[tilespmem:s26+$0x2820] =	vst v0  }
0x25: {  	[tilespmem:s26+$0x2830] =	vst v0  }
0x26: {  	[tilespmem:s26+$0x2840] =	vst v0  }
0x27: {  	[tilespmem:s26+$0x2850] =	vst v0  }
0x28: {  	[tilespmem:s26+$0x2860] =	vst v0  }
0x29: {  	[spmem:s5] =	stream.linear.scatter [tilespmem:s16], [sflag:$0x1], $0x4000, $0x38;
	[tilespmem:$0x1E800] =	vst v63  }
0x2a: {  	_ = 	snop  }
0x2b: {  	[spmem:s8] =	stream.linear.scatter [tilespmem:s16], [sflag:$0x1], $0x4000, $0x38;
	[tilespmem:$0x1E800] =	vst v63  }
0x2c: {  	_ = 	snop  }
0x2d: {  	[spmem:s9] =	stream.linear.scatter [tilespmem:s16], [sflag:$0x1], $0x4000, $0x38;
	[tilespmem:$0x1E800] =	vst v63  }
0x2e: {  	_ = 	snop  }
0x2f: {  	[spmem:s10] =	stream.linear.scatter [tilespmem:s16], [sflag:$0x1], $0x4000, $0x38;
	[tilespmem:$0x1E800] =	vst v63  }
0x30: {  	_ = 	snop  }
0x31: {  	[spmem:s11] =	stream.linear.scatter [tilespmem:s16], [sflag:$0x1], $0x4000, $0x38;
	[tilespmem:$0x1E800] =	vst v63  }
0x32: {  	_ =	swait.ge [sflag:s17], $0x4000  }
0x33: {  	[sflag:s17] =	ssyncset.done $0x0  }
0x34: {  	[sflag:s17] =	ssyncadd.s32 $0xFFFFC000  }
0x35: {  	_ =	swait.ge [sflag:s17], $0x4000  }
0x36: {  	[sflag:s17] =	ssyncset.done $0x0  }
0x37: {  	[sflag:s17] =	ssyncadd.s32 $0xFFFFC000  }
0x38: {  	_ =	swait.ge [sflag:s17], $0x4000  }
0x39: {  	[sflag:s17] =	ssyncset.done $0x0  }
0x3a: {  	[sflag:s17] =	ssyncadd.s32 $0xFFFFC000  }
0x3b: {  	_ =	swait.ge [sflag:s17], $0x4000  }
0x3c: {  	[sflag:s17] =	ssyncset.done $0x0  }
0x3d: {  	[sflag:s17] =	ssyncadd.s32 $0xFFFFC000  }
0x3e: {  	_ =	swait.ge [sflag:s17], $0x4000  }
0x3f: {  	[sflag:s17] =	ssyncset.done $0x0  }
0x40: {  	s31 =	simm.s32 $0x0;
	[sflag:s17] =	ssyncadd.s32 $0xFFFFC000  }
0x41: {  	[tilespmem:s16], [sflag:$0x1] =	stream.indirect.gather [hbm4b:s4+s18], $0x80, s31, s18, $0xb8;
	[tilespmem:$0x1E800] =	vst v63  }
0x42: {  	_ = 	snop  }
0x43: {  	[tilespmem:s19], [sflag:$0x2] =	stream.indirect.gather [hbm4b:s4+s18], $0x80, s18, s18, $0xb8;
	[tilespmem:$0x1E800] =	vst v63  }
0x44: {  	[bflag:$0x0] =	sbarrier.arrive $0xFFFF  }
0x45: {  	_ =	swait.ge [sflag:s17], $0x4000  }
0x46: {  	[sflag:s17] =	ssyncset.done $0x0  }
0x47: {  	s29 =	simm.s32 $0x1400;
	[sflag:s17] =	ssyncadd.s32 $0xFFFFC000  }
0x48: {  	[spmem:s2] =	stream.indirect.scatter.add.f32 [tilespmem:s16], [sflag:$0x3], $0x80, s29, s18, $0xb8;
	[tilespmem:$0x1E800] =	vst v63  }
0x49: {  	_ =	swait.ge [sflag:s14], $0x4000  }
0x4a: {  	[sflag:s14] =	ssyncset.done $0x0  }
0x4b: {  	s30 =	simm.s32 $0x100;
	[sflag:s14] =	ssyncadd.s32 $0xFFFFC000  }
0x4c: {  	[tilespmem:s16], [sflag:$0x1] =	stream.indirect.gather [hbm4b:s4+s18], $0x80, s30, s18, $0xb8;
	[tilespmem:$0x1E800] =	vst v63  }
0x4d: {  	_ =	swait.ge [sflag:s20], $0x4000  }
0x4e: {  	[sflag:s20] =	ssyncset.done $0x0  }
0x4f: {  	s31 =	simm.s32 $0x1480;
	[sflag:s20] =	ssyncadd.s32 $0xFFFFC000  }
0x50: {  	[spmem:s2] =	stream.indirect.scatter.add.f32 [tilespmem:s19], [sflag:$0x3], $0x80, s31, s18, $0xb8;
	[tilespmem:$0x1E800] =	vst v63  }
0x51: {  	_ =	swait.ge [sflag:s14], $0x4000  }
0x52: {  	[sflag:s14] =	ssyncset.done $0x0  }
0x53: {  	s26 =	simm.s32 $0x400;
	s28 =	simm.s32 $0x180;
	[sflag:s14] =	ssyncadd.s32 $0xFFFFC000  }
.LBB2_4:
0x54: {  	[tilespmem:s19], [sflag:$0x2] =	stream.indirect.gather [hbm4b:s4+s18], $0x80, s28, s18, $0xb8;
	[tilespmem:$0x1E800] =	vst v63  }
0x55: {  	s28 =	smov.u32 s26  }
0x56: {  	p0 =	sne.s32 s26, $0x4800;
	s26 =	sadd.s32 $0x400, s26;
	_ =	swait.ge [sflag:s17], $0x4000  }
0x57: {  	s28 =	sshra.s32 s28, $0x2;
	[sflag:s17] =	ssyncset.done $0x0  }
0x58: {  	s29 =	sadd.s32 $0x1400, s28;
	[sflag:s17] =	ssyncadd.s32 $0xFFFFC000  }
0x59: {  	[spmem:s2] =	stream.indirect.scatter.add.f32 [tilespmem:s16], [sflag:$0x3], $0x80, s29, s18, $0xb8;
	[tilespmem:$0x1E800] =	vst v63  }
0x5a: {  	_ =	swait.ge [sflag:s14], $0x4000  }
0x5b: {  	[sflag:s14] =	ssyncset.done $0x0  }
0x5c: {  	s29 =	sadd.s32 $0x100, s28;
	[sflag:s14] =	ssyncadd.s32 $0xFFFFC000  }
0x5d: {  	[tilespmem:s16], [sflag:$0x1] =	stream.indirect.gather [hbm4b:s4+s18], $0x80, s29, s18, $0xb8;
	[tilespmem:$0x1E800] =	vst v63  }
0x5e: {  	_ =	swait.ge [sflag:s20], $0x4000  }
0x5f: {  	[sflag:s20] =	ssyncset.done $0x0  }
.Ltmp1:
0x60: {  	s29 =	sadd.s32 $0x1480, s28;
	[sflag:s20] =	ssyncadd.s32 $0xFFFFC000;
	(pc) =	sbr.rel @p0 .LBB2_4-.Ltmp1, $4  }
0x61: {  	[spmem:s2] =	stream.indirect.scatter.add.f32 [tilespmem:s19], [sflag:$0x3], $0x80, s29, s18, $0xb8;
	[tilespmem:$0x1E800] =	vst v63  }
0x62: {  	_ =	swait.ge [sflag:s14], $0x4000  }
0x63: {  	[sflag:s14] =	ssyncset.done $0x0  }
0x64: {  	s28 =	sadd.s32 $0x180, s28;
	[sflag:s14] =	ssyncadd.s32 $0xFFFFC000  }
0x65: {  	[tilespmem:s19], [sflag:$0x2] =	stream.indirect.gather [hbm4b:s4+s18], $0x80, s28, s18, $0xb8;
	[tilespmem:$0x1E800] =	vst v63  }
0x66: {  	_ =	swait.ge [sflag:s17], $0x4000  }
0x67: {  	[sflag:s17] =	ssyncset.done $0x0  }
0x68: {  	[sflag:s17] =	ssyncadd.s32 $0xFFFFC000  }
0x69: {  	[spmem:s2] =	stream.indirect.scatter.add.f32 [tilespmem:s16], [sflag:$0x3], $0x80, s21, s18, $0xb8;
	[tilespmem:$0x1E800] =	vst v63  }
0x6a: {  	_ =	swait.ge [sflag:s14], $0x4000  }
0x6b: {  	[sflag:s14] =	ssyncset.done $0x0  }
0x6c: {  	[sflag:s14] =	ssyncadd.s32 $0xFFFFC000  }
0x6d: {  	_ =	swait.ge [sflag:s20], $0x4000  }
0x6e: {  	[sflag:s20] =	ssyncset.done $0x0  }
0x6f: {  	[sflag:s20] =	ssyncadd.s32 $0xFFFFC000  }
0x70: {  	[spmem:s2] =	stream.indirect.scatter.add.f32 [tilespmem:s19], [sflag:$0x3], $0x80, s22, s18, $0xb8;
	[tilespmem:$0x1E800] =	vst v63  }
0x71: {  	_ =	swait.ge [sflag:s14], $0x4000  }
0x72: {  	s25 =	sadd.s32 $0x1, s25;
	[sflag:s14] =	ssyncset.done $0x0  }
0x73: {  	p0 =	sne.s32 s25, s13;
	[sflag:s14] =	ssyncadd.s32 $0xFFFFC000  }
.Ltmp2:
0x74: {  	[bflag:$0x0] =	sbarrier.arrive $0xFFFF;
	(pc) =	sbr.rel @p0 .LBB2_1-.Ltmp2, $4  }
0x75: {  	[hbm:s12], [sflag:s23] =	dma.local [spmem:s24], $0x2800  }
0x76: {  	_ =	swait.ge [sflag:s14], $0x2800  }
0x77: {  	[sflag:s14] =	ssyncset.done $0x0  }
0x78: {  	[sflag:s14] =	ssyncadd.s32 $0xFFFFD800  }
0x79: {  	_ =	sfence.sel $0x180000  }
0x7a: {  	[bflag:$0x0] =	sbarrier.arrive $0xFFFF  }
0x7b: {  	p0 =	sne.s32 s0, $0x0;
	_ =	strace $0x9000004D  }
0x7c: {  	s0 =	sadd.s32 @!p0 $0x100000, s1;
	[bflag:$0x2] =	sbarrier.arrive $0xFFFF  }
0x7d: {  	[sflag:s0] =	ssyncadd.tile.s32 @!p0 $0x1;
	_ =	shalt  }
.Lfunc_end2:
_tile_overlayer_lowered:
.L_overlay_start_2:
0x7e: {  	(tag) =	ssettag $0x2  }
0x7f: {  	s0 =	rddreg [dreg:$0x0];
	s2 =	stileid.u32  }
0x80: {  	s1 =	rddreg [dreg:$0x1];
	p0 =	sne.s32 s2, $0x0  }
0x81: {  	s3 =	rddreg [dreg:$0x2];
	[bflag:$0x3] =	sbarrier.arrive $0xFFFF;
	s2 =	simm.s32 @!p0 $0x1C03  }
0x82: {  	[timem:s3], [sflag:s2] =	dma.local @!p0 [hbm:s0], s1  }
0x83: {  	s0 =	simm.s32 @!p0 $0x3  }
0x84: {  	_ =	swait.ge @!p0 [sflag:s0], s1  }
0x85: {  	s1 =	ssub.s32 @!p0 $0x0, s1;
	[sflag:s0] =	ssyncset.done @!p0 $0x0  }
0x86: {  	[sflag:s0] =	ssyncadd.s32 @!p0 s1  }
0x87: {  	[bflag:$0x3] =	sbarrier.arrive $0xFFFF  }
0x88: {  	_ =	shalt  }

// kernel: kernel.20.cloned.1.call-start
scs
__scs_entry_jumppad:
0x0: {  	(pc) =	sbr.rel $0x88, $3  }
0x1: {  	(tag) =	ssettag $0x0;
	lr =	simm.s32 $0x1  }
0x2: {  	[smem:$0x3F91] =	sst lr;
	_ =	strace $0xD0000000  }
0x3: {  	_ = 	snop  }
0x4: {  	_ = 	snop  }
0x5: {  	_ = 	snop  }
0x6: {  	_ = 	snop  }
0x7: {  	_ = 	snop  }
__scs_overlays_trampoline_lowered:
0x8: {  	[smem:$0x3FA0] =	sst s0  }
0x9: {  	[smem:$0x3FA1] =	sst s1  }
0xa: {  	[smem:$0x3FA2] =	sst s2  }
0xb: {  	[smem:$0x3FA3] =	sst s3  }
0xc: {  	[smem:$0x3FA4] =	sst s4  }
0xd: {  	[smem:$0x3FA5] =	sst s5  }
0xe: {  	[smem:$0x3FA6] =	sst s6  }
0xf: {  	[smem:$0x3FA7] =	sst s7  }
0x10: {  	[smem:$0x3FA8] =	sst s8  }
0x11: {  	[smem:$0x3FA9] =	sst s9;
	s0 =	simm.s32 @!p0 $0x0  }
0x12: {  	s1 =	sld [smem:$0x3F8F];
	s0 =	simm.s32 @p0 $0x1  }
0x13: {  	[smem:$0x3FAA] =	sst s0;
	s0 =	simm.s32 @!p1 $0x0  }
0x14: {  	s2 =	sld [smem:$0x3F8E];
	s0 =	simm.s32 @p1 $0x1  }
0x15: {  	[smem:$0x3FAB] =	sst s0;
	s0 =	simm.s32 @!p2 $0x0  }
0x16: {  	s3 =	sld [smem:$0x3FDB];
	s0 =	simm.s32 @p2 $0x1  }
0x17: {  	s4 =	simm.s32 $0x1BF5;
	[smem:$0x3FAD] =	sst s0  }
0x18: {  	s0 =	sld [smem:$0x3F90];
	_ =	swait.ge [sflag:s4], $0x0  }
0x19: {  	s7 =	sld [smem:$0x3F91]  }
0x1a: {  	s8 =	sadd.s32 $0xFFFFE003, lr  }
0x1b: {  	s9 =	sadd.s32 $0xFFFFFEF7, lr;
	s5 =	simm.s32 $0xFFFFFFFF;
	p2 =	slt.u32 s8, $0xFFFFF086  }
0x1c: {  	p1 =	slt.u32 s9, $0xF7A;
	s5 =	simm.s32 @!p2 $0x0  }
0x1d: {  	s5 =	simm.s32 @p1 $0x1;
	p0 =	seq.s32 s7, s2  }
0x1e: {  	s7 =	smul.u32 @!p0 $0xF7A, s2;
	p2 =	seq.s32 @!p0 s5, $0x0  }
0x1f: {  	s9 =	smul.u32 $0xF7A, s1;
	s8 =	simm.s32 @!p0 $0x1BF5;
	p2 =	por !p2, p0  }
0x20: {  	[sflag:s8] =	ssyncset.s32 @!p0 $0xFFFFF086;
	s6 =	sadd.s32 @!p0 s3, s7;
	s7 =	simm.s32 @!p0 $0x108  }
0x21: {  	s3 =	sadd.s32 s3, s9;
	s6 =	sadd.s32 @!p0 $0x88, s6;
	s7 =	simm.s32 @p2 $0x1082  }
0x22: {  	[simem:s7], [sflag:s8] =	dma.local @!p0 [hbm:s6], $0xF7A  }
0x23: {  	s9 =	sor.u32 $0xD0000000, s2;
	s6 =	simm.s32 $0x108;
	_ =	swait.ge @!p0 [sflag:s8], $0x0  }
0x24: {  	s3 =	sadd.s32 $0x88, s3;
	s6 =	simm.s32 @!p1 $0x1082;
	[sflag:s4] =	ssyncset.s32 $0xFFFFF086  }
0x25: {  	[simem:s6], [sflag:s4] =	dma.local [hbm:s3], $0xF7A  }
0x26: {  	[smem:$0x3F91] =	sst s1;
	(tag) =	ssettag s2;
	_ =	strace s9  }
0x27: {  	s1 =	sld [smem:$0x3FA1]  }
0x28: {  	s2 =	sld [smem:$0x3FA2]  }
0x29: {  	s4 =	sld [smem:$0x3FA4]  }
0x2a: {  	p0 =	seq.s32 s5, $0x0;
	s5 =	sld [smem:$0x3FA5]  }
0x2b: {  	s6 =	sld [smem:$0x3FA6]  }
0x2c: {  	s7 =	sld [smem:$0x3FA7]  }
0x2d: {  	s3 =	simm.s32 $0x108;
	s8 =	sld [smem:$0x3FA8]  }
0x2e: {  	s3 =	simm.s32 @!p0 $0x1082;
	s9 =	sld [smem:$0x3FA9]  }
0x2f: {  	lr =	sadd.s32 s0, s3;
	s0 =	sld [smem:$0x3FA0]  }
0x30: {  	s3 =	sld [smem:$0x3FA3]  }
0x31: {  	[smem:$0x3FAC] =	sst s10  }
0x32: {  	s10 =	sld [smem:$0x3FAA];
	_ =	sdelay $0x3  }
0x33: {  	p0 =	seq.s32 s10, $0x1;
	s10 =	sld [smem:$0x3FAC];
	_ =	sdelay $0x3  }
0x34: {  	[smem:$0x3FAC] =	sst s10  }
0x35: {  	s10 =	sld [smem:$0x3FAB];
	_ =	sdelay $0x3  }
0x36: {  	p1 =	seq.s32 s10, $0x1;
	s10 =	sld [smem:$0x3FAC];
	_ =	sdelay $0x3  }
0x37: {  	[smem:$0x3FAC] =	sst s10  }
0x38: {  	s10 =	sld [smem:$0x3FAD]  }
0x39: {  	_ = 	snop;
	(pc) =	sbr.ind lr, $3  }
0x3a: {  	_ = 	snop  }
0x3b: {  	_ = 	snop  }
0x3c: {  	p2 =	seq.s32 s10, $0x1;
	s10 =	sld [smem:$0x3FAC]  }
0x3d: {  	_ =	shalt  }
0x3e: {  	_ =	shalt  }
0x3f: {  	_ =	shalt  }
0x40: {  	_ =	shalt  }
0x41: {  	_ =	shalt  }
0x42: {  	_ =	shalt  }
0x43: {  	_ =	shalt  }
0x44: {  	_ =	shalt  }
0x45: {  	_ =	shalt  }
0x46: {  	_ =	shalt  }
0x47: {  	_ =	shalt  }
0x48: {  	_ =	shalt  }
0x49: {  	_ =	shalt  }
0x4a: {  	_ =	shalt  }
0x4b: {  	_ =	shalt  }
0x4c: {  	_ =	shalt  }
0x4d: {  	_ =	shalt  }
0x4e: {  	_ =	shalt  }
0x4f: {  	_ =	shalt  }
0x50: {  	_ =	shalt  }
0x51: {  	_ =	shalt  }
0x52: {  	_ =	shalt  }
0x53: {  	_ =	shalt  }
0x54: {  	_ =	shalt  }
0x55: {  	_ =	shalt  }
0x56: {  	_ =	shalt  }
0x57: {  	_ =	shalt  }
0x58: {  	_ =	shalt  }
0x59: {  	_ =	shalt  }
0x5a: {  	_ =	shalt  }
0x5b: {  	_ =	shalt  }
0x5c: {  	_ =	shalt  }
0x5d: {  	_ =	shalt  }
0x5e: {  	_ =	shalt  }
0x5f: {  	_ =	shalt  }
0x60: {  	_ =	shalt  }
0x61: {  	_ =	shalt  }
0x62: {  	_ =	shalt  }
0x63: {  	_ =	shalt  }
0x64: {  	_ =	shalt  }
0x65: {  	_ =	shalt  }
0x66: {  	_ =	shalt  }
0x67: {  	_ =	shalt  }
0x68: {  	_ =	shalt  }
0x69: {  	_ =	shalt  }
0x6a: {  	_ =	shalt  }
0x6b: {  	_ =	shalt  }
0x6c: {  	_ =	shalt  }
0x6d: {  	_ =	shalt  }
0x6e: {  	_ =	shalt  }
0x6f: {  	_ =	shalt  }
0x70: {  	_ =	shalt  }
0x71: {  	_ =	shalt  }
0x72: {  	_ =	shalt  }
0x73: {  	_ =	shalt  }
0x74: {  	_ =	shalt  }
0x75: {  	_ =	shalt  }
0x76: {  	_ =	shalt  }
0x77: {  	_ =	shalt  }
0x78: {  	_ =	shalt  }
0x79: {  	_ =	shalt  }
0x7a: {  	_ =	shalt  }
0x7b: {  	_ =	shalt  }
0x7c: {  	_ =	shalt  }
0x7d: {  	_ =	shalt  }
0x7e: {  	_ =	shalt  }
0x7f: {  	_ =	shalt  }
0x80: {  	_ =	shalt  }
0x81: {  	_ =	shalt  }
0x82: {  	_ =	shalt  }
0x83: {  	_ =	shalt  }
0x84: {  	_ =	shalt  }
0x85: {  	_ =	shalt  }
0x86: {  	_ =	shalt  }
0x87: {  	_ =	shalt  }
.Lfunc_end0:
.L_simem_size_0:
called_computation.3_lowered:
.L_overlay_start_0:
0x88: {  	s2 =	sld [smem:$0x3FD9]  }
0x89: {  	s3 =	sld [smem:$0x3FFE];
	_ =	sdelay $0x1  }
0x8a: {  	s1 =	srdreg.scid  }
0x8b: {  	s0 =	sand.u32 $0x1, s1  }
0x8c: {  	s16 =	sshll.u32 s0, $0xA;
	s2 =	sadd.s32 s3, s2  }
0x8d: {  	s2 =	sadd.s32 s2, s16  }
0x8e: {  	[smem:$0x3FB8] =	sst s2  }
0x8f: {  	_ = 	snop  }
0x90: {  	(tm) =	ssettm $0x1  }
0x91: {  	s17 =	sld [smem:$0x3FFB];
	_ =	sdelay $0x3  }
0x92: {  	_ =	strace s17  }
0x93: {  	s2 =	sld [smem:$0x3FFC];
	_ =	sdelay $0x3  }
0x94: {  	_ =	strace s2  }
0x95: {  	s2 =	sld [smem:$0x3FFD];
	_ =	sdelay $0x3  }
0x96: {  	_ =	strace s2  }
0x97: {  	_ =	strace $0x8FFFFFFF  }
0x98: {  	s18 =	sld [smem:$0x3FDB];
	_ =	sdelay $0x1  }
0x99: {  	s19 =	simm.s32 $_scs_section_size  }
0x9a: {  	s4 =	simm.s32 $_size__tile_overlayer_lowered;
	s5 =	simm.s32 $_tile_overlayer_lowered  }
0x9b: {  	s22 =	simm.s32 $0x1BFF;
	s21 =	sshll.u32 s5, $0x1;
	s2 =	sadd.s32 s19, s18  }
0x9c: {  	s6 =	simm.s32 $0x0;
	s20 =	sshll.u32 s4, $0x1;
	s4 =	sadd.s32 s21, s2  }
0x9d: {  	[timem:s6], [sflag:s22] =	dma.local [hbm:s4], s20  }
0x9e: {  	_ =	swait.ge [sflag:s22], s20  }
0x9f: {  	s3 =	ssub.s32 $0x0, s20;
	[sflag:s22] =	ssyncset.done $0x0  }
0xa0: {  	[sflag:s22] =	ssyncadd.s32 s3;
	_ =	sdelay $0x1  }
0xa1: {  	s23 =	simm.s32 $0x1B8B  }
0xa2: {  	_ =	swait.ge [sflag:s23], $0x1  }
0xa3: {  	[sflag:s23] =	ssyncset.done $0x0  }
0xa4: {  	s25 =	simm.s32 $0x1B8E;
	s24 =	sld [smem:$0x3FFE];
	[sflag:s23] =	ssyncadd.s32 $0xFFFFFFFF  }
0xa5: {  	s26 =	simm.s32 $execute0_lowered;
	[smem:$0x3FD2] =	sst s25  }
0xa6: {  	s4 =	sshll.u32 s26, $0x1;
	_ =	strace $0x8000004F;
	[dreg:$0x1] =	wrdreg $0xFFFFFFFF  }
0xa7: {  	s28 =	simm.s32 $_size_execute0_lowered;
	s2 =	sadd.s32 s2, s4;
	[dreg:$0x0] =	wrdreg $0x0  }
0xa8: {  	s4 =	sshll.u32 s28, $0x1;
	[dreg:$0x2] =	wrdreg s2  }
0xa9: {  	[dreg:$0x3] =	wrdreg s4  }
0xaa: {  	[dreg:$0x4] =	wrdreg $0xC0  }
0xab: {  	_ =	task [dreg:s6], $0x5FFFF  }
0xac: {  	[dreg:$0x1] =	wrdreg $0xFFFFFFFF  }
0xad: {  	[dreg:$0x0] =	wrdreg $0x60  }
0xae: {  	[dreg:$0x2] =	wrdreg s24  }
0xaf: {  	[dreg:$0x3] =	wrdreg $0xA8000  }
0xb0: {  	[dreg:$0x4] =	wrdreg $0x9  }
0xb1: {  	_ =	task.clear_ibuf [dreg:s6], $0x5FFFF;
	_ =	strace $0x9000004F  }
0xb2: {  	s29 =	simm.s32 $0x9;
	_ =	strace $0x80000051  }
0xb3: {  	_ =	swait.ge [sflag:s29], $0x1  }
0xb4: {  	[sflag:s29] =	ssyncadd.s32 $0xFFFFFFFF  }
0xb5: {  	_ =	strace $0x90000051  }
0xb6: {  	_ =	sfence  }
0xb7: {  	s30 =	sld [smem:$0x0];
	_ =	sdelay $0x2  }
0xb8: {  	s31 =	sshll.u32 s1, $0xD;
	s1 =	sshrl.u32 s1, $0x2  }
0xb9: {  	s3 =	sand.u32 $0x4000, s31;
	s1 =	sadd.s32 s1, s30  }
0xba: {  	s0 =	sor.u32 s3, s0;
	s1 =	sshll.u32 s1, $0x11  }
0xbb: {  	s0 =	sor.u32 s1, s0  }
0xbc: {  	s0 =	sadd.s32 $0x8F2B, s0  }
0xbd: {  	[sflag:s0] =	ssyncadd.remote.s32 $0x1  }
0xbe: {  	_ =	sfence.sel $0xFFFF  }
0xbf: {  	[dreg:$0x0] =	wrdreg $0xFFFFFFFF;
	(pc) =	sbr.abs _section_cstart, $3  }
0xc0: {  	[dreg:$0x1] =	wrdreg $0xFFFFFFFF  }
0xc1: {  	_ =	task.clear_ibuf [dreg:s6], $0x2FFFF;
	_ =	strace $0x9FFFFFFF  }
0xc2: {  	(tm) =	ssettm $0x7FFFFFFF  }
0xc3: {  	_ =	shalt  }
tec
execute0_lowered:
.L_overlay_start_1:
0x0: {  	(tag) =	ssettag $0x1  }
0x1: {  	s6 =	rddreg [dreg:$0x0]  }
0x2: {  	s0 =	srdreg.scid;
	s2 =	rddreg [dreg:$0x1];
	s3 =	simm.s32 $0x0  }
0x3: {  	s14 =	simm.s32 $0x3;
	s15 =	simm.s32 $0x1400;
	s16 =	simm.s32 $0x2800  }
0x4: {  	s17 =	simm.s32 $0x1;
	s18 =	simm.s32 $0x80;
	s19 =	simm.s32 $0x6800  }
0x5: {  	s20 =	simm.s32 $0x2;
	s21 =	simm.s32 $0x2700;
	s5 =	sand.u32 $0x1, s0  }
0x6: {  	s22 =	simm.s32 $0x2780;
	s0 =	stileid.u32;
	s8 =	smul.u32 $0x140000, s5  }
0x7: {  	s25 =	simm.s32 $0x0;
	[smem:$0x7FF] =	sst s3;
	s9 =	smul.u32 $0x14000, s0  }
0x8: {  	s4 =	sadd.s32 $0x9800, s6;
	s1 =	sshll.u32 s5, $0x4;
	s10 =	smul.u32 $0x50000, s0  }
0x9: {  	s5 =	ssub.s32 $0x2, s5;
	s23 =	sshll.u32 s0, $0x6;
	s1 =	sor.u32 s0, s1  }
0xa: {  	s31 =	sshrl.u32 s5, $0x1;
	s23 =	sor.u32 $0x1C03, s23;
	s7 =	smul.u32 $0x280, s1  }
0xb: {  	s1 =	rddreg [dreg:$0x2];
	_ =	strace $0x80000050;
	s8 =	sadd.s32 s9, s8  }
0xc: {  	s10 =	sshrl.u32 s10, $0x2;
	s13 =	ssub.s32 s5, s31;
	s8 =	sshrl.u32 s8, $0x3  }
0xd: {  	s5 =	sadd.s32 s10, s2;
	s13 =	smax.u32 s13, $0x1;
	s7 =	sadd.s32 s7, s6  }
0xe: {  	s12 =	sadd.s32 s8, s6;
	s8 =	sadd.s32 $0x4000, s5;
	s9 =	sadd.s32 $0x8000, s5  }
0xf: {  	s10 =	sadd.s32 $0xC000, s5;
	s11 =	sadd.s32 $0x10000, s5;
	s24 =	sshrl.u32 s5, $0x3  }
0x10: {  	v0 =	vimm.f32 $0.0e+00;
	s6 =	sadd.s32 $0x121E00, s7;
	s7 =	sadd.s32 $0x4800, s7;
	s12 =	sadd.s32 $0x30A00, s12  }
.LBB2_1:
0x11: {  	[tilespmem:s3], [sflag:$0x3] =	stream.linear.gather [hbm4b:s6+s3], $0x1400, $0x38;
	[tilespmem:$0x1E800] =	vst v63  }
0x12: {  	_ =	swait.ge [sflag:s14], $0x1400  }
0x13: {  	[sflag:s14] =	ssyncset.done $0x0  }
0x14: {  	[sflag:s14] =	ssyncadd.s32 $0xFFFFEC00  }
0x15: {  	[tilespmem:s15], [sflag:$0x3] =	stream.linear.gather [hbm4b:s7+s3], $0x1400, $0x38;
	[tilespmem:$0x1E800] =	vst v63  }
0x16: {  	_ =	swait.ge [sflag:s14], $0x1400  }
0x17: {  	[sflag:s14] =	ssyncset.done $0x0  }
0x18: {  	s26 =	simm.s32 $0x0;
	s28 =	simm.s32 $0x200;
	[sflag:s14] =	ssyncadd.s32 $0xFFFFEC00  }
.LBB2_2:
0x19: {  	p0 =	sne.s32 s28, $0xFE00;
	[tilespmem:s26+$0x2870] =	vst v0  }
0x1a: {  	[tilespmem:s26+$0x2800] =	vst v0  }
0x1b: {  	[tilespmem:s26+$0x2810] =	vst v0  }
.Ltmp0:
0x1c: {  	[tilespmem:s26+$0x2820] =	vst v0;
	(pc) =	sbr.rel @p0 .LBB2_2-.Ltmp0, $4  }
0x1d: {  	[tilespmem:s26+$0x2830] =	vst v0  }
0x1e: {  	[tilespmem:s26+$0x2840] =	vst v0  }
0x1f: {  	[tilespmem:s26+$0x2850] =	vst v0  }
0x20: {  	[tilespmem:s26+$0x2860] =	vst v0;
	s26 =	sshra.s32 s28, $0x2;
	s28 =	sadd.s32 $0x200, s28  }
0x21: {  	[tilespmem:s26+$0x2870] =	vst v0  }
0x22: {  	[tilespmem:s26+$0x2800] =	vst v0  }
0x23: {  	[tilespmem:s26+$0x2810] =	vst v0  }
0x24: {  	[tilespmem:s26+$0x2820] =	vst v0  }
0x25: {  	[tilespmem:s26+$0x2830] =	vst v0  }
0x26: {  	[tilespmem:s26+$0x2840] =	vst v0  }
0x27: {  	[tilespmem:s26+$0x2850] =	vst v0  }
0x28: {  	[tilespmem:s26+$0x2860] =	vst v0  }
0x29: {  	[spmem:s5] =	stream.linear.scatter [tilespmem:s16], [sflag:$0x1], $0x4000, $0x38;
	[tilespmem:$0x1E800] =	vst v63  }
0x2a: {  	_ = 	snop  }
0x2b: {  	[spmem:s8] =	stream.linear.scatter [tilespmem:s16], [sflag:$0x1], $0x4000, $0x38;
	[tilespmem:$0x1E800] =	vst v63  }
0x2c: {  	_ = 	snop  }
0x2d: {  	[spmem:s9] =	stream.linear.scatter [tilespmem:s16], [sflag:$0x1], $0x4000, $0x38;
	[tilespmem:$0x1E800] =	vst v63  }
0x2e: {  	_ = 	snop  }
0x2f: {  	[spmem:s10] =	stream.linear.scatter [tilespmem:s16], [sflag:$0x1], $0x4000, $0x38;
	[tilespmem:$0x1E800] =	vst v63  }
0x30: {  	_ = 	snop  }
0x31: {  	[spmem:s11] =	stream.linear.scatter [tilespmem:s16], [sflag:$0x1], $0x4000, $0x38;
	[tilespmem:$0x1E800] =	vst v63  }
0x32: {  	_ =	swait.ge [sflag:s17], $0x4000  }
0x33: {  	[sflag:s17] =	ssyncset.done $0x0  }
0x34: {  	[sflag:s17] =	ssyncadd.s32 $0xFFFFC000  }
0x35: {  	_ =	swait.ge [sflag:s17], $0x4000  }
0x36: {  	[sflag:s17] =	ssyncset.done $0x0  }
0x37: {  	[sflag:s17] =	ssyncadd.s32 $0xFFFFC000  }
0x38: {  	_ =	swait.ge [sflag:s17], $0x4000  }
0x39: {  	[sflag:s17] =	ssyncset.done $0x0  }
0x3a: {  	[sflag:s17] =	ssyncadd.s32 $0xFFFFC000  }
0x3b: {  	_ =	swait.ge [sflag:s17], $0x4000  }
0x3c: {  	[sflag:s17] =	ssyncset.done $0x0  }
0x3d: {  	[sflag:s17] =	ssyncadd.s32 $0xFFFFC000  }
0x3e: {  	_ =	swait.ge [sflag:s17], $0x4000  }
0x3f: {  	[sflag:s17] =	ssyncset.done $0x0  }
0x40: {  	s31 =	simm.s32 $0x0;
	[sflag:s17] =	ssyncadd.s32 $0xFFFFC000  }
0x41: {  	[tilespmem:s16], [sflag:$0x1] =	stream.indirect.gather [hbm4b:s4+s18], $0x80, s31, s18, $0xb8;
	[tilespmem:$0x1E800] =	vst v63  }
0x42: {  	_ = 	snop  }
0x43: {  	[tilespmem:s19], [sflag:$0x2] =	stream.indirect.gather [hbm4b:s4+s18], $0x80, s18, s18, $0xb8;
	[tilespmem:$0x1E800] =	vst v63  }
0x44: {  	[bflag:$0x0] =	sbarrier.arrive $0xFFFF  }
0x45: {  	_ =	swait.ge [sflag:s17], $0x4000  }
0x46: {  	[sflag:s17] =	ssyncset.done $0x0  }
0x47: {  	s29 =	simm.s32 $0x1400;
	[sflag:s17] =	ssyncadd.s32 $0xFFFFC000  }
0x48: {  	[spmem:s2] =	stream.indirect.scatter.add.f32 [tilespmem:s16], [sflag:$0x3], $0x80, s29, s18, $0xb8;
	[tilespmem:$0x1E800] =	vst v63  }
0x49: {  	_ =	swait.ge [sflag:s14], $0x4000  }
0x4a: {  	[sflag:s14] =	ssyncset.done $0x0  }
0x4b: {  	s30 =	simm.s32 $0x100;
	[sflag:s14] =	ssyncadd.s32 $0xFFFFC000  }
0x4c: {  	[tilespmem:s16], [sflag:$0x1] =	stream.indirect.gather [hbm4b:s4+s18], $0x80, s30, s18, $0xb8;
	[tilespmem:$0x1E800] =	vst v63  }
0x4d: {  	_ =	swait.ge [sflag:s20], $0x4000  }
0x4e: {  	[sflag:s20] =	ssyncset.done $0x0  }
0x4f: {  	s31 =	simm.s32 $0x1480;
	[sflag:s20] =	ssyncadd.s32 $0xFFFFC000  }
0x50: {  	[spmem:s2] =	stream.indirect.scatter.add.f32 [tilespmem:s19], [sflag:$0x3], $0x80, s31, s18, $0xb8;
	[tilespmem:$0x1E800] =	vst v63  }
0x51: {  	_ =	swait.ge [sflag:s14], $0x4000  }
0x52: {  	[sflag:s14] =	ssyncset.done $0x0  }
0x53: {  	s26 =	simm.s32 $0x400;
	s28 =	simm.s32 $0x180;
	[sflag:s14] =	ssyncadd.s32 $0xFFFFC000  }
.LBB2_4:
0x54: {  	[tilespmem:s19], [sflag:$0x2] =	stream.indirect.gather [hbm4b:s4+s18], $0x80, s28, s18, $0xb8;
	[tilespmem:$0x1E800] =	vst v63  }
0x55: {  	s28 =	smov.u32 s26  }
0x56: {  	p0 =	sne.s32 s26, $0x4800;
	s26 =	sadd.s32 $0x400, s26;
	_ =	swait.ge [sflag:s17], $0x4000  }
0x57: {  	s28 =	sshra.s32 s28, $0x2;
	[sflag:s17] =	ssyncset.done $0x0  }
0x58: {  	s29 =	sadd.s32 $0x1400, s28;
	[sflag:s17] =	ssyncadd.s32 $0xFFFFC000  }
0x59: {  	[spmem:s2] =	stream.indirect.scatter.add.f32 [tilespmem:s16], [sflag:$0x3], $0x80, s29, s18, $0xb8;
	[tilespmem:$0x1E800] =	vst v63  }
0x5a: {  	_ =	swait.ge [sflag:s14], $0x4000  }
0x5b: {  	[sflag:s14] =	ssyncset.done $0x0  }
0x5c: {  	s29 =	sadd.s32 $0x100, s28;
	[sflag:s14] =	ssyncadd.s32 $0xFFFFC000  }
0x5d: {  	[tilespmem:s16], [sflag:$0x1] =	stream.indirect.gather [hbm4b:s4+s18], $0x80, s29, s18, $0xb8;
	[tilespmem:$0x1E800] =	vst v63  }
0x5e: {  	_ =	swait.ge [sflag:s20], $0x4000  }
0x5f: {  	[sflag:s20] =	ssyncset.done $0x0  }
.Ltmp1:
0x60: {  	s29 =	sadd.s32 $0x1480, s28;
	[sflag:s20] =	ssyncadd.s32 $0xFFFFC000;
	(pc) =	sbr.rel @p0 .LBB2_4-.Ltmp1, $4  }
0x61: {  	[spmem:s2] =	stream.indirect.scatter.add.f32 [tilespmem:s19], [sflag:$0x3], $0x80, s29, s18, $0xb8;
	[tilespmem:$0x1E800] =	vst v63  }
0x62: {  	_ =	swait.ge [sflag:s14], $0x4000  }
0x63: {  	[sflag:s14] =	ssyncset.done $0x0  }
0x64: {  	s28 =	sadd.s32 $0x180, s28;
	[sflag:s14] =	ssyncadd.s32 $0xFFFFC000  }
0x65: {  	[tilespmem:s19], [sflag:$0x2] =	stream.indirect.gather [hbm4b:s4+s18], $0x80, s28, s18, $0xb8;
	[tilespmem:$0x1E800] =	vst v63  }
0x66: {  	_ =	swait.ge [sflag:s17], $0x4000  }
0x67: {  	[sflag:s17] =	ssyncset.done $0x0  }
0x68: {  	[sflag:s17] =	ssyncadd.s32 $0xFFFFC000  }
0x69: {  	[spmem:s2] =	stream.indirect.scatter.add.f32 [tilespmem:s16], [sflag:$0x3], $0x80, s21, s18, $0xb8;
	[tilespmem:$0x1E800] =	vst v63  }
0x6a: {  	_ =	swait.ge [sflag:s14], $0x4000  }
0x6b: {  	[sflag:s14] =	ssyncset.done $0x0  }
0x6c: {  	[sflag:s14] =	ssyncadd.s32 $0xFFFFC000  }
0x6d: {  	_ =	swait.ge [sflag:s20], $0x4000  }
0x6e: {  	[sflag:s20] =	ssyncset.done $0x0  }
0x6f: {  	[sflag:s20] =	ssyncadd.s32 $0xFFFFC000  }
0x70: {  	[spmem:s2] =	stream.indirect.scatter.add.f32 [tilespmem:s19], [sflag:$0x3], $0x80, s22, s18, $0xb8;
	[tilespmem:$0x1E800] =	vst v63  }
0x71: {  	_ =	swait.ge [sflag:s14], $0x4000  }
0x72: {  	s25 =	sadd.s32 $0x1, s25;
	[sflag:s14] =	ssyncset.done $0x0  }
0x73: {  	p0 =	sne.s32 s25, s13;
	[sflag:s14] =	ssyncadd.s32 $0xFFFFC000  }
.Ltmp2:
0x74: {  	[bflag:$0x0] =	sbarrier.arrive $0xFFFF;
	(pc) =	sbr.rel @p0 .LBB2_1-.Ltmp2, $4  }
0x75: {  	[hbm:s12], [sflag:s23] =	dma.local [spmem:s24], $0x2800  }
0x76: {  	_ =	swait.ge [sflag:s14], $0x2800  }
0x77: {  	[sflag:s14] =	ssyncset.done $0x0  }
0x78: {  	[sflag:s14] =	ssyncadd.s32 $0xFFFFD800  }
0x79: {  	_ =	sfence.sel $0x180000  }
0x7a: {  	[bflag:$0x0] =	sbarrier.arrive $0xFFFF  }
0x7b: {  	p0 =	sne.s32 s0, $0x0;
	_ =	strace $0x90000050  }
0x7c: {  	s0 =	sadd.s32 @!p0 $0x100000, s1;
	[bflag:$0x2] =	sbarrier.arrive $0xFFFF  }
0x7d: {  	[sflag:s0] =	ssyncadd.tile.s32 @!p0 $0x1;
	_ =	shalt  }
.Lfunc_end2:
_tile_overlayer_lowered:
.L_overlay_start_2:
0x7e: {  	(tag) =	ssettag $0x2  }
0x7f: {  	s0 =	rddreg [dreg:$0x0];
	s2 =	stileid.u32  }
0x80: {  	s1 =	rddreg [dreg:$0x1];
	p0 =	sne.s32 s2, $0x0  }
0x81: {  	s3 =	rddreg [dreg:$0x2];
	[bflag:$0x3] =	sbarrier.arrive $0xFFFF;
	s2 =	simm.s32 @!p0 $0x1C03  }
0x82: {  	[timem:s3], [sflag:s2] =	dma.local @!p0 [hbm:s0], s1  }
0x83: {  	s0 =	simm.s32 @!p0 $0x3  }
0x84: {  	_ =	swait.ge @!p0 [sflag:s0], s1  }
0x85: {  	s1 =	ssub.s32 @!p0 $0x0, s1;
	[sflag:s0] =	ssyncset.done @!p0 $0x0  }
0x86: {  	[sflag:s0] =	ssyncadd.s32 @!p0 s1  }
0x87: {  	[bflag:$0x3] =	sbarrier.arrive $0xFFFF  }
0x88: {  	_ =	shalt  }

</sc_bundles>
